<compile_context>
chip_gen: v7x
topology: tpu7x:2x2x1
jax: 0.10.2.dev20260603
libtpu: 0.0.44.dev20260713+nightly
codegen_flags: <defaults>
</compile_context>

<pallas_src>
import dataclasses
import functools

import jax
import jax.numpy as jnp
from jax import lax
from jax.experimental import pallas as pl
from jax.experimental.pallas import tpu as pltpu
from jax.experimental.pallas import tpu_sc as plsc

N_NODES = 10000
D = 128
NC = 2
NS = 16
NW = NC * NS
UNIT = 128
LANES = 16
CHUNK_ROWS = 80
N_CHUNKS = N_NODES // CHUNK_ROWS


DEPTH = 3


def _spmm_partials(HW, row, col, val, units_per_tile):
    n = units_per_tile
    mesh = plsc.VectorSubcoreMesh(core_axis_name="c", subcore_axis_name="s")
    cp = pltpu.CompilerParams()
    if "needs_layout_passes" in pltpu.CompilerParams.__dataclass_fields__:
        cp = dataclasses.replace(cp, needs_layout_passes=False)

    scratch = (
        [pltpu.VMEM((UNIT,), jnp.int32)] * DEPTH
        + [pltpu.VMEM((UNIT,), jnp.int32)] * DEPTH
        + [pltpu.VMEM((UNIT,), jnp.float32)] * DEPTH
        + [pltpu.VMEM((UNIT,), jnp.int32)] * DEPTH
        + [pltpu.VMEM((UNIT, D), jnp.float32)] * DEPTH
        + [pltpu.VMEM_SHARED((N_NODES, D), jnp.float32)]
        + [pltpu.SemaphoreType.DMA] * (3 * DEPTH + 1)
    )

    @functools.partial(
        pl.kernel,
        mesh=mesh,
        compiler_params=cp,
        out_type=jax.ShapeDtypeStruct((NC, N_NODES, D), jnp.float32),
        scratch_types=scratch,
    )
    def spmm(hw_hbm, row_hbm, col_hbm, val_hbm, out_hbm, *sc):
        colv = sc[0:DEPTH]
        rowv = sc[DEPTH:2 * DEPTH]
        valv = sc[2 * DEPTH:3 * DEPTH]
        rowS = sc[3 * DEPTH:4 * DEPTH]
        msgs = sc[4 * DEPTH:5 * DEPTH]
        acc = sc[5 * DEPTH]
        sem_i = sc[5 * DEPTH + 1:5 * DEPTH + 1 + DEPTH]
        sem_g = sc[5 * DEPTH + 1 + DEPTH:5 * DEPTH + 1 + 2 * DEPTH]
        sem_s = sc[5 * DEPTH + 1 + 2 * DEPTH:5 * DEPTH + 1 + 3 * DEPTH]
        sem_z = sc[5 * DEPTH + 1 + 3 * DEPTH]

        c = lax.axis_index("c")
        s = lax.axis_index("s")
        wid = s * NC + c

        def issue_idx(uu, b):
            base = (wid * n + uu) * UNIT
            pltpu.async_copy(col_hbm.at[pl.ds(base, UNIT)], colv[b], sem_i[b])
            pltpu.async_copy(row_hbm.at[pl.ds(base, UNIT)], rowv[b], sem_i[b])
            pltpu.async_copy(val_hbm.at[pl.ds(base, UNIT)], valv[b], sem_i[b])

        def wait_idx(b):
            src = col_hbm.at[pl.ds(0, UNIT)]
            pltpu.make_async_copy(src, colv[b], sem_i[b]).wait()
            pltpu.make_async_copy(src, rowv[b], sem_i[b]).wait()
            vsrc = val_hbm.at[pl.ds(0, UNIT)]
            pltpu.make_async_copy(vsrc, valv[b], sem_i[b]).wait()

        def issue_gather(b):
            pltpu.async_copy(hw_hbm.at[colv[b]], msgs[b], sem_g[b])

        def wait_gather(b):
            pltpu.make_async_copy(hw_hbm.at[colv[b]], msgs[b],
                                  sem_g[b]).wait()

        def issue_scatter(b):
            for j in range(UNIT // LANES):
                sl = pl.ds(j * LANES, LANES)
                rowS[b][sl] = rowv[b][sl]
            pltpu.async_copy(msgs[b], acc.at[rowS[b]], sem_s[b], add=True)

        def wait_scatter(b):
            pltpu.make_async_copy(msgs[b], acc.at[rowS[b]], sem_s[b]).wait()

        def scale(b):
            @pl.loop(0, UNIT, step=4)
            def _(e):
                vvs = [plsc.load_gather(
                    valv[b], [jnp.zeros((LANES,), jnp.int32) + (e + d)])
                    for d in range(4)]
                for j in range(D // LANES):
                    sl = pl.ds(j * LANES, LANES)
                    for d in range(4):
                        msgs[b][e + d, sl] = msgs[b][e + d, sl] * vvs[d]

        for b in range(DEPTH):
            issue_idx(b, b)

        zeros16 = jnp.zeros((LANES,), jnp.float32)

        @pl.loop(0, CHUNK_ROWS)
        def _(e):
            for j in range(D // LANES):
                msgs[DEPTH - 1][e, pl.ds(j * LANES, LANES)] = zeros16

        zbuf = msgs[DEPTH - 1].at[pl.ds(0, CHUNK_ROWS)]

        @pl.loop(0, (N_CHUNKS + NS - 1) // NS)
        def _(i):
            cid = s + i * NS

            @pl.when(cid < N_CHUNKS)
            def _():
                pltpu.async_copy(
                    zbuf, acc.at[pl.ds(cid * CHUNK_ROWS, CHUNK_ROWS)], sem_z)

        for b in range(DEPTH - 1):
            wait_idx(b)
            issue_gather(b)

        @pl.loop(0, (N_CHUNKS + NS - 1) // NS)
        def _(i):
            cid = s + i * NS

            @pl.when(cid < N_CHUNKS)
            def _():
                pltpu.make_async_copy(
                    zbuf, acc.at[pl.ds(cid * CHUNK_ROWS, CHUNK_ROWS)],
                    sem_z).wait()

        plsc.subcore_barrier()

        @pl.loop(0, n // DEPTH)
        def _(u):
            for b in range(DEPTH):
                uu = u * DEPTH + b
                bN = (b + DEPTH - 1) % DEPTH
                wait_gather(b)
                scale(b)
                issue_scatter(b)

                @pl.when(uu + DEPTH < n)
                def _():
                    issue_idx(uu + DEPTH, b)

                @pl.when(uu >= 1)
                def _():
                    wait_scatter(bN)

                @pl.when(uu + DEPTH - 1 < n)
                def _():
                    wait_idx(bN)
                    issue_gather(bN)

        wait_scatter((n - 1) % DEPTH)
        plsc.subcore_barrier()

        @pl.loop(0, (N_CHUNKS + NS - 1) // NS)
        def _(i):
            cid = s + i * NS

            @pl.when(cid < N_CHUNKS)
            def _():
                pltpu.async_copy(
                    acc.at[pl.ds(cid * CHUNK_ROWS, CHUNK_ROWS)],
                    out_hbm.at[c, pl.ds(cid * CHUNK_ROWS, CHUNK_ROWS)], sem_z)

        @pl.loop(0, (N_CHUNKS + NS - 1) // NS)
        def _(i):
            cid = s + i * NS

            @pl.when(cid < N_CHUNKS)
            def _():
                pltpu.make_async_copy(
                    acc.at[pl.ds(cid * CHUNK_ROWS, CHUNK_ROWS)],
                    out_hbm.at[c, pl.ds(cid * CHUNK_ROWS, CHUNK_ROWS)],
                    sem_z).wait()

    return spmm(HW, row, col, val)


def _finish_body(p_ref, w_ref, b_ref, o_ref):
    x = p_ref[0] + p_ref[1]
    y = jnp.dot(x, w_ref[...], preferred_element_type=jnp.float32)
    o_ref[...] = jnp.maximum(y + b_ref[...], 0.0)


def _finish(partials, W, bias):
    BM = 1000
    return pl.pallas_call(
        _finish_body,
        grid=(N_NODES // BM,),
        in_specs=[
            pl.BlockSpec((NC, BM, D), lambda i: (0, i, 0)),
            pl.BlockSpec((D, D), lambda i: (0, 0)),
            pl.BlockSpec((1, D), lambda i: (0, 0)),
        ],
        out_specs=pl.BlockSpec((BM, D), lambda i: (i, 0)),
        out_shape=jax.ShapeDtypeStruct((N_NODES, D), jnp.float32),
    )(partials, W, bias.reshape(1, D))


def kernel(A_edge_index, A_values, H, W, bias):
    row = A_edge_index[0]
    col = A_edge_index[1]
    E = row.shape[0]
    grain = NW * UNIT * DEPTH
    E_pad = ((E + grain - 1) // grain) * grain
    pad = E_pad - E
    if pad:
        spread = (jnp.arange(pad, dtype=jnp.int32) * 13) % N_NODES
        row = jnp.concatenate([row, spread])
        col = jnp.concatenate([col, spread])
        val = jnp.concatenate([A_values, jnp.zeros((pad,), jnp.float32)])
    else:
        val = A_values
    units_per_tile = E_pad // (NW * UNIT)

    partials = _spmm_partials(H, row, col, val, units_per_tile)
    return _finish(partials, W, bias)

# --- scband reference (transcript-rebuilt; emitter-appended) ---
"""Pipeline reference for scband-simple-graph-conv-17497696764290 (READ-ONLY COPY).

The authoritative reference and input builder live on the scoring server;
editing this copy changes nothing except your own understanding.
"""

import jax, jax.numpy as jnp
import numpy as np

N_NODES = 10000
N_EDGES = 320000
D_IN = 128
D_OUT = 128


def setup_inputs(seed: int = 0) -> dict:
    key = jax.random.key(seed)
    k1, k2, k3, k4 = jax.random.split(key, 4)
    # Sparse adjacency in COO form: row = destination node, col = source node
    A_edge_index = jax.random.randint(k1, (2, N_EDGES), 0, N_NODES, dtype=jnp.int32)
    A_values = jax.random.uniform(k2, (N_EDGES,), dtype=jnp.float32)
    H = jax.random.normal(k3, (N_NODES, D_IN), dtype=jnp.float32)
    # Learned parameters, matching reset_parameters(): W ~ U(-stdv, stdv), stdv = 1/sqrt(out_dim)
    stdv = 1.0 / np.sqrt(D_OUT)
    W = jax.random.uniform(k4, (D_IN, D_OUT), minval=-stdv, maxval=stdv, dtype=jnp.float32)
    bias = jnp.zeros((D_OUT,), dtype=jnp.float32)
    return {"A_edge_index": A_edge_index, "A_values": A_values, "H": H, "W": W, "bias": bias}


def reference(A_edge_index, A_values, H, W, bias):
    # HW = H @ W
    HW = H @ W
    # spmm: out[i] = sum_{edges e with row[e]==i} A_values[e] * HW[col[e]]
    row = A_edge_index[0]
    col = A_edge_index[1]
    msgs = A_values[:, None] * jnp.take(HW, col, axis=0)
    out = jax.ops.segment_sum(msgs, row, num_segments=N_NODES)
    out = out + bias
    return jax.nn.relu(out)

if __name__ == "__main__":
    import jax
    _d = setup_inputs()
    print(jax.jit(kernel)(*tuple(_d.values())))

</pallas_src>

<mosaic_0001>
#map = affine_map<(d0, d1) -> (0, 0)>
#map1 = affine_map<(d0, d1) -> (0)>
#map2 = affine_map<(d0, d1) -> (0, 0, 0)>
module attributes {stable_mosaic.version = 14 : i64} {
  func.func @spmm(%arg0: i32, %arg1: i32, %arg2: memref<10000x128xf32, #tpu.memory_space<hbm>>, %arg3: memref<331776xi32, #tpu.memory_space<hbm>>, %arg4: memref<331776xi32, #tpu.memory_space<hbm>>, %arg5: memref<331776xf32, #tpu.memory_space<hbm>>, %arg6: memref<2x10000x128xf32, #tpu.memory_space<hbm>>, %arg7: memref<128xi32, #tpu.memory_space<vmem>>, %arg8: memref<128xi32, #tpu.memory_space<vmem>>, %arg9: memref<128xi32, #tpu.memory_space<vmem>>, %arg10: memref<128xi32, #tpu.memory_space<vmem>>, %arg11: memref<128xi32, #tpu.memory_space<vmem>>, %arg12: memref<128xi32, #tpu.memory_space<vmem>>, %arg13: memref<128xf32, #tpu.memory_space<vmem>>, %arg14: memref<128xf32, #tpu.memory_space<vmem>>, %arg15: memref<128xf32, #tpu.memory_space<vmem>>, %arg16: memref<128xi32, #tpu.memory_space<vmem>>, %arg17: memref<128xi32, #tpu.memory_space<vmem>>, %arg18: memref<128xi32, #tpu.memory_space<vmem>>, %arg19: memref<128x128xf32, #tpu.memory_space<vmem>>, %arg20: memref<128x128xf32, #tpu.memory_space<vmem>>, %arg21: memref<128x128xf32, #tpu.memory_space<vmem>>, %arg22: memref<10000x128xf32, #tpu.memory_space<vmem_shared>>, %arg23: memref<!tpu.dma_semaphore, #tpu.memory_space<semaphore_mem>>, %arg24: memref<!tpu.dma_semaphore, #tpu.memory_space<semaphore_mem>>, %arg25: memref<!tpu.dma_semaphore, #tpu.memory_space<semaphore_mem>>, %arg26: memref<!tpu.dma_semaphore, #tpu.memory_space<semaphore_mem>>, %arg27: memref<!tpu.dma_semaphore, #tpu.memory_space<semaphore_mem>>, %arg28: memref<!tpu.dma_semaphore, #tpu.memory_space<semaphore_mem>>, %arg29: memref<!tpu.dma_semaphore, #tpu.memory_space<semaphore_mem>>, %arg30: memref<!tpu.dma_semaphore, #tpu.memory_space<semaphore_mem>>, %arg31: memref<!tpu.dma_semaphore, #tpu.memory_space<semaphore_mem>>, %arg32: memref<!tpu.dma_semaphore, #tpu.memory_space<semaphore_mem>>) attributes {dimension_semantics = [#tpu.dimension_semantics<core_parallel>, #tpu.dimension_semantics<subcore_parallel>], iteration_bounds = array<i64: 2, 16>, scalar_prefetch = 0 : i64, scratch_operands = 26 : i64, tpu.core_type = #tpu.core_type<sc_vector_subcore>, window_params = [{transform_indices = #map}, {transform_indices = #map1}, {transform_indices = #map1}, {transform_indices = #map1}, {transform_indices = #map2}]} {
    %mul3A = arith.constant 2 : i32
    %mul3A_0 = arith.muli %arg1, %mul3A : i32
    %add3A = arith.addi %mul3A_0, %arg0 : i32
    %mul3A_1 = arith.constant 81 : i32
    %mul3A_2 = arith.muli %add3A, %mul3A_1 : i32
    %add3A_3 = arith.constant 0 : i32
    %add3A_4 = arith.addi %mul3A_2, %add3A_3 : i32
    %mul3A_5 = arith.constant 128 : i32
    %mul3A_6 = arith.muli %add3A_4, %mul3A_5 : i32
    %dma_start3A = tpu.memref_slice %arg4[%mul3A_6] : memref<331776xi32, #tpu.memory_space<hbm>> -> memref<128xi32, #tpu.memory_space<hbm>>
    %dma_start3A_7 = tpu.memref_slice %arg4[%mul3A_6] : memref<331776xi32, #tpu.memory_space<hbm>> -> memref<128xi32, #tpu.memory_space<hbm>>
    tpu.enqueue_dma source(%dma_start3A_7 : memref<128xi32, #tpu.memory_space<hbm>>) target(%arg7 : memref<128xi32, #tpu.memory_space<vmem>>) target_semaphore(%arg23 : memref<!tpu.dma_semaphore, #tpu.memory_space<semaphore_mem>>)
    %dma_start3A_8 = tpu.memref_slice %arg3[%mul3A_6] : memref<331776xi32, #tpu.memory_space<hbm>> -> memref<128xi32, #tpu.memory_space<hbm>>
    %dma_start3A_9 = tpu.memref_slice %arg3[%mul3A_6] : memref<331776xi32, #tpu.memory_space<hbm>> -> memref<128xi32, #tpu.memory_space<hbm>>
    tpu.enqueue_dma source(%dma_start3A_9 : memref<128xi32, #tpu.memory_space<hbm>>) target(%arg10 : memref<128xi32, #tpu.memory_space<vmem>>) target_semaphore(%arg23 : memref<!tpu.dma_semaphore, #tpu.memory_space<semaphore_mem>>)
    %dma_start3A_10 = tpu.memref_slice %arg5[%mul3A_6] : memref<331776xf32, #tpu.memory_space<hbm>> -> memref<128xf32, #tpu.memory_space<hbm>>
    %dma_start3A_11 = tpu.memref_slice %arg5[%mul3A_6] : memref<331776xf32, #tpu.memory_space<hbm>> -> memref<128xf32, #tpu.memory_space<hbm>>
    tpu.enqueue_dma source(%dma_start3A_11 : memref<128xf32, #tpu.memory_space<hbm>>) target(%arg13 : memref<128xf32, #tpu.memory_space<vmem>>) target_semaphore(%arg23 : memref<!tpu.dma_semaphore, #tpu.memory_space<semaphore_mem>>)
    %mul3A_12 = arith.constant 81 : i32
    %mul3A_13 = arith.muli %add3A, %mul3A_12 : i32
    %add3A_14 = arith.constant 1 : i32
    %add3A_15 = arith.addi %mul3A_13, %add3A_14 : i32
    %mul3A_16 = arith.constant 128 : i32
    %mul3A_17 = arith.muli %add3A_15, %mul3A_16 : i32
    %dma_start3A_18 = tpu.memref_slice %arg4[%mul3A_17] : memref<331776xi32, #tpu.memory_space<hbm>> -> memref<128xi32, #tpu.memory_space<hbm>>
    %dma_start3A_19 = tpu.memref_slice %arg4[%mul3A_17] : memref<331776xi32, #tpu.memory_space<hbm>> -> memref<128xi32, #tpu.memory_space<hbm>>
    tpu.enqueue_dma source(%dma_start3A_19 : memref<128xi32, #tpu.memory_space<hbm>>) target(%arg8 : memref<128xi32, #tpu.memory_space<vmem>>) target_semaphore(%arg24 : memref<!tpu.dma_semaphore, #tpu.memory_space<semaphore_mem>>)
    %dma_start3A_20 = tpu.memref_slice %arg3[%mul3A_17] : memref<331776xi32, #tpu.memory_space<hbm>> -> memref<128xi32, #tpu.memory_space<hbm>>
    %dma_start3A_21 = tpu.memref_slice %arg3[%mul3A_17] : memref<331776xi32, #tpu.memory_space<hbm>> -> memref<128xi32, #tpu.memory_space<hbm>>
    tpu.enqueue_dma source(%dma_start3A_21 : memref<128xi32, #tpu.memory_space<hbm>>) target(%arg11 : memref<128xi32, #tpu.memory_space<vmem>>) target_semaphore(%arg24 : memref<!tpu.dma_semaphore, #tpu.memory_space<semaphore_mem>>)
    %dma_start3A_22 = tpu.memref_slice %arg5[%mul3A_17] : memref<331776xf32, #tpu.memory_space<hbm>> -> memref<128xf32, #tpu.memory_space<hbm>>
    %dma_start3A_23 = tpu.memref_slice %arg5[%mul3A_17] : memref<331776xf32, #tpu.memory_space<hbm>> -> memref<128xf32, #tpu.memory_space<hbm>>
    tpu.enqueue_dma source(%dma_start3A_23 : memref<128xf32, #tpu.memory_space<hbm>>) target(%arg14 : memref<128xf32, #tpu.memory_space<vmem>>) target_semaphore(%arg24 : memref<!tpu.dma_semaphore, #tpu.memory_space<semaphore_mem>>)
    %mul3A_24 = arith.constant 81 : i32
    %mul3A_25 = arith.muli %add3A, %mul3A_24 : i32
    %add3A_26 = arith.constant 2 : i32
    %add3A_27 = arith.addi %mul3A_25, %add3A_26 : i32
    %mul3A_28 = arith.constant 128 : i32
    %mul3A_29 = arith.muli %add3A_27, %mul3A_28 : i32
    %dma_start3A_30 = tpu.memref_slice %arg4[%mul3A_29] : memref<331776xi32, #tpu.memory_space<hbm>> -> memref<128xi32, #tpu.memory_space<hbm>>
    %dma_start3A_31 = tpu.memref_slice %arg4[%mul3A_29] : memref<331776xi32, #tpu.memory_space<hbm>> -> memref<128xi32, #tpu.memory_space<hbm>>
    tpu.enqueue_dma source(%dma_start3A_31 : memref<128xi32, #tpu.memory_space<hbm>>) target(%arg9 : memref<128xi32, #tpu.memory_space<vmem>>) target_semaphore(%arg25 : memref<!tpu.dma_semaphore, #tpu.memory_space<semaphore_mem>>)
    %dma_start3A_32 = tpu.memref_slice %arg3[%mul3A_29] : memref<331776xi32, #tpu.memory_space<hbm>> -> memref<128xi32, #tpu.memory_space<hbm>>
    %dma_start3A_33 = tpu.memref_slice %arg3[%mul3A_29] : memref<331776xi32, #tpu.memory_space<hbm>> -> memref<128xi32, #tpu.memory_space<hbm>>
    tpu.enqueue_dma source(%dma_start3A_33 : memref<128xi32, #tpu.memory_space<hbm>>) target(%arg12 : memref<128xi32, #tpu.memory_space<vmem>>) target_semaphore(%arg25 : memref<!tpu.dma_semaphore, #tpu.memory_space<semaphore_mem>>)
    %dma_start3A_34 = tpu.memref_slice %arg5[%mul3A_29] : memref<331776xf32, #tpu.memory_space<hbm>> -> memref<128xf32, #tpu.memory_space<hbm>>
    %dma_start3A_35 = tpu.memref_slice %arg5[%mul3A_29] : memref<331776xf32, #tpu.memory_space<hbm>> -> memref<128xf32, #tpu.memory_space<hbm>>
    tpu.enqueue_dma source(%dma_start3A_35 : memref<128xf32, #tpu.memory_space<hbm>>) target(%arg15 : memref<128xf32, #tpu.memory_space<vmem>>) target_semaphore(%arg25 : memref<!tpu.dma_semaphore, #tpu.memory_space<semaphore_mem>>)
    %broadcast_in_dim3A = arith.constant 0.000000e+00 : f32
    %broadcast_in_dim3A_36 = vector.broadcast %broadcast_in_dim3A : f32 to vector<16xf32>
    %scan3A = arith.constant 0 : i32
    %scan3A_37 = arith.constant 80 : i32
    %scan3A_38 = arith.addi %scan3A, %scan3A_37 : i32
    %scan3A_39 = arith.constant 1 : i32
    scf.for %scan3A_99 = %scan3A to %scan3A_38 step %scan3A_39  : i32 {
      %mul3A_100 = arith.constant 1 : i32
      %mul3A_101 = arith.muli %scan3A_99, %mul3A_100 : i32
      %add3A_102 = arith.constant 0 : i32
      %add3A_103 = arith.addi %add3A_102, %mul3A_101 : i32
      %swap3A = arith.index_cast %add3A_103 : i32 to index
      %swap3A_104 = arith.constant 0 : index
      %swap3A_105 = tpu.vector_load %arg21[%swap3A, %swap3A_104] {strides = array<i32>} : memref<128x128xf32, #tpu.memory_space<vmem>>, vector<16xf32>,
      tpu.vector_store %arg21[%swap3A, %swap3A_104], %broadcast_in_dim3A_36 {strides = array<i32>} : memref<128x128xf32, #tpu.memory_space<vmem>>, vector<16xf32>,
      %swap3A_106 = arith.index_cast %add3A_103 : i32 to index
      %swap3A_107 = arith.constant 16 : index
      %swap3A_108 = tpu.vector_load %arg21[%swap3A_106, %swap3A_107] {strides = array<i32>} : memref<128x128xf32, #tpu.memory_space<vmem>>, vector<16xf32>,
      tpu.vector_store %arg21[%swap3A_106, %swap3A_107], %broadcast_in_dim3A_36 {strides = array<i32>} : memref<128x128xf32, #tpu.memory_space<vmem>>, vector<16xf32>,
      %swap3A_109 = arith.index_cast %add3A_103 : i32 to index
      %swap3A_110 = arith.constant 32 : index
      %swap3A_111 = tpu.vector_load %arg21[%swap3A_109, %swap3A_110] {strides = array<i32>} : memref<128x128xf32, #tpu.memory_space<vmem>>, vector<16xf32>,
      tpu.vector_store %arg21[%swap3A_109, %swap3A_110], %broadcast_in_dim3A_36 {strides = array<i32>} : memref<128x128xf32, #tpu.memory_space<vmem>>, vector<16xf32>,
      %swap3A_112 = arith.index_cast %add3A_103 : i32 to index
      %swap3A_113 = arith.constant 48 : index
      %swap3A_114 = tpu.vector_load %arg21[%swap3A_112, %swap3A_113] {strides = array<i32>} : memref<128x128xf32, #tpu.memory_space<vmem>>, vector<16xf32>,
      tpu.vector_store %arg21[%swap3A_112, %swap3A_113], %broadcast_in_dim3A_36 {strides = array<i32>} : memref<128x128xf32, #tpu.memory_space<vmem>>, vector<16xf32>,
      %swap3A_115 = arith.index_cast %add3A_103 : i32 to index
      %swap3A_116 = arith.constant 64 : index
      %swap3A_117 = tpu.vector_load %arg21[%swap3A_115, %swap3A_116] {strides = array<i32>} : memref<128x128xf32, #tpu.memory_space<vmem>>, vector<16xf32>,
      tpu.vector_store %arg21[%swap3A_115, %swap3A_116], %broadcast_in_dim3A_36 {strides = array<i32>} : memref<128x128xf32, #tpu.memory_space<vmem>>, vector<16xf32>,
      %swap3A_118 = arith.index_cast %add3A_103 : i32 to index
      %swap3A_119 = arith.constant 80 : index
      %swap3A_120 = tpu.vector_load %arg21[%swap3A_118, %swap3A_119] {strides = array<i32>} : memref<128x128xf32, #tpu.memory_space<vmem>>, vector<16xf32>,
      tpu.vector_store %arg21[%swap3A_118, %swap3A_119], %broadcast_in_dim3A_36 {strides = array<i32>} : memref<128x128xf32, #tpu.memory_space<vmem>>, vector<16xf32>,
      %swap3A_121 = arith.index_cast %add3A_103 : i32 to index
      %swap3A_122 = arith.constant 96 : index
      %swap3A_123 = tpu.vector_load %arg21[%swap3A_121, %swap3A_122] {strides = array<i32>} : memref<128x128xf32, #tpu.memory_space<vmem>>, vector<16xf32>,
      tpu.vector_store %arg21[%swap3A_121, %swap3A_122], %broadcast_in_dim3A_36 {strides = array<i32>} : memref<128x128xf32, #tpu.memory_space<vmem>>, vector<16xf32>,
      %swap3A_124 = arith.index_cast %add3A_103 : i32 to index
      %swap3A_125 = arith.constant 112 : index
      %swap3A_126 = tpu.vector_load %arg21[%swap3A_124, %swap3A_125] {strides = array<i32>} : memref<128x128xf32, #tpu.memory_space<vmem>>, vector<16xf32>,
      tpu.vector_store %arg21[%swap3A_124, %swap3A_125], %broadcast_in_dim3A_36 {strides = array<i32>} : memref<128x128xf32, #tpu.memory_space<vmem>>, vector<16xf32>,
    }
    %scan3A_40 = arith.constant 80 : i32
    %scan3A_41 = arith.constant 0 : i32
    %scan3A_42 = arith.constant 8 : i32
    %scan3A_43 = arith.addi %scan3A_41, %scan3A_42 : i32
    %scan3A_44 = arith.constant 1 : i32
    scf.for %scan3A_99 = %scan3A_41 to %scan3A_43 step %scan3A_44  : i32 {
      %mul3A_100 = arith.constant 1 : i32
      %mul3A_101 = arith.muli %scan3A_99, %mul3A_100 : i32
      %add3A_102 = arith.constant 0 : i32
      %add3A_103 = arith.addi %add3A_102, %mul3A_101 : i32
      %mul3A_104 = arith.constant 16 : i32
      %mul3A_105 = arith.muli %add3A_103, %mul3A_104 : i32
      %add3A_106 = arith.addi %arg1, %mul3A_105 : i32
      %lt3A = arith.constant 125 : i32
      %lt3A_107 = arith.cmpi slt, %add3A_106, %lt3A : i32
      %convert_element_type3A = arith.extui %lt3A_107 : i1 to i32
      %cond3A = arith.constant 0 : i32
      %cond3A_108 = arith.cmpi ne, %convert_element_type3A, %cond3A : i32
      scf.if %cond3A_108 {
        %mul3A_109 = arith.constant 80 : i32
        %mul3A_110 = arith.muli %add3A_106, %mul3A_109 : i32
        %dma_start3A_111 = arith.constant 0 : i32
        %dma_start3A_112 = arith.constant 0 : i32
        %dma_start3A_113 = tpu.memref_slice %arg21[%dma_start3A_111, %dma_start3A_112] : memref<128x128xf32, #tpu.memory_space<vmem>> -> memref<80x128xf32, #tpu.memory_space<vmem>>
        %dma_start3A_114 = arith.constant 0 : i32
        %dma_start3A_115 = tpu.memref_slice %arg22[%mul3A_110, %dma_start3A_114] : memref<10000x128xf32, #tpu.memory_space<vmem_shared>> -> memref<80x128xf32, #tpu.memory_space<vmem_shared>>
        %dma_start3A_116 = arith.constant 0 : i32
        %dma_start3A_117 = tpu.memref_slice %arg22[%mul3A_110, %dma_start3A_116] : memref<10000x128xf32, #tpu.memory_space<vmem_shared>> -> memref<80x128xf32, #tpu.memory_space<vmem_shared>>
        %dma_start3A_118 = arith.constant 0 : i32
        %dma_start3A_119 = arith.constant 0 : i32
        %dma_start3A_120 = tpu.memref_slice %arg21[%dma_start3A_118, %dma_start3A_119] : memref<128x128xf32, #tpu.memory_space<vmem>> -> memref<80x128xf32, #tpu.memory_space<vmem>>
        tpu.enqueue_dma source(%dma_start3A_120 : memref<80x128xf32, #tpu.memory_space<vmem>>) target(%dma_start3A_117 : memref<80x128xf32, #tpu.memory_space<vmem_shared>>) target_semaphore(%arg32 : memref<!tpu.dma_semaphore, #tpu.memory_space<semaphore_mem>>)
      } else {
      }
    }
    %scan3A_45 = arith.constant 8 : i32
    %dma_wait3A = arith.constant 0 : i32
    %dma_wait3A_46 = tpu.memref_slice %arg4[%dma_wait3A] : memref<331776xi32, #tpu.memory_space<hbm>> -> memref<128xi32, #tpu.memory_space<hbm>>
    %dma_wait3A_47 = arith.constant 0 : i32
    %dma_wait3A_48 = tpu.memref_slice %arg4[%dma_wait3A_47] : memref<331776xi32, #tpu.memory_space<hbm>> -> memref<128xi32, #tpu.memory_space<hbm>>
    tpu.wait_dma2 semaphore(%arg23 : memref<!tpu.dma_semaphore, #tpu.memory_space<semaphore_mem>>) src(%dma_wait3A_48 : memref<128xi32, #tpu.memory_space<hbm>>) dst(%arg7 : memref<128xi32, #tpu.memory_space<vmem>>)
    %dma_wait3A_49 = arith.constant 0 : i32
    %dma_wait3A_50 = tpu.memref_slice %arg4[%dma_wait3A_49] : memref<331776xi32, #tpu.memory_space<hbm>> -> memref<128xi32, #tpu.memory_space<hbm>>
    %dma_wait3A_51 = arith.constant 0 : i32
    %dma_wait3A_52 = tpu.memref_slice %arg4[%dma_wait3A_51] : memref<331776xi32, #tpu.memory_space<hbm>> -> memref<128xi32, #tpu.memory_space<hbm>>
    tpu.wait_dma2 semaphore(%arg23 : memref<!tpu.dma_semaphore, #tpu.memory_space<semaphore_mem>>) src(%dma_wait3A_52 : memref<128xi32, #tpu.memory_space<hbm>>) dst(%arg10 : memref<128xi32, #tpu.memory_space<vmem>>)
    %dma_wait3A_53 = arith.constant 0 : i32
    %dma_wait3A_54 = tpu.memref_slice %arg5[%dma_wait3A_53] : memref<331776xf32, #tpu.memory_space<hbm>> -> memref<128xf32, #tpu.memory_space<hbm>>
    %dma_wait3A_55 = arith.constant 0 : i32
    %dma_wait3A_56 = tpu.memref_slice %arg5[%dma_wait3A_55] : memref<331776xf32, #tpu.memory_space<hbm>> -> memref<128xf32, #tpu.memory_space<hbm>>
    tpu.wait_dma2 semaphore(%arg23 : memref<!tpu.dma_semaphore, #tpu.memory_space<semaphore_mem>>) src(%dma_wait3A_56 : memref<128xf32, #tpu.memory_space<hbm>>) dst(%arg13 : memref<128xf32, #tpu.memory_space<vmem>>)
    %dma_start3A_57 = arith.constant 0 : i32
    %dma_start3A_58 = arith.constant 0 : i32
    %dma_start3A_59 = tpu.memref_slice %arg2[%dma_start3A_57, %dma_start3A_58] : memref<10000x128xf32, #tpu.memory_space<hbm>> -> memref<10000x128xf32, #tpu.memory_space<hbm>>
    tpu.enqueue_indirect_dma source(%dma_start3A_59 : memref<10000x128xf32, #tpu.memory_space<hbm>>) target(%arg19 : memref<128x128xf32, #tpu.memory_space<vmem>>) offsets(%arg7 : memref<128xi32, #tpu.memory_space<vmem>>) semaphore(%arg26 : memref<!tpu.dma_semaphore, #tpu.memory_space<semaphore_mem>>)
    %dma_wait3A_60 = arith.constant 0 : i32
    %dma_wait3A_61 = tpu.memref_slice %arg4[%dma_wait3A_60] : memref<331776xi32, #tpu.memory_space<hbm>> -> memref<128xi32, #tpu.memory_space<hbm>>
    %dma_wait3A_62 = arith.constant 0 : i32
    %dma_wait3A_63 = tpu.memref_slice %arg4[%dma_wait3A_62] : memref<331776xi32, #tpu.memory_space<hbm>> -> memref<128xi32, #tpu.memory_space<hbm>>
    tpu.wait_dma2 semaphore(%arg24 : memref<!tpu.dma_semaphore, #tpu.memory_space<semaphore_mem>>) src(%dma_wait3A_63 : memref<128xi32, #tpu.memory_space<hbm>>) dst(%arg8 : memref<128xi32, #tpu.memory_space<vmem>>)
    %dma_wait3A_64 = arith.constant 0 : i32
    %dma_wait3A_65 = tpu.memref_slice %arg4[%dma_wait3A_64] : memref<331776xi32, #tpu.memory_space<hbm>> -> memref<128xi32, #tpu.memory_space<hbm>>
    %dma_wait3A_66 = arith.constant 0 : i32
    %dma_wait3A_67 = tpu.memref_slice %arg4[%dma_wait3A_66] : memref<331776xi32, #tpu.memory_space<hbm>> -> memref<128xi32, #tpu.memory_space<hbm>>
    tpu.wait_dma2 semaphore(%arg24 : memref<!tpu.dma_semaphore, #tpu.memory_space<semaphore_mem>>) src(%dma_wait3A_67 : memref<128xi32, #tpu.memory_space<hbm>>) dst(%arg11 : memref<128xi32, #tpu.memory_space<vmem>>)
    %dma_wait3A_68 = arith.constant 0 : i32
    %dma_wait3A_69 = tpu.memref_slice %arg5[%dma_wait3A_68] : memref<331776xf32, #tpu.memory_space<hbm>> -> memref<128xf32, #tpu.memory_space<hbm>>
    %dma_wait3A_70 = arith.constant 0 : i32
    %dma_wait3A_71 = tpu.memref_slice %arg5[%dma_wait3A_70] : memref<331776xf32, #tpu.memory_space<hbm>> -> memref<128xf32, #tpu.memory_space<hbm>>
    tpu.wait_dma2 semaphore(%arg24 : memref<!tpu.dma_semaphore, #tpu.memory_space<semaphore_mem>>) src(%dma_wait3A_71 : memref<128xf32, #tpu.memory_space<hbm>>) dst(%arg14 : memref<128xf32, #tpu.memory_space<vmem>>)
    %dma_start3A_72 = arith.constant 0 : i32
    %dma_start3A_73 = arith.constant 0 : i32
    %dma_start3A_74 = tpu.memref_slice %arg2[%dma_start3A_72, %dma_start3A_73] : memref<10000x128xf32, #tpu.memory_space<hbm>> -> memref<10000x128xf32, #tpu.memory_space<hbm>>
    tpu.enqueue_indirect_dma source(%dma_start3A_74 : memref<10000x128xf32, #tpu.memory_space<hbm>>) target(%arg20 : memref<128x128xf32, #tpu.memory_space<vmem>>) offsets(%arg8 : memref<128xi32, #tpu.memory_space<vmem>>) semaphore(%arg27 : memref<!tpu.dma_semaphore, #tpu.memory_space<semaphore_mem>>)
    %scan3A_75 = arith.constant 0 : i32
    %scan3A_76 = arith.constant 8 : i32
    %scan3A_77 = arith.addi %scan3A_75, %scan3A_76 : i32
    %scan3A_78 = arith.constant 1 : i32
    scf.for %scan3A_99 = %scan3A_75 to %scan3A_77 step %scan3A_78  : i32 {
      %mul3A_100 = arith.constant 1 : i32
      %mul3A_101 = arith.muli %scan3A_99, %mul3A_100 : i32
      %add3A_102 = arith.constant 0 : i32
      %add3A_103 = arith.addi %add3A_102, %mul3A_101 : i32
      %mul3A_104 = arith.constant 16 : i32
      %mul3A_105 = arith.muli %add3A_103, %mul3A_104 : i32
      %add3A_106 = arith.addi %arg1, %mul3A_105 : i32
      %lt3A = arith.constant 125 : i32
      %lt3A_107 = arith.cmpi slt, %add3A_106, %lt3A : i32
      %convert_element_type3A = arith.extui %lt3A_107 : i1 to i32
      %cond3A = arith.constant 0 : i32
      %cond3A_108 = arith.cmpi ne, %convert_element_type3A, %cond3A : i32
      scf.if %cond3A_108 {
        %mul3A_109 = arith.constant 80 : i32
        %mul3A_110 = arith.muli %add3A_106, %mul3A_109 : i32
        %dma_wait3A_111 = arith.constant 0 : i32
        %dma_wait3A_112 = arith.constant 0 : i32
        %dma_wait3A_113 = tpu.memref_slice %arg21[%dma_wait3A_111, %dma_wait3A_112] : memref<128x128xf32, #tpu.memory_space<vmem>> -> memref<80x128xf32, #tpu.memory_space<vmem>>
        %dma_wait3A_114 = arith.constant 0 : i32
        %dma_wait3A_115 = tpu.memref_slice %arg22[%mul3A_110, %dma_wait3A_114] : memref<10000x128xf32, #tpu.memory_space<vmem_shared>> -> memref<80x128xf32, #tpu.memory_space<vmem_shared>>
        %dma_wait3A_116 = arith.constant 0 : i32
        %dma_wait3A_117 = tpu.memref_slice %arg22[%mul3A_110, %dma_wait3A_116] : memref<10000x128xf32, #tpu.memory_space<vmem_shared>> -> memref<80x128xf32, #tpu.memory_space<vmem_shared>>
        %dma_wait3A_118 = arith.constant 0 : i32
        %dma_wait3A_119 = arith.constant 0 : i32
        %dma_wait3A_120 = tpu.memref_slice %arg21[%dma_wait3A_118, %dma_wait3A_119] : memref<128x128xf32, #tpu.memory_space<vmem>> -> memref<80x128xf32, #tpu.memory_space<vmem>>
        tpu.wait_dma2 semaphore(%arg32 : memref<!tpu.dma_semaphore, #tpu.memory_space<semaphore_mem>>) src(%dma_wait3A_120 : memref<80x128xf32, #tpu.memory_space<vmem>>) dst(%dma_wait3A_117 : memref<80x128xf32, #tpu.memory_space<vmem_shared>>)
      } else {
      }
    }
    %scan3A_79 = arith.constant 8 : i32
    %barrier3A = arith.constant 0 : index
    tpu.barrier barrier_id(%barrier3A)
    %scan3A_80 = arith.constant 0 : i32
    %scan3A_81 = arith.constant 27 : i32
    %scan3A_82 = arith.addi %scan3A_80, %scan3A_81 : i32
    %scan3A_83 = arith.constant 1 : i32
    scf.for %scan3A_99 = %scan3A_80 to %scan3A_82 step %scan3A_83  : i32 {
      %mul3A_100 = arith.constant 1 : i32
      %mul3A_101 = arith.muli %scan3A_99, %mul3A_100 : i32
      %add3A_102 = arith.constant 0 : i32
      %add3A_103 = arith.addi %add3A_102, %mul3A_101 : i32
      %mul3A_104 = arith.constant 3 : i32
      %mul3A_105 = arith.muli %add3A_103, %mul3A_104 : i32
      %add3A_106 = arith.constant 0 : i32
      %add3A_107 = arith.addi %mul3A_105, %add3A_106 : i32
      %dma_wait3A_108 = arith.constant 0 : i32
      %dma_wait3A_109 = arith.constant 0 : i32
      %dma_wait3A_110 = tpu.memref_slice %arg2[%dma_wait3A_108, %dma_wait3A_109] : memref<10000x128xf32, #tpu.memory_space<hbm>> -> memref<10000x128xf32, #tpu.memory_space<hbm>>
      tpu.wait_indirect_dma semaphore(%arg26 : memref<!tpu.dma_semaphore, #tpu.memory_space<semaphore_mem>>) src(%dma_wait3A_110 : memref<10000x128xf32, #tpu.memory_space<hbm>>) dst(%arg19 : memref<128x128xf32, #tpu.memory_space<vmem>>)
      %scan3A_111 = arith.constant 0 : i32
      %scan3A_112 = arith.constant 32 : i32
      %scan3A_113 = arith.addi %scan3A_111, %scan3A_112 : i32
      %scan3A_114 = arith.constant 1 : i32
      scf.for %scan3A_301 = %scan3A_111 to %scan3A_113 step %scan3A_114  : i32 {
        %mul3A_302 = arith.constant 4 : i32
        %mul3A_303 = arith.muli %scan3A_301, %mul3A_302 : i32
        %add3A_304 = arith.constant 0 : i32
        %add3A_305 = arith.addi %add3A_304, %mul3A_303 : i32
        %broadcast_in_dim3A_306 = arith.constant 0 : i32
        %broadcast_in_dim3A_307 = vector.broadcast %broadcast_in_dim3A_306 : i32 to vector<16xi32>
        %add3A_308 = arith.constant 0 : i32
        %add3A_309 = arith.addi %add3A_305, %add3A_308 : i32
        %add3A_310 = vector.broadcast %add3A_309 : i32 to vector<16xi32>
        %add3A_311 = arith.addi %broadcast_in_dim3A_307, %add3A_310 : vector<16xi32>
        %gather3A = tpu.vector_load_idx %arg13[%add3A_311] : memref<128xf32, #tpu.memory_space<vmem>>[vector<16xi32>], vector<16xf32>,
        %broadcast_in_dim3A_312 = arith.constant 0 : i32
        %broadcast_in_dim3A_313 = vector.broadcast %broadcast_in_dim3A_312 : i32 to vector<16xi32>
        %add3A_314 = arith.constant 1 : i32
        %add3A_315 = arith.addi %add3A_305, %add3A_314 : i32
        %add3A_316 = vector.broadcast %add3A_315 : i32 to vector<16xi32>
        %add3A_317 = arith.addi %broadcast_in_dim3A_313, %add3A_316 : vector<16xi32>
        %gather3A_318 = tpu.vector_load_idx %arg13[%add3A_317] : memref<128xf32, #tpu.memory_space<vmem>>[vector<16xi32>], vector<16xf32>,
        %broadcast_in_dim3A_319 = arith.constant 0 : i32
        %broadcast_in_dim3A_320 = vector.broadcast %broadcast_in_dim3A_319 : i32 to vector<16xi32>
        %add3A_321 = arith.constant 2 : i32
        %add3A_322 = arith.addi %add3A_305, %add3A_321 : i32
        %add3A_323 = vector.broadcast %add3A_322 : i32 to vector<16xi32>
        %add3A_324 = arith.addi %broadcast_in_dim3A_320, %add3A_323 : vector<16xi32>
        %gather3A_325 = tpu.vector_load_idx %arg13[%add3A_324] : memref<128xf32, #tpu.memory_space<vmem>>[vector<16xi32>], vector<16xf32>,
        %broadcast_in_dim3A_326 = arith.constant 0 : i32
        %broadcast_in_dim3A_327 = vector.broadcast %broadcast_in_dim3A_326 : i32 to vector<16xi32>
        %add3A_328 = arith.constant 3 : i32
        %add3A_329 = arith.addi %add3A_305, %add3A_328 : i32
        %add3A_330 = vector.broadcast %add3A_329 : i32 to vector<16xi32>
        %add3A_331 = arith.addi %broadcast_in_dim3A_327, %add3A_330 : vector<16xi32>
        %gather3A_332 = tpu.vector_load_idx %arg13[%add3A_331] : memref<128xf32, #tpu.memory_space<vmem>>[vector<16xi32>], vector<16xf32>,
        %add3A_333 = arith.constant 0 : i32
        %add3A_334 = arith.addi %add3A_305, %add3A_333 : i32
        %get3A_335 = arith.index_cast %add3A_334 : i32 to index
        %get3A_336 = arith.constant 0 : index
        %get3A_337 = tpu.vector_load %arg19[%get3A_335, %get3A_336] {strides = array<i32>} : memref<128x128xf32, #tpu.memory_space<vmem>>, vector<16xf32>,
        %mul3A_338 = arith.mulf %get3A_337, %gather3A : vector<16xf32>
        %add3A_339 = arith.constant 0 : i32
        %add3A_340 = arith.addi %add3A_305, %add3A_339 : i32
        %swap3A_341 = arith.index_cast %add3A_340 : i32 to index
        %swap3A_342 = arith.constant 0 : index
        %swap3A_343 = tpu.vector_load %arg19[%swap3A_341, %swap3A_342] {strides = array<i32>} : memref<128x128xf32, #tpu.memory_space<vmem>>, vector<16xf32>,
        tpu.vector_store %arg19[%swap3A_341, %swap3A_342], %mul3A_338 {strides = array<i32>} : memref<128x128xf32, #tpu.memory_space<vmem>>, vector<16xf32>,
        %add3A_344 = arith.constant 1 : i32
        %add3A_345 = arith.addi %add3A_305, %add3A_344 : i32
        %get3A_346 = arith.index_cast %add3A_345 : i32 to index
        %get3A_347 = arith.constant 0 : index
        %get3A_348 = tpu.vector_load %arg19[%get3A_346, %get3A_347] {strides = array<i32>} : memref<128x128xf32, #tpu.memory_space<vmem>>, vector<16xf32>,
        %mul3A_349 = arith.mulf %get3A_348, %gather3A_318 : vector<16xf32>
        %add3A_350 = arith.constant 1 : i32
        %add3A_351 = arith.addi %add3A_305, %add3A_350 : i32
        %swap3A_352 = arith.index_cast %add3A_351 : i32 to index
        %swap3A_353 = arith.constant 0 : index
        %swap3A_354 = tpu.vector_load %arg19[%swap3A_352, %swap3A_353] {strides = array<i32>} : memref<128x128xf32, #tpu.memory_space<vmem>>, vector<16xf32>,
        tpu.vector_store %arg19[%swap3A_352, %swap3A_353], %mul3A_349 {strides = array<i32>} : memref<128x128xf32, #tpu.memory_space<vmem>>, vector<16xf32>,
        %add3A_355 = arith.constant 2 : i32
        %add3A_356 = arith.addi %add3A_305, %add3A_355 : i32
        %get3A_357 = arith.index_cast %add3A_356 : i32 to index
        %get3A_358 = arith.constant 0 : index
        %get3A_359 = tpu.vector_load %arg19[%get3A_357, %get3A_358] {strides = array<i32>} : memref<128x128xf32, #tpu.memory_space<vmem>>, vector<16xf32>,
        %mul3A_360 = arith.mulf %get3A_359, %gather3A_325 : vector<16xf32>
        %add3A_361 = arith.constant 2 : i32
        %add3A_362 = arith.addi %add3A_305, %add3A_361 : i32
        %swap3A_363 = arith.index_cast %add3A_362 : i32 to index
        %swap3A_364 = arith.constant 0 : index
        %swap3A_365 = tpu.vector_load %arg19[%swap3A_363, %swap3A_364] {strides = array<i32>} : memref<128x128xf32, #tpu.memory_space<vmem>>, vector<16xf32>,
        tpu.vector_store %arg19[%swap3A_363, %swap3A_364], %mul3A_360 {strides = array<i32>} : memref<128x128xf32, #tpu.memory_space<vmem>>, vector<16xf32>,
        %add3A_366 = arith.constant 3 : i32
        %add3A_367 = arith.addi %add3A_305, %add3A_366 : i32
        %get3A_368 = arith.index_cast %add3A_367 : i32 to index
        %get3A_369 = arith.constant 0 : index
        %get3A_370 = tpu.vector_load %arg19[%get3A_368, %get3A_369] {strides = array<i32>} : memref<128x128xf32, #tpu.memory_space<vmem>>, vector<16xf32>,
        %mul3A_371 = arith.mulf %get3A_370, %gather3A_332 : vector<16xf32>
        %add3A_372 = arith.constant 3 : i32
        %add3A_373 = arith.addi %add3A_305, %add3A_372 : i32
        %swap3A_374 = arith.index_cast %add3A_373 : i32 to index
        %swap3A_375 = arith.constant 0 : index
        %swap3A_376 = tpu.vector_load %arg19[%swap3A_374, %swap3A_375] {strides = array<i32>} : memref<128x128xf32, #tpu.memory_space<vmem>>, vector<16xf32>,
        tpu.vector_store %arg19[%swap3A_374, %swap3A_375], %mul3A_371 {strides = array<i32>} : memref<128x128xf32, #tpu.memory_space<vmem>>, vector<16xf32>,
        %add3A_377 = arith.constant 0 : i32
        %add3A_378 = arith.addi %add3A_305, %add3A_377 : i32
        %get3A_379 = arith.index_cast %add3A_378 : i32 to index
        %get3A_380 = arith.constant 16 : index
        %get3A_381 = tpu.vector_load %arg19[%get3A_379, %get3A_380] {strides = array<i32>} : memref<128x128xf32, #tpu.memory_space<vmem>>, vector<16xf32>,
        %mul3A_382 = arith.mulf %get3A_381, %gather3A : vector<16xf32>
        %add3A_383 = arith.constant 0 : i32
        %add3A_384 = arith.addi %add3A_305, %add3A_383 : i32
        %swap3A_385 = arith.index_cast %add3A_384 : i32 to index
        %swap3A_386 = arith.constant 16 : index
        %swap3A_387 = tpu.vector_load %arg19[%swap3A_385, %swap3A_386] {strides = array<i32>} : memref<128x128xf32, #tpu.memory_space<vmem>>, vector<16xf32>,
        tpu.vector_store %arg19[%swap3A_385, %swap3A_386], %mul3A_382 {strides = array<i32>} : memref<128x128xf32, #tpu.memory_space<vmem>>, vector<16xf32>,
        %add3A_388 = arith.constant 1 : i32
        %add3A_389 = arith.addi %add3A_305, %add3A_388 : i32
        %get3A_390 = arith.index_cast %add3A_389 : i32 to index
        %get3A_391 = arith.constant 16 : index
        %get3A_392 = tpu.vector_load %arg19[%get3A_390, %get3A_391] {strides = array<i32>} : memref<128x128xf32, #tpu.memory_space<vmem>>, vector<16xf32>,
        %mul3A_393 = arith.mulf %get3A_392, %gather3A_318 : vector<16xf32>
        %add3A_394 = arith.constant 1 : i32
        %add3A_395 = arith.addi %add3A_305, %add3A_394 : i32
        %swap3A_396 = arith.index_cast %add3A_395 : i32 to index
        %swap3A_397 = arith.constant 16 : index
        %swap3A_398 = tpu.vector_load %arg19[%swap3A_396, %swap3A_397] {strides = array<i32>} : memref<128x128xf32, #tpu.memory_space<vmem>>, vector<16xf32>,
        tpu.vector_store %arg19[%swap3A_396, %swap3A_397], %mul3A_393 {strides = array<i32>} : memref<128x128xf32, #tpu.memory_space<vmem>>, vector<16xf32>,
        %add3A_399 = arith.constant 2 : i32
        %add3A_400 = arith.addi %add3A_305, %add3A_399 : i32
        %get3A_401 = arith.index_cast %add3A_400 : i32 to index
        %get3A_402 = arith.constant 16 : index
        %get3A_403 = tpu.vector_load %arg19[%get3A_401, %get3A_402] {strides = array<i32>} : memref<128x128xf32, #tpu.memory_space<vmem>>, vector<16xf32>,
        %mul3A_404 = arith.mulf %get3A_403, %gather3A_325 : vector<16xf32>
        %add3A_405 = arith.constant 2 : i32
        %add3A_406 = arith.addi %add3A_305, %add3A_405 : i32
        %swap3A_407 = arith.index_cast %add3A_406 : i32 to index
        %swap3A_408 = arith.constant 16 : index
        %swap3A_409 = tpu.vector_load %arg19[%swap3A_407, %swap3A_408] {strides = array<i32>} : memref<128x128xf32, #tpu.memory_space<vmem>>, vector<16xf32>,
        tpu.vector_store %arg19[%swap3A_407, %swap3A_408], %mul3A_404 {strides = array<i32>} : memref<128x128xf32, #tpu.memory_space<vmem>>, vector<16xf32>,
        %add3A_410 = arith.constant 3 : i32
        %add3A_411 = arith.addi %add3A_305, %add3A_410 : i32
        %get3A_412 = arith.index_cast %add3A_411 : i32 to index
        %get3A_413 = arith.constant 16 : index
        %get3A_414 = tpu.vector_load %arg19[%get3A_412, %get3A_413] {strides = array<i32>} : memref<128x128xf32, #tpu.memory_space<vmem>>, vector<16xf32>,
        %mul3A_415 = arith.mulf %get3A_414, %gather3A_332 : vector<16xf32>
        %add3A_416 = arith.constant 3 : i32
        %add3A_417 = arith.addi %add3A_305, %add3A_416 : i32
        %swap3A_418 = arith.index_cast %add3A_417 : i32 to index
        %swap3A_419 = arith.constant 16 : index
        %swap3A_420 = tpu.vector_load %arg19[%swap3A_418, %swap3A_419] {strides = array<i32>} : memref<128x128xf32, #tpu.memory_space<vmem>>, vector<16xf32>,
        tpu.vector_store %arg19[%swap3A_418, %swap3A_419], %mul3A_415 {strides = array<i32>} : memref<128x128xf32, #tpu.memory_space<vmem>>, vector<16xf32>,
        %add3A_421 = arith.constant 0 : i32
        %add3A_422 = arith.addi %add3A_305, %add3A_421 : i32
        %get3A_423 = arith.index_cast %add3A_422 : i32 to index
        %get3A_424 = arith.constant 32 : index
        %get3A_425 = tpu.vector_load %arg19[%get3A_423, %get3A_424] {strides = array<i32>} : memref<128x128xf32, #tpu.memory_space<vmem>>, vector<16xf32>,
        %mul3A_426 = arith.mulf %get3A_425, %gather3A : vector<16xf32>
        %add3A_427 = arith.constant 0 : i32
        %add3A_428 = arith.addi %add3A_305, %add3A_427 : i32
        %swap3A_429 = arith.index_cast %add3A_428 : i32 to index
        %swap3A_430 = arith.constant 32 : index
        %swap3A_431 = tpu.vector_load %arg19[%swap3A_429, %swap3A_430] {strides = array<i32>} : memref<128x128xf32, #tpu.memory_space<vmem>>, vector<16xf32>,
        tpu.vector_store %arg19[%swap3A_429, %swap3A_430], %mul3A_426 {strides = array<i32>} : memref<128x128xf32, #tpu.memory_space<vmem>>, vector<16xf32>,
        %add3A_432 = arith.constant 1 : i32
        %add3A_433 = arith.addi %add3A_305, %add3A_432 : i32
        %get3A_434 = arith.index_cast %add3A_433 : i32 to index
        %get3A_435 = arith.constant 32 : index
        %get3A_436 = tpu.vector_load %arg19[%get3A_434, %get3A_435] {strides = array<i32>} : memref<128x128xf32, #tpu.memory_space<vmem>>, vector<16xf32>,
        %mul3A_437 = arith.mulf %get3A_436, %gather3A_318 : vector<16xf32>
        %add3A_438 = arith.constant 1 : i32
        %add3A_439 = arith.addi %add3A_305, %add3A_438 : i32
        %swap3A_440 = arith.index_cast %add3A_439 : i32 to index
        %swap3A_441 = arith.constant 32 : index
        %swap3A_442 = tpu.vector_load %arg19[%swap3A_440, %swap3A_441] {strides = array<i32>} : memref<128x128xf32, #tpu.memory_space<vmem>>, vector<16xf32>,
        tpu.vector_store %arg19[%swap3A_440, %swap3A_441], %mul3A_437 {strides = array<i32>} : memref<128x128xf32, #tpu.memory_space<vmem>>, vector<16xf32>,
        %add3A_443 = arith.constant 2 : i32
        %add3A_444 = arith.addi %add3A_305, %add3A_443 : i32
        %get3A_445 = arith.index_cast %add3A_444 : i32 to index
        %get3A_446 = arith.constant 32 : index
        %get3A_447 = tpu.vector_load %arg19[%get3A_445, %get3A_446] {strides = array<i32>} : memref<128x128xf32, #tpu.memory_space<vmem>>, vector<16xf32>,
        %mul3A_448 = arith.mulf %get3A_447, %gather3A_325 : vector<16xf32>
        %add3A_449 = arith.constant 2 : i32
        %add3A_450 = arith.addi %add3A_305, %add3A_449 : i32
        %swap3A_451 = arith.index_cast %add3A_450 : i32 to index
        %swap3A_452 = arith.constant 32 : index
        %swap3A_453 = tpu.vector_load %arg19[%swap3A_451, %swap3A_452] {strides = array<i32>} : memref<128x128xf32, #tpu.memory_space<vmem>>, vector<16xf32>,
        tpu.vector_store %arg19[%swap3A_451, %swap3A_452], %mul3A_448 {strides = array<i32>} : memref<128x128xf32, #tpu.memory_space<vmem>>, vector<16xf32>,
        %add3A_454 = arith.constant 3 : i32
        %add3A_455 = arith.addi %add3A_305, %add3A_454 : i32
        %get3A_456 = arith.index_cast %add3A_455 : i32 to index
        %get3A_457 = arith.constant 32 : index
        %get3A_458 = tpu.vector_load %arg19[%get3A_456, %get3A_457] {strides = array<i32>} : memref<128x128xf32, #tpu.memory_space<vmem>>, vector<16xf32>,
        %mul3A_459 = arith.mulf %get3A_458, %gather3A_332 : vector<16xf32>
        %add3A_460 = arith.constant 3 : i32
        %add3A_461 = arith.addi %add3A_305, %add3A_460 : i32
        %swap3A_462 = arith.index_cast %add3A_461 : i32 to index
        %swap3A_463 = arith.constant 32 : index
        %swap3A_464 = tpu.vector_load %arg19[%swap3A_462, %swap3A_463] {strides = array<i32>} : memref<128x128xf32, #tpu.memory_space<vmem>>, vector<16xf32>,
        tpu.vector_store %arg19[%swap3A_462, %swap3A_463], %mul3A_459 {strides = array<i32>} : memref<128x128xf32, #tpu.memory_space<vmem>>, vector<16xf32>,
        %add3A_465 = arith.constant 0 : i32
        %add3A_466 = arith.addi %add3A_305, %add3A_465 : i32
        %get3A_467 = arith.index_cast %add3A_466 : i32 to index
        %get3A_468 = arith.constant 48 : index
        %get3A_469 = tpu.vector_load %arg19[%get3A_467, %get3A_468] {strides = array<i32>} : memref<128x128xf32, #tpu.memory_space<vmem>>, vector<16xf32>,
        %mul3A_470 = arith.mulf %get3A_469, %gather3A : vector<16xf32>
        %add3A_471 = arith.constant 0 : i32
        %add3A_472 = arith.addi %add3A_305, %add3A_471 : i32
        %swap3A_473 = arith.index_cast %add3A_472 : i32 to index
        %swap3A_474 = arith.constant 48 : index
        %swap3A_475 = tpu.vector_load %arg19[%swap3A_473, %swap3A_474] {strides = array<i32>} : memref<128x128xf32, #tpu.memory_space<vmem>>, vector<16xf32>,
        tpu.vector_store %arg19[%swap3A_473, %swap3A_474], %mul3A_470 {strides = array<i32>} : memref<128x128xf32, #tpu.memory_space<vmem>>, vector<16xf32>,
        %add3A_476 = arith.constant 1 : i32
        %add3A_477 = arith.addi %add3A_305, %add3A_476 : i32
        %get3A_478 = arith.index_cast %add3A_477 : i32 to index
        %get3A_479 = arith.constant 48 : index
        %get3A_480 = tpu.vector_load %arg19[%get3A_478, %get3A_479] {strides = array<i32>} : memref<128x128xf32, #tpu.memory_space<vmem>>, vector<16xf32>,
        %mul3A_481 = arith.mulf %get3A_480, %gather3A_318 : vector<16xf32>
        %add3A_482 = arith.constant 1 : i32
        %add3A_483 = arith.addi %add3A_305, %add3A_482 : i32
        %swap3A_484 = arith.index_cast %add3A_483 : i32 to index
        %swap3A_485 = arith.constant 48 : index
        %swap3A_486 = tpu.vector_load %arg19[%swap3A_484, %swap3A_485] {strides = array<i32>} : memref<128x128xf32, #tpu.memory_space<vmem>>, vector<16xf32>,
        tpu.vector_store %arg19[%swap3A_484, %swap3A_485], %mul3A_481 {strides = array<i32>} : memref<128x128xf32, #tpu.memory_space<vmem>>, vector<16xf32>,
        %add3A_487 = arith.constant 2 : i32
        %add3A_488 = arith.addi %add3A_305, %add3A_487 : i32
        %get3A_489 = arith.index_cast %add3A_488 : i32 to index
        %get3A_490 = arith.constant 48 : index
        %get3A_491 = tpu.vector_load %arg19[%get3A_489, %get3A_490] {strides = array<i32>} : memref<128x128xf32, #tpu.memory_space<vmem>>, vector<16xf32>,
        %mul3A_492 = arith.mulf %get3A_491, %gather3A_325 : vector<16xf32>
        %add3A_493 = arith.constant 2 : i32
        %add3A_494 = arith.addi %add3A_305, %add3A_493 : i32
        %swap3A_495 = arith.index_cast %add3A_494 : i32 to index
        %swap3A_496 = arith.constant 48 : index
        %swap3A_497 = tpu.vector_load %arg19[%swap3A_495, %swap3A_496] {strides = array<i32>} : memref<128x128xf32, #tpu.memory_space<vmem>>, vector<16xf32>,
        tpu.vector_store %arg19[%swap3A_495, %swap3A_496], %mul3A_492 {strides = array<i32>} : memref<128x128xf32, #tpu.memory_space<vmem>>, vector<16xf32>,
        %add3A_498 = arith.constant 3 : i32
        %add3A_499 = arith.addi %add3A_305, %add3A_498 : i32
        %get3A_500 = arith.index_cast %add3A_499 : i32 to index
        %get3A_501 = arith.constant 48 : index
        %get3A_502 = tpu.vector_load %arg19[%get3A_500, %get3A_501] {strides = array<i32>} : memref<128x128xf32, #tpu.memory_space<vmem>>, vector<16xf32>,
        %mul3A_503 = arith.mulf %get3A_502, %gather3A_332 : vector<16xf32>
        %add3A_504 = arith.constant 3 : i32
        %add3A_505 = arith.addi %add3A_305, %add3A_504 : i32
        %swap3A_506 = arith.index_cast %add3A_505 : i32 to index
        %swap3A_507 = arith.constant 48 : index
        %swap3A_508 = tpu.vector_load %arg19[%swap3A_506, %swap3A_507] {strides = array<i32>} : memref<128x128xf32, #tpu.memory_space<vmem>>, vector<16xf32>,
        tpu.vector_store %arg19[%swap3A_506, %swap3A_507], %mul3A_503 {strides = array<i32>} : memref<128x128xf32, #tpu.memory_space<vmem>>, vector<16xf32>,
        %add3A_509 = arith.constant 0 : i32
        %add3A_510 = arith.addi %add3A_305, %add3A_509 : i32
        %get3A_511 = arith.index_cast %add3A_510 : i32 to index
        %get3A_512 = arith.constant 64 : index
        %get3A_513 = tpu.vector_load %arg19[%get3A_511, %get3A_512] {strides = array<i32>} : memref<128x128xf32, #tpu.memory_space<vmem>>, vector<16xf32>,
        %mul3A_514 = arith.mulf %get3A_513, %gather3A : vector<16xf32>
        %add3A_515 = arith.constant 0 : i32
        %add3A_516 = arith.addi %add3A_305, %add3A_515 : i32
        %swap3A_517 = arith.index_cast %add3A_516 : i32 to index
        %swap3A_518 = arith.constant 64 : index
        %swap3A_519 = tpu.vector_load %arg19[%swap3A_517, %swap3A_518] {strides = array<i32>} : memref<128x128xf32, #tpu.memory_space<vmem>>, vector<16xf32>,
        tpu.vector_store %arg19[%swap3A_517, %swap3A_518], %mul3A_514 {strides = array<i32>} : memref<128x128xf32, #tpu.memory_space<vmem>>, vector<16xf32>,
        %add3A_520 = arith.constant 1 : i32
        %add3A_521 = arith.addi %add3A_305, %add3A_520 : i32
        %get3A_522 = arith.index_cast %add3A_521 : i32 to index
        %get3A_523 = arith.constant 64 : index
        %get3A_524 = tpu.vector_load %arg19[%get3A_522, %get3A_523] {strides = array<i32>} : memref<128x128xf32, #tpu.memory_space<vmem>>, vector<16xf32>,
        %mul3A_525 = arith.mulf %get3A_524, %gather3A_318 : vector<16xf32>
        %add3A_526 = arith.constant 1 : i32
        %add3A_527 = arith.addi %add3A_305, %add3A_526 : i32
        %swap3A_528 = arith.index_cast %add3A_527 : i32 to index
        %swap3A_529 = arith.constant 64 : index
        %swap3A_530 = tpu.vector_load %arg19[%swap3A_528, %swap3A_529] {strides = array<i32>} : memref<128x128xf32, #tpu.memory_space<vmem>>, vector<16xf32>,
        tpu.vector_store %arg19[%swap3A_528, %swap3A_529], %mul3A_525 {strides = array<i32>} : memref<128x128xf32, #tpu.memory_space<vmem>>, vector<16xf32>,
        %add3A_531 = arith.constant 2 : i32
        %add3A_532 = arith.addi %add3A_305, %add3A_531 : i32
        %get3A_533 = arith.index_cast %add3A_532 : i32 to index
        %get3A_534 = arith.constant 64 : index
        %get3A_535 = tpu.vector_load %arg19[%get3A_533, %get3A_534] {strides = array<i32>} : memref<128x128xf32, #tpu.memory_space<vmem>>, vector<16xf32>,
        %mul3A_536 = arith.mulf %get3A_535, %gather3A_325 : vector<16xf32>
        %add3A_537 = arith.constant 2 : i32
        %add3A_538 = arith.addi %add3A_305, %add3A_537 : i32
        %swap3A_539 = arith.index_cast %add3A_538 : i32 to index
        %swap3A_540 = arith.constant 64 : index
        %swap3A_541 = tpu.vector_load %arg19[%swap3A_539, %swap3A_540] {strides = array<i32>} : memref<128x128xf32, #tpu.memory_space<vmem>>, vector<16xf32>,
        tpu.vector_store %arg19[%swap3A_539, %swap3A_540], %mul3A_536 {strides = array<i32>} : memref<128x128xf32, #tpu.memory_space<vmem>>, vector<16xf32>,
        %add3A_542 = arith.constant 3 : i32
        %add3A_543 = arith.addi %add3A_305, %add3A_542 : i32
        %get3A_544 = arith.index_cast %add3A_543 : i32 to index
        %get3A_545 = arith.constant 64 : index
        %get3A_546 = tpu.vector_load %arg19[%get3A_544, %get3A_545] {strides = array<i32>} : memref<128x128xf32, #tpu.memory_space<vmem>>, vector<16xf32>,
        %mul3A_547 = arith.mulf %get3A_546, %gather3A_332 : vector<16xf32>
        %add3A_548 = arith.constant 3 : i32
        %add3A_549 = arith.addi %add3A_305, %add3A_548 : i32
        %swap3A_550 = arith.index_cast %add3A_549 : i32 to index
        %swap3A_551 = arith.constant 64 : index
        %swap3A_552 = tpu.vector_load %arg19[%swap3A_550, %swap3A_551] {strides = array<i32>} : memref<128x128xf32, #tpu.memory_space<vmem>>, vector<16xf32>,
        tpu.vector_store %arg19[%swap3A_550, %swap3A_551], %mul3A_547 {strides = array<i32>} : memref<128x128xf32, #tpu.memory_space<vmem>>, vector<16xf32>,
        %add3A_553 = arith.constant 0 : i32
        %add3A_554 = arith.addi %add3A_305, %add3A_553 : i32
        %get3A_555 = arith.index_cast %add3A_554 : i32 to index
        %get3A_556 = arith.constant 80 : index
        %get3A_557 = tpu.vector_load %arg19[%get3A_555, %get3A_556] {strides = array<i32>} : memref<128x128xf32, #tpu.memory_space<vmem>>, vector<16xf32>,
        %mul3A_558 = arith.mulf %get3A_557, %gather3A : vector<16xf32>
        %add3A_559 = arith.constant 0 : i32
        %add3A_560 = arith.addi %add3A_305, %add3A_559 : i32
        %swap3A_561 = arith.index_cast %add3A_560 : i32 to index
        %swap3A_562 = arith.constant 80 : index
        %swap3A_563 = tpu.vector_load %arg19[%swap3A_561, %swap3A_562] {strides = array<i32>} : memref<128x128xf32, #tpu.memory_space<vmem>>, vector<16xf32>,
        tpu.vector_store %arg19[%swap3A_561, %swap3A_562], %mul3A_558 {strides = array<i32>} : memref<128x128xf32, #tpu.memory_space<vmem>>, vector<16xf32>,
        %add3A_564 = arith.constant 1 : i32
        %add3A_565 = arith.addi %add3A_305, %add3A_564 : i32
        %get3A_566 = arith.index_cast %add3A_565 : i32 to index
        %get3A_567 = arith.constant 80 : index
        %get3A_568 = tpu.vector_load %arg19[%get3A_566, %get3A_567] {strides = array<i32>} : memref<128x128xf32, #tpu.memory_space<vmem>>, vector<16xf32>,
        %mul3A_569 = arith.mulf %get3A_568, %gather3A_318 : vector<16xf32>
        %add3A_570 = arith.constant 1 : i32
        %add3A_571 = arith.addi %add3A_305, %add3A_570 : i32
        %swap3A_572 = arith.index_cast %add3A_571 : i32 to index
        %swap3A_573 = arith.constant 80 : index
        %swap3A_574 = tpu.vector_load %arg19[%swap3A_572, %swap3A_573] {strides = array<i32>} : memref<128x128xf32, #tpu.memory_space<vmem>>, vector<16xf32>,
        tpu.vector_store %arg19[%swap3A_572, %swap3A_573], %mul3A_569 {strides = array<i32>} : memref<128x128xf32, #tpu.memory_space<vmem>>, vector<16xf32>,
        %add3A_575 = arith.constant 2 : i32
        %add3A_576 = arith.addi %add3A_305, %add3A_575 : i32
        %get3A_577 = arith.index_cast %add3A_576 : i32 to index
        %get3A_578 = arith.constant 80 : index
        %get3A_579 = tpu.vector_load %arg19[%get3A_577, %get3A_578] {strides = array<i32>} : memref<128x128xf32, #tpu.memory_space<vmem>>, vector<16xf32>,
        %mul3A_580 = arith.mulf %get3A_579, %gather3A_325 : vector<16xf32>
        %add3A_581 = arith.constant 2 : i32
        %add3A_582 = arith.addi %add3A_305, %add3A_581 : i32
        %swap3A_583 = arith.index_cast %add3A_582 : i32 to index
        %swap3A_584 = arith.constant 80 : index
        %swap3A_585 = tpu.vector_load %arg19[%swap3A_583, %swap3A_584] {strides = array<i32>} : memref<128x128xf32, #tpu.memory_space<vmem>>, vector<16xf32>,
        tpu.vector_store %arg19[%swap3A_583, %swap3A_584], %mul3A_580 {strides = array<i32>} : memref<128x128xf32, #tpu.memory_space<vmem>>, vector<16xf32>,
        %add3A_586 = arith.constant 3 : i32
        %add3A_587 = arith.addi %add3A_305, %add3A_586 : i32
        %get3A_588 = arith.index_cast %add3A_587 : i32 to index
        %get3A_589 = arith.constant 80 : index
        %get3A_590 = tpu.vector_load %arg19[%get3A_588, %get3A_589] {strides = array<i32>} : memref<128x128xf32, #tpu.memory_space<vmem>>, vector<16xf32>,
        %mul3A_591 = arith.mulf %get3A_590, %gather3A_332 : vector<16xf32>
        %add3A_592 = arith.constant 3 : i32
        %add3A_593 = arith.addi %add3A_305, %add3A_592 : i32
        %swap3A_594 = arith.index_cast %add3A_593 : i32 to index
        %swap3A_595 = arith.constant 80 : index
        %swap3A_596 = tpu.vector_load %arg19[%swap3A_594, %swap3A_595] {strides = array<i32>} : memref<128x128xf32, #tpu.memory_space<vmem>>, vector<16xf32>,
        tpu.vector_store %arg19[%swap3A_594, %swap3A_595], %mul3A_591 {strides = array<i32>} : memref<128x128xf32, #tpu.memory_space<vmem>>, vector<16xf32>,
        %add3A_597 = arith.constant 0 : i32
        %add3A_598 = arith.addi %add3A_305, %add3A_597 : i32
        %get3A_599 = arith.index_cast %add3A_598 : i32 to index
        %get3A_600 = arith.constant 96 : index
        %get3A_601 = tpu.vector_load %arg19[%get3A_599, %get3A_600] {strides = array<i32>} : memref<128x128xf32, #tpu.memory_space<vmem>>, vector<16xf32>,
        %mul3A_602 = arith.mulf %get3A_601, %gather3A : vector<16xf32>
        %add3A_603 = arith.constant 0 : i32
        %add3A_604 = arith.addi %add3A_305, %add3A_603 : i32
        %swap3A_605 = arith.index_cast %add3A_604 : i32 to index
        %swap3A_606 = arith.constant 96 : index
        %swap3A_607 = tpu.vector_load %arg19[%swap3A_605, %swap3A_606] {strides = array<i32>} : memref<128x128xf32, #tpu.memory_space<vmem>>, vector<16xf32>,
        tpu.vector_store %arg19[%swap3A_605, %swap3A_606], %mul3A_602 {strides = array<i32>} : memref<128x128xf32, #tpu.memory_space<vmem>>, vector<16xf32>,
        %add3A_608 = arith.constant 1 : i32
        %add3A_609 = arith.addi %add3A_305, %add3A_608 : i32
        %get3A_610 = arith.index_cast %add3A_609 : i32 to index
        %get3A_611 = arith.constant 96 : index
        %get3A_612 = tpu.vector_load %arg19[%get3A_610, %get3A_611] {strides = array<i32>} : memref<128x128xf32, #tpu.memory_space<vmem>>, vector<16xf32>,
        %mul3A_613 = arith.mulf %get3A_612, %gather3A_318 : vector<16xf32>
        %add3A_614 = arith.constant 1 : i32
        %add3A_615 = arith.addi %add3A_305, %add3A_614 : i32
        %swap3A_616 = arith.index_cast %add3A_615 : i32 to index
        %swap3A_617 = arith.constant 96 : index
        %swap3A_618 = tpu.vector_load %arg19[%swap3A_616, %swap3A_617] {strides = array<i32>} : memref<128x128xf32, #tpu.memory_space<vmem>>, vector<16xf32>,
        tpu.vector_store %arg19[%swap3A_616, %swap3A_617], %mul3A_613 {strides = array<i32>} : memref<128x128xf32, #tpu.memory_space<vmem>>, vector<16xf32>,
        %add3A_619 = arith.constant 2 : i32
        %add3A_620 = arith.addi %add3A_305, %add3A_619 : i32
        %get3A_621 = arith.index_cast %add3A_620 : i32 to index
        %get3A_622 = arith.constant 96 : index
        %get3A_623 = tpu.vector_load %arg19[%get3A_621, %get3A_622] {strides = array<i32>} : memref<128x128xf32, #tpu.memory_space<vmem>>, vector<16xf32>,
        %mul3A_624 = arith.mulf %get3A_623, %gather3A_325 : vector<16xf32>
        %add3A_625 = arith.constant 2 : i32
        %add3A_626 = arith.addi %add3A_305, %add3A_625 : i32
        %swap3A_627 = arith.index_cast %add3A_626 : i32 to index
        %swap3A_628 = arith.constant 96 : index
        %swap3A_629 = tpu.vector_load %arg19[%swap3A_627, %swap3A_628] {strides = array<i32>} : memref<128x128xf32, #tpu.memory_space<vmem>>, vector<16xf32>,
        tpu.vector_store %arg19[%swap3A_627, %swap3A_628], %mul3A_624 {strides = array<i32>} : memref<128x128xf32, #tpu.memory_space<vmem>>, vector<16xf32>,
        %add3A_630 = arith.constant 3 : i32
        %add3A_631 = arith.addi %add3A_305, %add3A_630 : i32
        %get3A_632 = arith.index_cast %add3A_631 : i32 to index
        %get3A_633 = arith.constant 96 : index
        %get3A_634 = tpu.vector_load %arg19[%get3A_632, %get3A_633] {strides = array<i32>} : memref<128x128xf32, #tpu.memory_space<vmem>>, vector<16xf32>,
        %mul3A_635 = arith.mulf %get3A_634, %gather3A_332 : vector<16xf32>
        %add3A_636 = arith.constant 3 : i32
        %add3A_637 = arith.addi %add3A_305, %add3A_636 : i32
        %swap3A_638 = arith.index_cast %add3A_637 : i32 to index
        %swap3A_639 = arith.constant 96 : index
        %swap3A_640 = tpu.vector_load %arg19[%swap3A_638, %swap3A_639] {strides = array<i32>} : memref<128x128xf32, #tpu.memory_space<vmem>>, vector<16xf32>,
        tpu.vector_store %arg19[%swap3A_638, %swap3A_639], %mul3A_635 {strides = array<i32>} : memref<128x128xf32, #tpu.memory_space<vmem>>, vector<16xf32>,
        %add3A_641 = arith.constant 0 : i32
        %add3A_642 = arith.addi %add3A_305, %add3A_641 : i32
        %get3A_643 = arith.index_cast %add3A_642 : i32 to index
        %get3A_644 = arith.constant 112 : index
        %get3A_645 = tpu.vector_load %arg19[%get3A_643, %get3A_644] {strides = array<i32>} : memref<128x128xf32, #tpu.memory_space<vmem>>, vector<16xf32>,
        %mul3A_646 = arith.mulf %get3A_645, %gather3A : vector<16xf32>
        %add3A_647 = arith.constant 0 : i32
        %add3A_648 = arith.addi %add3A_305, %add3A_647 : i32
        %swap3A_649 = arith.index_cast %add3A_648 : i32 to index
        %swap3A_650 = arith.constant 112 : index
        %swap3A_651 = tpu.vector_load %arg19[%swap3A_649, %swap3A_650] {strides = array<i32>} : memref<128x128xf32, #tpu.memory_space<vmem>>, vector<16xf32>,
        tpu.vector_store %arg19[%swap3A_649, %swap3A_650], %mul3A_646 {strides = array<i32>} : memref<128x128xf32, #tpu.memory_space<vmem>>, vector<16xf32>,
        %add3A_652 = arith.constant 1 : i32
        %add3A_653 = arith.addi %add3A_305, %add3A_652 : i32
        %get3A_654 = arith.index_cast %add3A_653 : i32 to index
        %get3A_655 = arith.constant 112 : index
        %get3A_656 = tpu.vector_load %arg19[%get3A_654, %get3A_655] {strides = array<i32>} : memref<128x128xf32, #tpu.memory_space<vmem>>, vector<16xf32>,
        %mul3A_657 = arith.mulf %get3A_656, %gather3A_318 : vector<16xf32>
        %add3A_658 = arith.constant 1 : i32
        %add3A_659 = arith.addi %add3A_305, %add3A_658 : i32
        %swap3A_660 = arith.index_cast %add3A_659 : i32 to index
        %swap3A_661 = arith.constant 112 : index
        %swap3A_662 = tpu.vector_load %arg19[%swap3A_660, %swap3A_661] {strides = array<i32>} : memref<128x128xf32, #tpu.memory_space<vmem>>, vector<16xf32>,
        tpu.vector_store %arg19[%swap3A_660, %swap3A_661], %mul3A_657 {strides = array<i32>} : memref<128x128xf32, #tpu.memory_space<vmem>>, vector<16xf32>,
        %add3A_663 = arith.constant 2 : i32
        %add3A_664 = arith.addi %add3A_305, %add3A_663 : i32
        %get3A_665 = arith.index_cast %add3A_664 : i32 to index
        %get3A_666 = arith.constant 112 : index
        %get3A_667 = tpu.vector_load %arg19[%get3A_665, %get3A_666] {strides = array<i32>} : memref<128x128xf32, #tpu.memory_space<vmem>>, vector<16xf32>,
        %mul3A_668 = arith.mulf %get3A_667, %gather3A_325 : vector<16xf32>
        %add3A_669 = arith.constant 2 : i32
        %add3A_670 = arith.addi %add3A_305, %add3A_669 : i32
        %swap3A_671 = arith.index_cast %add3A_670 : i32 to index
        %swap3A_672 = arith.constant 112 : index
        %swap3A_673 = tpu.vector_load %arg19[%swap3A_671, %swap3A_672] {strides = array<i32>} : memref<128x128xf32, #tpu.memory_space<vmem>>, vector<16xf32>,
        tpu.vector_store %arg19[%swap3A_671, %swap3A_672], %mul3A_668 {strides = array<i32>} : memref<128x128xf32, #tpu.memory_space<vmem>>, vector<16xf32>,
        %add3A_674 = arith.constant 3 : i32
        %add3A_675 = arith.addi %add3A_305, %add3A_674 : i32
        %get3A_676 = arith.index_cast %add3A_675 : i32 to index
        %get3A_677 = arith.constant 112 : index
        %get3A_678 = tpu.vector_load %arg19[%get3A_676, %get3A_677] {strides = array<i32>} : memref<128x128xf32, #tpu.memory_space<vmem>>, vector<16xf32>,
        %mul3A_679 = arith.mulf %get3A_678, %gather3A_332 : vector<16xf32>
        %add3A_680 = arith.constant 3 : i32
        %add3A_681 = arith.addi %add3A_305, %add3A_680 : i32
        %swap3A_682 = arith.index_cast %add3A_681 : i32 to index
        %swap3A_683 = arith.constant 112 : index
        %swap3A_684 = tpu.vector_load %arg19[%swap3A_682, %swap3A_683] {strides = array<i32>} : memref<128x128xf32, #tpu.memory_space<vmem>>, vector<16xf32>,
        tpu.vector_store %arg19[%swap3A_682, %swap3A_683], %mul3A_679 {strides = array<i32>} : memref<128x128xf32, #tpu.memory_space<vmem>>, vector<16xf32>,
      }
      %scan3A_115 = arith.constant 32 : i32
      %get3A = arith.constant 0 : index
      %get3A_116 = tpu.vector_load %arg10[%get3A] {strides = array<i32>} : memref<128xi32, #tpu.memory_space<vmem>>, vector<16xi32>,
      %swap3A = arith.constant 0 : index
      %swap3A_117 = tpu.vector_load %arg16[%swap3A] {strides = array<i32>} : memref<128xi32, #tpu.memory_space<vmem>>, vector<16xi32>,
      tpu.vector_store %arg16[%swap3A], %get3A_116 {strides = array<i32>} : memref<128xi32, #tpu.memory_space<vmem>>, vector<16xi32>,
      %get3A_118 = arith.constant 16 : index
      %get3A_119 = tpu.vector_load %arg10[%get3A_118] {strides = array<i32>} : memref<128xi32, #tpu.memory_space<vmem>>, vector<16xi32>,
      %swap3A_120 = arith.constant 16 : index
      %swap3A_121 = tpu.vector_load %arg16[%swap3A_120] {strides = array<i32>} : memref<128xi32, #tpu.memory_space<vmem>>, vector<16xi32>,
      tpu.vector_store %arg16[%swap3A_120], %get3A_119 {strides = array<i32>} : memref<128xi32, #tpu.memory_space<vmem>>, vector<16xi32>,
      %get3A_122 = arith.constant 32 : index
      %get3A_123 = tpu.vector_load %arg10[%get3A_122] {strides = array<i32>} : memref<128xi32, #tpu.memory_space<vmem>>, vector<16xi32>,
      %swap3A_124 = arith.constant 32 : index
      %swap3A_125 = tpu.vector_load %arg16[%swap3A_124] {strides = array<i32>} : memref<128xi32, #tpu.memory_space<vmem>>, vector<16xi32>,
      tpu.vector_store %arg16[%swap3A_124], %get3A_123 {strides = array<i32>} : memref<128xi32, #tpu.memory_space<vmem>>, vector<16xi32>,
      %get3A_126 = arith.constant 48 : index
      %get3A_127 = tpu.vector_load %arg10[%get3A_126] {strides = array<i32>} : memref<128xi32, #tpu.memory_space<vmem>>, vector<16xi32>,
      %swap3A_128 = arith.constant 48 : index
      %swap3A_129 = tpu.vector_load %arg16[%swap3A_128] {strides = array<i32>} : memref<128xi32, #tpu.memory_space<vmem>>, vector<16xi32>,
      tpu.vector_store %arg16[%swap3A_128], %get3A_127 {strides = array<i32>} : memref<128xi32, #tpu.memory_space<vmem>>, vector<16xi32>,
      %get3A_130 = arith.constant 64 : index
      %get3A_131 = tpu.vector_load %arg10[%get3A_130] {strides = array<i32>} : memref<128xi32, #tpu.memory_space<vmem>>, vector<16xi32>,
      %swap3A_132 = arith.constant 64 : index
      %swap3A_133 = tpu.vector_load %arg16[%swap3A_132] {strides = array<i32>} : memref<128xi32, #tpu.memory_space<vmem>>, vector<16xi32>,
      tpu.vector_store %arg16[%swap3A_132], %get3A_131 {strides = array<i32>} : memref<128xi32, #tpu.memory_space<vmem>>, vector<16xi32>,
      %get3A_134 = arith.constant 80 : index
      %get3A_135 = tpu.vector_load %arg10[%get3A_134] {strides = array<i32>} : memref<128xi32, #tpu.memory_space<vmem>>, vector<16xi32>,
      %swap3A_136 = arith.constant 80 : index
      %swap3A_137 = tpu.vector_load %arg16[%swap3A_136] {strides = array<i32>} : memref<128xi32, #tpu.memory_space<vmem>>, vector<16xi32>,
      tpu.vector_store %arg16[%swap3A_136], %get3A_135 {strides = array<i32>} : memref<128xi32, #tpu.memory_space<vmem>>, vector<16xi32>,
      %get3A_138 = arith.constant 96 : index
      %get3A_139 = tpu.vector_load %arg10[%get3A_138] {strides = array<i32>} : memref<128xi32, #tpu.memory_space<vmem>>, vector<16xi32>,
      %swap3A_140 = arith.constant 96 : index
      %swap3A_141 = tpu.vector_load %arg16[%swap3A_140] {strides = array<i32>} : memref<128xi32, #tpu.memory_space<vmem>>, vector<16xi32>,
      tpu.vector_store %arg16[%swap3A_140], %get3A_139 {strides = array<i32>} : memref<128xi32, #tpu.memory_space<vmem>>, vector<16xi32>,
      %get3A_142 = arith.constant 112 : index
      %get3A_143 = tpu.vector_load %arg10[%get3A_142] {strides = array<i32>} : memref<128xi32, #tpu.memory_space<vmem>>, vector<16xi32>,
      %swap3A_144 = arith.constant 112 : index
      %swap3A_145 = tpu.vector_load %arg16[%swap3A_144] {strides = array<i32>} : memref<128xi32, #tpu.memory_space<vmem>>, vector<16xi32>,
      tpu.vector_store %arg16[%swap3A_144], %get3A_143 {strides = array<i32>} : memref<128xi32, #tpu.memory_space<vmem>>, vector<16xi32>,
      %dma_start3A_146 = arith.constant 0 : i32
      %dma_start3A_147 = arith.constant 0 : i32
      %dma_start3A_148 = tpu.memref_slice %arg22[%dma_start3A_146, %dma_start3A_147] : memref<10000x128xf32, #tpu.memory_space<vmem_shared>> -> memref<10000x128xf32, #tpu.memory_space<vmem_shared>>
      tpu.enqueue_indirect_dma source(%arg19 : memref<128x128xf32, #tpu.memory_space<vmem>>) target(%dma_start3A_148 : memref<10000x128xf32, #tpu.memory_space<vmem_shared>>) offsets(%arg16 : memref<128xi32, #tpu.memory_space<vmem>>) semaphore(%arg29 : memref<!tpu.dma_semaphore, #tpu.memory_space<semaphore_mem>>) {add = true}
      %add3A_149 = arith.constant 3 : i32
      %add3A_150 = arith.addi %add3A_107, %add3A_149 : i32
      %lt3A = arith.constant 81 : i32
      %lt3A_151 = arith.cmpi slt, %add3A_150, %lt3A : i32
      %convert_element_type3A = arith.extui %lt3A_151 : i1 to i32
      %cond3A = arith.constant 0 : i32
      %cond3A_152 = arith.cmpi ne, %convert_element_type3A, %cond3A : i32
      scf.if %cond3A_152 {
        %add3A_301 = arith.constant 3 : i32
        %add3A_302 = arith.addi %add3A_107, %add3A_301 : i32
        %mul3A_303 = arith.constant 81 : i32
        %mul3A_304 = arith.muli %add3A, %mul3A_303 : i32
        %add3A_305 = arith.addi %mul3A_304, %add3A_302 : i32
        %mul3A_306 = arith.constant 128 : i32
        %mul3A_307 = arith.muli %add3A_305, %mul3A_306 : i32
        %dma_start3A_308 = tpu.memref_slice %arg4[%mul3A_307] : memref<331776xi32, #tpu.memory_space<hbm>> -> memref<128xi32, #tpu.memory_space<hbm>>
        %dma_start3A_309 = tpu.memref_slice %arg4[%mul3A_307] : memref<331776xi32, #tpu.memory_space<hbm>> -> memref<128xi32, #tpu.memory_space<hbm>>
        tpu.enqueue_dma source(%dma_start3A_309 : memref<128xi32, #tpu.memory_space<hbm>>) target(%arg7 : memref<128xi32, #tpu.memory_space<vmem>>) target_semaphore(%arg23 : memref<!tpu.dma_semaphore, #tpu.memory_space<semaphore_mem>>)
        %dma_start3A_310 = tpu.memref_slice %arg3[%mul3A_307] : memref<331776xi32, #tpu.memory_space<hbm>> -> memref<128xi32, #tpu.memory_space<hbm>>
        %dma_start3A_311 = tpu.memref_slice %arg3[%mul3A_307] : memref<331776xi32, #tpu.memory_space<hbm>> -> memref<128xi32, #tpu.memory_space<hbm>>
        tpu.enqueue_dma source(%dma_start3A_311 : memref<128xi32, #tpu.memory_space<hbm>>) target(%arg10 : memref<128xi32, #tpu.memory_space<vmem>>) target_semaphore(%arg23 : memref<!tpu.dma_semaphore, #tpu.memory_space<semaphore_mem>>)
        %dma_start3A_312 = tpu.memref_slice %arg5[%mul3A_307] : memref<331776xf32, #tpu.memory_space<hbm>> -> memref<128xf32, #tpu.memory_space<hbm>>
        %dma_start3A_313 = tpu.memref_slice %arg5[%mul3A_307] : memref<331776xf32, #tpu.memory_space<hbm>> -> memref<128xf32, #tpu.memory_space<hbm>>
        tpu.enqueue_dma source(%dma_start3A_313 : memref<128xf32, #tpu.memory_space<hbm>>) target(%arg13 : memref<128xf32, #tpu.memory_space<vmem>>) target_semaphore(%arg23 : memref<!tpu.dma_semaphore, #tpu.memory_space<semaphore_mem>>)
      } else {
      }
      %ge3A = arith.constant 1 : i32
      %ge3A_153 = arith.cmpi sge, %add3A_107, %ge3A : i32
      %convert_element_type3A_154 = arith.extui %ge3A_153 : i1 to i32
      %cond3A_155 = arith.constant 0 : i32
      %cond3A_156 = arith.cmpi ne, %convert_element_type3A_154, %cond3A_155 : i32
      scf.if %cond3A_156 {
        %dma_wait3A_301 = arith.constant 0 : i32
        %dma_wait3A_302 = arith.constant 0 : i32
        %dma_wait3A_303 = tpu.memref_slice %arg22[%dma_wait3A_301, %dma_wait3A_302] : memref<10000x128xf32, #tpu.memory_space<vmem_shared>> -> memref<10000x128xf32, #tpu.memory_space<vmem_shared>>
        tpu.wait_indirect_dma semaphore(%arg31 : memref<!tpu.dma_semaphore, #tpu.memory_space<semaphore_mem>>) src(%arg21 : memref<128x128xf32, #tpu.memory_space<vmem>>) dst(%dma_wait3A_303 : memref<10000x128xf32, #tpu.memory_space<vmem_shared>>)
      } else {
      }
      %add3A_157 = arith.constant 3 : i32
      %add3A_158 = arith.addi %add3A_107, %add3A_157 : i32
      %sub3A = arith.constant 1 : i32
      %sub3A_159 = arith.subi %add3A_158, %sub3A : i32
      %lt3A_160 = arith.constant 81 : i32
      %lt3A_161 = arith.cmpi slt, %sub3A_159, %lt3A_160 : i32
      %convert_element_type3A_162 = arith.extui %lt3A_161 : i1 to i32
      %cond3A_163 = arith.constant 0 : i32
      %cond3A_164 = arith.cmpi ne, %convert_element_type3A_162, %cond3A_163 : i32
      scf.if %cond3A_164 {
        %dma_wait3A_301 = arith.constant 0 : i32
        %dma_wait3A_302 = tpu.memref_slice %arg4[%dma_wait3A_301] : memref<331776xi32, #tpu.memory_space<hbm>> -> memref<128xi32, #tpu.memory_space<hbm>>
        %dma_wait3A_303 = arith.constant 0 : i32
        %dma_wait3A_304 = tpu.memref_slice %arg4[%dma_wait3A_303] : memref<331776xi32, #tpu.memory_space<hbm>> -> memref<128xi32, #tpu.memory_space<hbm>>
        tpu.wait_dma2 semaphore(%arg25 : memref<!tpu.dma_semaphore, #tpu.memory_space<semaphore_mem>>) src(%dma_wait3A_304 : memref<128xi32, #tpu.memory_space<hbm>>) dst(%arg9 : memref<128xi32, #tpu.memory_space<vmem>>)
        %dma_wait3A_305 = arith.constant 0 : i32
        %dma_wait3A_306 = tpu.memref_slice %arg4[%dma_wait3A_305] : memref<331776xi32, #tpu.memory_space<hbm>> -> memref<128xi32, #tpu.memory_space<hbm>>
        %dma_wait3A_307 = arith.constant 0 : i32
        %dma_wait3A_308 = tpu.memref_slice %arg4[%dma_wait3A_307] : memref<331776xi32, #tpu.memory_space<hbm>> -> memref<128xi32, #tpu.memory_space<hbm>>
        tpu.wait_dma2 semaphore(%arg25 : memref<!tpu.dma_semaphore, #tpu.memory_space<semaphore_mem>>) src(%dma_wait3A_308 : memref<128xi32, #tpu.memory_space<hbm>>) dst(%arg12 : memref<128xi32, #tpu.memory_space<vmem>>)
        %dma_wait3A_309 = arith.constant 0 : i32
        %dma_wait3A_310 = tpu.memref_slice %arg5[%dma_wait3A_309] : memref<331776xf32, #tpu.memory_space<hbm>> -> memref<128xf32, #tpu.memory_space<hbm>>
        %dma_wait3A_311 = arith.constant 0 : i32
        %dma_wait3A_312 = tpu.memref_slice %arg5[%dma_wait3A_311] : memref<331776xf32, #tpu.memory_space<hbm>> -> memref<128xf32, #tpu.memory_space<hbm>>
        tpu.wait_dma2 semaphore(%arg25 : memref<!tpu.dma_semaphore, #tpu.memory_space<semaphore_mem>>) src(%dma_wait3A_312 : memref<128xf32, #tpu.memory_space<hbm>>) dst(%arg15 : memref<128xf32, #tpu.memory_space<vmem>>)
        %dma_start3A_313 = arith.constant 0 : i32
        %dma_start3A_314 = arith.constant 0 : i32
        %dma_start3A_315 = tpu.memref_slice %arg2[%dma_start3A_313, %dma_start3A_314] : memref<10000x128xf32, #tpu.memory_space<hbm>> -> memref<10000x128xf32, #tpu.memory_space<hbm>>
        tpu.enqueue_indirect_dma source(%dma_start3A_315 : memref<10000x128xf32, #tpu.memory_space<hbm>>) target(%arg21 : memref<128x128xf32, #tpu.memory_space<vmem>>) offsets(%arg9 : memref<128xi32, #tpu.memory_space<vmem>>) semaphore(%arg28 : memref<!tpu.dma_semaphore, #tpu.memory_space<semaphore_mem>>)
      } else {
      }
      %mul3A_165 = arith.constant 3 : i32
      %mul3A_166 = arith.muli %add3A_103, %mul3A_165 : i32
      %add3A_167 = arith.constant 1 : i32
      %add3A_168 = arith.addi %mul3A_166, %add3A_167 : i32
      %dma_wait3A_169 = arith.constant 0 : i32
      %dma_wait3A_170 = arith.constant 0 : i32
      %dma_wait3A_171 = tpu.memref_slice %arg2[%dma_wait3A_169, %dma_wait3A_170] : memref<10000x128xf32, #tpu.memory_space<hbm>> -> memref<10000x128xf32, #tpu.memory_space<hbm>>
      tpu.wait_indirect_dma semaphore(%arg27 : memref<!tpu.dma_semaphore, #tpu.memory_space<semaphore_mem>>) src(%dma_wait3A_171 : memref<10000x128xf32, #tpu.memory_space<hbm>>) dst(%arg20 : memref<128x128xf32, #tpu.memory_space<vmem>>)
      %scan3A_172 = arith.constant 0 : i32
      %scan3A_173 = arith.constant 32 : i32
      %scan3A_174 = arith.addi %scan3A_172, %scan3A_173 : i32
      %scan3A_175 = arith.constant 1 : i32
      scf.for %scan3A_301 = %scan3A_172 to %scan3A_174 step %scan3A_175  : i32 {
        %mul3A_302 = arith.constant 4 : i32
        %mul3A_303 = arith.muli %scan3A_301, %mul3A_302 : i32
        %add3A_304 = arith.constant 0 : i32
        %add3A_305 = arith.addi %add3A_304, %mul3A_303 : i32
        %broadcast_in_dim3A_306 = arith.constant 0 : i32
        %broadcast_in_dim3A_307 = vector.broadcast %broadcast_in_dim3A_306 : i32 to vector<16xi32>
        %add3A_308 = arith.constant 0 : i32
        %add3A_309 = arith.addi %add3A_305, %add3A_308 : i32
        %add3A_310 = vector.broadcast %add3A_309 : i32 to vector<16xi32>
        %add3A_311 = arith.addi %broadcast_in_dim3A_307, %add3A_310 : vector<16xi32>
        %gather3A = tpu.vector_load_idx %arg14[%add3A_311] : memref<128xf32, #tpu.memory_space<vmem>>[vector<16xi32>], vector<16xf32>,
        %broadcast_in_dim3A_312 = arith.constant 0 : i32
        %broadcast_in_dim3A_313 = vector.broadcast %broadcast_in_dim3A_312 : i32 to vector<16xi32>
        %add3A_314 = arith.constant 1 : i32
        %add3A_315 = arith.addi %add3A_305, %add3A_314 : i32
        %add3A_316 = vector.broadcast %add3A_315 : i32 to vector<16xi32>
        %add3A_317 = arith.addi %broadcast_in_dim3A_313, %add3A_316 : vector<16xi32>
        %gather3A_318 = tpu.vector_load_idx %arg14[%add3A_317] : memref<128xf32, #tpu.memory_space<vmem>>[vector<16xi32>], vector<16xf32>,
        %broadcast_in_dim3A_319 = arith.constant 0 : i32
        %broadcast_in_dim3A_320 = vector.broadcast %broadcast_in_dim3A_319 : i32 to vector<16xi32>
        %add3A_321 = arith.constant 2 : i32
        %add3A_322 = arith.addi %add3A_305, %add3A_321 : i32
        %add3A_323 = vector.broadcast %add3A_322 : i32 to vector<16xi32>
        %add3A_324 = arith.addi %broadcast_in_dim3A_320, %add3A_323 : vector<16xi32>
        %gather3A_325 = tpu.vector_load_idx %arg14[%add3A_324] : memref<128xf32, #tpu.memory_space<vmem>>[vector<16xi32>], vector<16xf32>,
        %broadcast_in_dim3A_326 = arith.constant 0 : i32
        %broadcast_in_dim3A_327 = vector.broadcast %broadcast_in_dim3A_326 : i32 to vector<16xi32>
        %add3A_328 = arith.constant 3 : i32
        %add3A_329 = arith.addi %add3A_305, %add3A_328 : i32
        %add3A_330 = vector.broadcast %add3A_329 : i32 to vector<16xi32>
        %add3A_331 = arith.addi %broadcast_in_dim3A_327, %add3A_330 : vector<16xi32>
        %gather3A_332 = tpu.vector_load_idx %arg14[%add3A_331] : memref<128xf32, #tpu.memory_space<vmem>>[vector<16xi32>], vector<16xf32>,
        %add3A_333 = arith.constant 0 : i32
        %add3A_334 = arith.addi %add3A_305, %add3A_333 : i32
        %get3A_335 = arith.index_cast %add3A_334 : i32 to index
        %get3A_336 = arith.constant 0 : index
        %get3A_337 = tpu.vector_load %arg20[%get3A_335, %get3A_336] {strides = array<i32>} : memref<128x128xf32, #tpu.memory_space<vmem>>, vector<16xf32>,
        %mul3A_338 = arith.mulf %get3A_337, %gather3A : vector<16xf32>
        %add3A_339 = arith.constant 0 : i32
        %add3A_340 = arith.addi %add3A_305, %add3A_339 : i32
        %swap3A_341 = arith.index_cast %add3A_340 : i32 to index
        %swap3A_342 = arith.constant 0 : index
        %swap3A_343 = tpu.vector_load %arg20[%swap3A_341, %swap3A_342] {strides = array<i32>} : memref<128x128xf32, #tpu.memory_space<vmem>>, vector<16xf32>,
        tpu.vector_store %arg20[%swap3A_341, %swap3A_342], %mul3A_338 {strides = array<i32>} : memref<128x128xf32, #tpu.memory_space<vmem>>, vector<16xf32>,
        %add3A_344 = arith.constant 1 : i32
        %add3A_345 = arith.addi %add3A_305, %add3A_344 : i32
        %get3A_346 = arith.index_cast %add3A_345 : i32 to index
        %get3A_347 = arith.constant 0 : index
        %get3A_348 = tpu.vector_load %arg20[%get3A_346, %get3A_347] {strides = array<i32>} : memref<128x128xf32, #tpu.memory_space<vmem>>, vector<16xf32>,
        %mul3A_349 = arith.mulf %get3A_348, %gather3A_318 : vector<16xf32>
        %add3A_350 = arith.constant 1 : i32
        %add3A_351 = arith.addi %add3A_305, %add3A_350 : i32
        %swap3A_352 = arith.index_cast %add3A_351 : i32 to index
        %swap3A_353 = arith.constant 0 : index
        %swap3A_354 = tpu.vector_load %arg20[%swap3A_352, %swap3A_353] {strides = array<i32>} : memref<128x128xf32, #tpu.memory_space<vmem>>, vector<16xf32>,
        tpu.vector_store %arg20[%swap3A_352, %swap3A_353], %mul3A_349 {strides = array<i32>} : memref<128x128xf32, #tpu.memory_space<vmem>>, vector<16xf32>,
        %add3A_355 = arith.constant 2 : i32
        %add3A_356 = arith.addi %add3A_305, %add3A_355 : i32
        %get3A_357 = arith.index_cast %add3A_356 : i32 to index
        %get3A_358 = arith.constant 0 : index
        %get3A_359 = tpu.vector_load %arg20[%get3A_357, %get3A_358] {strides = array<i32>} : memref<128x128xf32, #tpu.memory_space<vmem>>, vector<16xf32>,
        %mul3A_360 = arith.mulf %get3A_359, %gather3A_325 : vector<16xf32>
        %add3A_361 = arith.constant 2 : i32
        %add3A_362 = arith.addi %add3A_305, %add3A_361 : i32
        %swap3A_363 = arith.index_cast %add3A_362 : i32 to index
        %swap3A_364 = arith.constant 0 : index
        %swap3A_365 = tpu.vector_load %arg20[%swap3A_363, %swap3A_364] {strides = array<i32>} : memref<128x128xf32, #tpu.memory_space<vmem>>, vector<16xf32>,
        tpu.vector_store %arg20[%swap3A_363, %swap3A_364], %mul3A_360 {strides = array<i32>} : memref<128x128xf32, #tpu.memory_space<vmem>>, vector<16xf32>,
        %add3A_366 = arith.constant 3 : i32
        %add3A_367 = arith.addi %add3A_305, %add3A_366 : i32
        %get3A_368 = arith.index_cast %add3A_367 : i32 to index
        %get3A_369 = arith.constant 0 : index
        %get3A_370 = tpu.vector_load %arg20[%get3A_368, %get3A_369] {strides = array<i32>} : memref<128x128xf32, #tpu.memory_space<vmem>>, vector<16xf32>,
        %mul3A_371 = arith.mulf %get3A_370, %gather3A_332 : vector<16xf32>
        %add3A_372 = arith.constant 3 : i32
        %add3A_373 = arith.addi %add3A_305, %add3A_372 : i32
        %swap3A_374 = arith.index_cast %add3A_373 : i32 to index
        %swap3A_375 = arith.constant 0 : index
        %swap3A_376 = tpu.vector_load %arg20[%swap3A_374, %swap3A_375] {strides = array<i32>} : memref<128x128xf32, #tpu.memory_space<vmem>>, vector<16xf32>,
        tpu.vector_store %arg20[%swap3A_374, %swap3A_375], %mul3A_371 {strides = array<i32>} : memref<128x128xf32, #tpu.memory_space<vmem>>, vector<16xf32>,
        %add3A_377 = arith.constant 0 : i32
        %add3A_378 = arith.addi %add3A_305, %add3A_377 : i32
        %get3A_379 = arith.index_cast %add3A_378 : i32 to index
        %get3A_380 = arith.constant 16 : index
        %get3A_381 = tpu.vector_load %arg20[%get3A_379, %get3A_380] {strides = array<i32>} : memref<128x128xf32, #tpu.memory_space<vmem>>, vector<16xf32>,
        %mul3A_382 = arith.mulf %get3A_381, %gather3A : vector<16xf32>
        %add3A_383 = arith.constant 0 : i32
        %add3A_384 = arith.addi %add3A_305, %add3A_383 : i32
        %swap3A_385 = arith.index_cast %add3A_384 : i32 to index
        %swap3A_386 = arith.constant 16 : index
        %swap3A_387 = tpu.vector_load %arg20[%swap3A_385, %swap3A_386] {strides = array<i32>} : memref<128x128xf32, #tpu.memory_space<vmem>>, vector<16xf32>,
        tpu.vector_store %arg20[%swap3A_385, %swap3A_386], %mul3A_382 {strides = array<i32>} : memref<128x128xf32, #tpu.memory_space<vmem>>, vector<16xf32>,
        %add3A_388 = arith.constant 1 : i32
        %add3A_389 = arith.addi %add3A_305, %add3A_388 : i32
        %get3A_390 = arith.index_cast %add3A_389 : i32 to index
        %get3A_391 = arith.constant 16 : index
        %get3A_392 = tpu.vector_load %arg20[%get3A_390, %get3A_391] {strides = array<i32>} : memref<128x128xf32, #tpu.memory_space<vmem>>, vector<16xf32>,
        %mul3A_393 = arith.mulf %get3A_392, %gather3A_318 : vector<16xf32>
        %add3A_394 = arith.constant 1 : i32
        %add3A_395 = arith.addi %add3A_305, %add3A_394 : i32
        %swap3A_396 = arith.index_cast %add3A_395 : i32 to index
        %swap3A_397 = arith.constant 16 : index
        %swap3A_398 = tpu.vector_load %arg20[%swap3A_396, %swap3A_397] {strides = array<i32>} : memref<128x128xf32, #tpu.memory_space<vmem>>, vector<16xf32>,
        tpu.vector_store %arg20[%swap3A_396, %swap3A_397], %mul3A_393 {strides = array<i32>} : memref<128x128xf32, #tpu.memory_space<vmem>>, vector<16xf32>,
        %add3A_399 = arith.constant 2 : i32
        %add3A_400 = arith.addi %add3A_305, %add3A_399 : i32
        %get3A_401 = arith.index_cast %add3A_400 : i32 to index
        %get3A_402 = arith.constant 16 : index
        %get3A_403 = tpu.vector_load %arg20[%get3A_401, %get3A_402] {strides = array<i32>} : memref<128x128xf32, #tpu.memory_space<vmem>>, vector<16xf32>,
        %mul3A_404 = arith.mulf %get3A_403, %gather3A_325 : vector<16xf32>
        %add3A_405 = arith.constant 2 : i32
        %add3A_406 = arith.addi %add3A_305, %add3A_405 : i32
        %swap3A_407 = arith.index_cast %add3A_406 : i32 to index
        %swap3A_408 = arith.constant 16 : index
        %swap3A_409 = tpu.vector_load %arg20[%swap3A_407, %swap3A_408] {strides = array<i32>} : memref<128x128xf32, #tpu.memory_space<vmem>>, vector<16xf32>,
        tpu.vector_store %arg20[%swap3A_407, %swap3A_408], %mul3A_404 {strides = array<i32>} : memref<128x128xf32, #tpu.memory_space<vmem>>, vector<16xf32>,
        %add3A_410 = arith.constant 3 : i32
        %add3A_411 = arith.addi %add3A_305, %add3A_410 : i32
        %get3A_412 = arith.index_cast %add3A_411 : i32 to index
        %get3A_413 = arith.constant 16 : index
        %get3A_414 = tpu.vector_load %arg20[%get3A_412, %get3A_413] {strides = array<i32>} : memref<128x128xf32, #tpu.memory_space<vmem>>, vector<16xf32>,
        %mul3A_415 = arith.mulf %get3A_414, %gather3A_332 : vector<16xf32>
        %add3A_416 = arith.constant 3 : i32
        %add3A_417 = arith.addi %add3A_305, %add3A_416 : i32
        %swap3A_418 = arith.index_cast %add3A_417 : i32 to index
        %swap3A_419 = arith.constant 16 : index
        %swap3A_420 = tpu.vector_load %arg20[%swap3A_418, %swap3A_419] {strides = array<i32>} : memref<128x128xf32, #tpu.memory_space<vmem>>, vector<16xf32>,
        tpu.vector_store %arg20[%swap3A_418, %swap3A_419], %mul3A_415 {strides = array<i32>} : memref<128x128xf32, #tpu.memory_space<vmem>>, vector<16xf32>,
        %add3A_421 = arith.constant 0 : i32
        %add3A_422 = arith.addi %add3A_305, %add3A_421 : i32
        %get3A_423 = arith.index_cast %add3A_422 : i32 to index
        %get3A_424 = arith.constant 32 : index
        %get3A_425 = tpu.vector_load %arg20[%get3A_423, %get3A_424] {strides = array<i32>} : memref<128x128xf32, #tpu.memory_space<vmem>>, vector<16xf32>,
        %mul3A_426 = arith.mulf %get3A_425, %gather3A : vector<16xf32>
        %add3A_427 = arith.constant 0 : i32
        %add3A_428 = arith.addi %add3A_305, %add3A_427 : i32
        %swap3A_429 = arith.index_cast %add3A_428 : i32 to index
        %swap3A_430 = arith.constant 32 : index
        %swap3A_431 = tpu.vector_load %arg20[%swap3A_429, %swap3A_430] {strides = array<i32>} : memref<128x128xf32, #tpu.memory_space<vmem>>, vector<16xf32>,
        tpu.vector_store %arg20[%swap3A_429, %swap3A_430], %mul3A_426 {strides = array<i32>} : memref<128x128xf32, #tpu.memory_space<vmem>>, vector<16xf32>,
        %add3A_432 = arith.constant 1 : i32
        %add3A_433 = arith.addi %add3A_305, %add3A_432 : i32
        %get3A_434 = arith.index_cast %add3A_433 : i32 to index
        %get3A_435 = arith.constant 32 : index
        %get3A_436 = tpu.vector_load %arg20[%get3A_434, %get3A_435] {strides = array<i32>} : memref<128x128xf32, #tpu.memory_space<vmem>>, vector<16xf32>,
        %mul3A_437 = arith.mulf %get3A_436, %gather3A_318 : vector<16xf32>
        %add3A_438 = arith.constant 1 : i32
        %add3A_439 = arith.addi %add3A_305, %add3A_438 : i32
        %swap3A_440 = arith.index_cast %add3A_439 : i32 to index
        %swap3A_441 = arith.constant 32 : index
        %swap3A_442 = tpu.vector_load %arg20[%swap3A_440, %swap3A_441] {strides = array<i32>} : memref<128x128xf32, #tpu.memory_space<vmem>>, vector<16xf32>,
        tpu.vector_store %arg20[%swap3A_440, %swap3A_441], %mul3A_437 {strides = array<i32>} : memref<128x128xf32, #tpu.memory_space<vmem>>, vector<16xf32>,
        %add3A_443 = arith.constant 2 : i32
        %add3A_444 = arith.addi %add3A_305, %add3A_443 : i32
        %get3A_445 = arith.index_cast %add3A_444 : i32 to index
        %get3A_446 = arith.constant 32 : index
        %get3A_447 = tpu.vector_load %arg20[%get3A_445, %get3A_446] {strides = array<i32>} : memref<128x128xf32, #tpu.memory_space<vmem>>, vector<16xf32>,
        %mul3A_448 = arith.mulf %get3A_447, %gather3A_325 : vector<16xf32>
        %add3A_449 = arith.constant 2 : i32
        %add3A_450 = arith.addi %add3A_305, %add3A_449 : i32
        %swap3A_451 = arith.index_cast %add3A_450 : i32 to index
        %swap3A_452 = arith.constant 32 : index
        %swap3A_453 = tpu.vector_load %arg20[%swap3A_451, %swap3A_452] {strides = array<i32>} : memref<128x128xf32, #tpu.memory_space<vmem>>, vector<16xf32>,
        tpu.vector_store %arg20[%swap3A_451, %swap3A_452], %mul3A_448 {strides = array<i32>} : memref<128x128xf32, #tpu.memory_space<vmem>>, vector<16xf32>,
        %add3A_454 = arith.constant 3 : i32
        %add3A_455 = arith.addi %add3A_305, %add3A_454 : i32
        %get3A_456 = arith.index_cast %add3A_455 : i32 to index
        %get3A_457 = arith.constant 32 : index
        %get3A_458 = tpu.vector_load %arg20[%get3A_456, %get3A_457] {strides = array<i32>} : memref<128x128xf32, #tpu.memory_space<vmem>>, vector<16xf32>,
        %mul3A_459 = arith.mulf %get3A_458, %gather3A_332 : vector<16xf32>
        %add3A_460 = arith.constant 3 : i32
        %add3A_461 = arith.addi %add3A_305, %add3A_460 : i32
        %swap3A_462 = arith.index_cast %add3A_461 : i32 to index
        %swap3A_463 = arith.constant 32 : index
        %swap3A_464 = tpu.vector_load %arg20[%swap3A_462, %swap3A_463] {strides = array<i32>} : memref<128x128xf32, #tpu.memory_space<vmem>>, vector<16xf32>,
        tpu.vector_store %arg20[%swap3A_462, %swap3A_463], %mul3A_459 {strides = array<i32>} : memref<128x128xf32, #tpu.memory_space<vmem>>, vector<16xf32>,
        %add3A_465 = arith.constant 0 : i32
        %add3A_466 = arith.addi %add3A_305, %add3A_465 : i32
        %get3A_467 = arith.index_cast %add3A_466 : i32 to index
        %get3A_468 = arith.constant 48 : index
        %get3A_469 = tpu.vector_load %arg20[%get3A_467, %get3A_468] {strides = array<i32>} : memref<128x128xf32, #tpu.memory_space<vmem>>, vector<16xf32>,
        %mul3A_470 = arith.mulf %get3A_469, %gather3A : vector<16xf32>
        %add3A_471 = arith.constant 0 : i32
        %add3A_472 = arith.addi %add3A_305, %add3A_471 : i32
        %swap3A_473 = arith.index_cast %add3A_472 : i32 to index
        %swap3A_474 = arith.constant 48 : index
        %swap3A_475 = tpu.vector_load %arg20[%swap3A_473, %swap3A_474] {strides = array<i32>} : memref<128x128xf32, #tpu.memory_space<vmem>>, vector<16xf32>,
        tpu.vector_store %arg20[%swap3A_473, %swap3A_474], %mul3A_470 {strides = array<i32>} : memref<128x128xf32, #tpu.memory_space<vmem>>, vector<16xf32>,
        %add3A_476 = arith.constant 1 : i32
        %add3A_477 = arith.addi %add3A_305, %add3A_476 : i32
        %get3A_478 = arith.index_cast %add3A_477 : i32 to index
        %get3A_479 = arith.constant 48 : index
        %get3A_480 = tpu.vector_load %arg20[%get3A_478, %get3A_479] {strides = array<i32>} : memref<128x128xf32, #tpu.memory_space<vmem>>, vector<16xf32>,
        %mul3A_481 = arith.mulf %get3A_480, %gather3A_318 : vector<16xf32>
        %add3A_482 = arith.constant 1 : i32
        %add3A_483 = arith.addi %add3A_305, %add3A_482 : i32
        %swap3A_484 = arith.index_cast %add3A_483 : i32 to index
        %swap3A_485 = arith.constant 48 : index
        %swap3A_486 = tpu.vector_load %arg20[%swap3A_484, %swap3A_485] {strides = array<i32>} : memref<128x128xf32, #tpu.memory_space<vmem>>, vector<16xf32>,
        tpu.vector_store %arg20[%swap3A_484, %swap3A_485], %mul3A_481 {strides = array<i32>} : memref<128x128xf32, #tpu.memory_space<vmem>>, vector<16xf32>,
        %add3A_487 = arith.constant 2 : i32
        %add3A_488 = arith.addi %add3A_305, %add3A_487 : i32
        %get3A_489 = arith.index_cast %add3A_488 : i32 to index
        %get3A_490 = arith.constant 48 : index
        %get3A_491 = tpu.vector_load %arg20[%get3A_489, %get3A_490] {strides = array<i32>} : memref<128x128xf32, #tpu.memory_space<vmem>>, vector<16xf32>,
        %mul3A_492 = arith.mulf %get3A_491, %gather3A_325 : vector<16xf32>
        %add3A_493 = arith.constant 2 : i32
        %add3A_494 = arith.addi %add3A_305, %add3A_493 : i32
        %swap3A_495 = arith.index_cast %add3A_494 : i32 to index
        %swap3A_496 = arith.constant 48 : index
        %swap3A_497 = tpu.vector_load %arg20[%swap3A_495, %swap3A_496] {strides = array<i32>} : memref<128x128xf32, #tpu.memory_space<vmem>>, vector<16xf32>,
        tpu.vector_store %arg20[%swap3A_495, %swap3A_496], %mul3A_492 {strides = array<i32>} : memref<128x128xf32, #tpu.memory_space<vmem>>, vector<16xf32>,
        %add3A_498 = arith.constant 3 : i32
        %add3A_499 = arith.addi %add3A_305, %add3A_498 : i32
        %get3A_500 = arith.index_cast %add3A_499 : i32 to index
        %get3A_501 = arith.constant 48 : index
        %get3A_502 = tpu.vector_load %arg20[%get3A_500, %get3A_501] {strides = array<i32>} : memref<128x128xf32, #tpu.memory_space<vmem>>, vector<16xf32>,
        %mul3A_503 = arith.mulf %get3A_502, %gather3A_332 : vector<16xf32>
        %add3A_504 = arith.constant 3 : i32
        %add3A_505 = arith.addi %add3A_305, %add3A_504 : i32
        %swap3A_506 = arith.index_cast %add3A_505 : i32 to index
        %swap3A_507 = arith.constant 48 : index
        %swap3A_508 = tpu.vector_load %arg20[%swap3A_506, %swap3A_507] {strides = array<i32>} : memref<128x128xf32, #tpu.memory_space<vmem>>, vector<16xf32>,
        tpu.vector_store %arg20[%swap3A_506, %swap3A_507], %mul3A_503 {strides = array<i32>} : memref<128x128xf32, #tpu.memory_space<vmem>>, vector<16xf32>,
        %add3A_509 = arith.constant 0 : i32
        %add3A_510 = arith.addi %add3A_305, %add3A_509 : i32
        %get3A_511 = arith.index_cast %add3A_510 : i32 to index
        %get3A_512 = arith.constant 64 : index
        %get3A_513 = tpu.vector_load %arg20[%get3A_511, %get3A_512] {strides = array<i32>} : memref<128x128xf32, #tpu.memory_space<vmem>>, vector<16xf32>,
        %mul3A_514 = arith.mulf %get3A_513, %gather3A : vector<16xf32>
        %add3A_515 = arith.constant 0 : i32
        %add3A_516 = arith.addi %add3A_305, %add3A_515 : i32
        %swap3A_517 = arith.index_cast %add3A_516 : i32 to index
        %swap3A_518 = arith.constant 64 : index
        %swap3A_519 = tpu.vector_load %arg20[%swap3A_517, %swap3A_518] {strides = array<i32>} : memref<128x128xf32, #tpu.memory_space<vmem>>, vector<16xf32>,
        tpu.vector_store %arg20[%swap3A_517, %swap3A_518], %mul3A_514 {strides = array<i32>} : memref<128x128xf32, #tpu.memory_space<vmem>>, vector<16xf32>,
        %add3A_520 = arith.constant 1 : i32
        %add3A_521 = arith.addi %add3A_305, %add3A_520 : i32
        %get3A_522 = arith.index_cast %add3A_521 : i32 to index
        %get3A_523 = arith.constant 64 : index
        %get3A_524 = tpu.vector_load %arg20[%get3A_522, %get3A_523] {strides = array<i32>} : memref<128x128xf32, #tpu.memory_space<vmem>>, vector<16xf32>,
        %mul3A_525 = arith.mulf %get3A_524, %gather3A_318 : vector<16xf32>
        %add3A_526 = arith.constant 1 : i32
        %add3A_527 = arith.addi %add3A_305, %add3A_526 : i32
        %swap3A_528 = arith.index_cast %add3A_527 : i32 to index
        %swap3A_529 = arith.constant 64 : index
        %swap3A_530 = tpu.vector_load %arg20[%swap3A_528, %swap3A_529] {strides = array<i32>} : memref<128x128xf32, #tpu.memory_space<vmem>>, vector<16xf32>,
        tpu.vector_store %arg20[%swap3A_528, %swap3A_529], %mul3A_525 {strides = array<i32>} : memref<128x128xf32, #tpu.memory_space<vmem>>, vector<16xf32>,
        %add3A_531 = arith.constant 2 : i32
        %add3A_532 = arith.addi %add3A_305, %add3A_531 : i32
        %get3A_533 = arith.index_cast %add3A_532 : i32 to index
        %get3A_534 = arith.constant 64 : index
        %get3A_535 = tpu.vector_load %arg20[%get3A_533, %get3A_534] {strides = array<i32>} : memref<128x128xf32, #tpu.memory_space<vmem>>, vector<16xf32>,
        %mul3A_536 = arith.mulf %get3A_535, %gather3A_325 : vector<16xf32>
        %add3A_537 = arith.constant 2 : i32
        %add3A_538 = arith.addi %add3A_305, %add3A_537 : i32
        %swap3A_539 = arith.index_cast %add3A_538 : i32 to index
        %swap3A_540 = arith.constant 64 : index
        %swap3A_541 = tpu.vector_load %arg20[%swap3A_539, %swap3A_540] {strides = array<i32>} : memref<128x128xf32, #tpu.memory_space<vmem>>, vector<16xf32>,
        tpu.vector_store %arg20[%swap3A_539, %swap3A_540], %mul3A_536 {strides = array<i32>} : memref<128x128xf32, #tpu.memory_space<vmem>>, vector<16xf32>,
        %add3A_542 = arith.constant 3 : i32
        %add3A_543 = arith.addi %add3A_305, %add3A_542 : i32
        %get3A_544 = arith.index_cast %add3A_543 : i32 to index
        %get3A_545 = arith.constant 64 : index
        %get3A_546 = tpu.vector_load %arg20[%get3A_544, %get3A_545] {strides = array<i32>} : memref<128x128xf32, #tpu.memory_space<vmem>>, vector<16xf32>,
        %mul3A_547 = arith.mulf %get3A_546, %gather3A_332 : vector<16xf32>
        %add3A_548 = arith.constant 3 : i32
        %add3A_549 = arith.addi %add3A_305, %add3A_548 : i32
        %swap3A_550 = arith.index_cast %add3A_549 : i32 to index
        %swap3A_551 = arith.constant 64 : index
        %swap3A_552 = tpu.vector_load %arg20[%swap3A_550, %swap3A_551] {strides = array<i32>} : memref<128x128xf32, #tpu.memory_space<vmem>>, vector<16xf32>,
        tpu.vector_store %arg20[%swap3A_550, %swap3A_551], %mul3A_547 {strides = array<i32>} : memref<128x128xf32, #tpu.memory_space<vmem>>, vector<16xf32>,
        %add3A_553 = arith.constant 0 : i32
        %add3A_554 = arith.addi %add3A_305, %add3A_553 : i32
        %get3A_555 = arith.index_cast %add3A_554 : i32 to index
        %get3A_556 = arith.constant 80 : index
        %get3A_557 = tpu.vector_load %arg20[%get3A_555, %get3A_556] {strides = array<i32>} : memref<128x128xf32, #tpu.memory_space<vmem>>, vector<16xf32>,
        %mul3A_558 = arith.mulf %get3A_557, %gather3A : vector<16xf32>
        %add3A_559 = arith.constant 0 : i32
        %add3A_560 = arith.addi %add3A_305, %add3A_559 : i32
        %swap3A_561 = arith.index_cast %add3A_560 : i32 to index
        %swap3A_562 = arith.constant 80 : index
        %swap3A_563 = tpu.vector_load %arg20[%swap3A_561, %swap3A_562] {strides = array<i32>} : memref<128x128xf32, #tpu.memory_space<vmem>>, vector<16xf32>,
        tpu.vector_store %arg20[%swap3A_561, %swap3A_562], %mul3A_558 {strides = array<i32>} : memref<128x128xf32, #tpu.memory_space<vmem>>, vector<16xf32>,
        %add3A_564 = arith.constant 1 : i32
        %add3A_565 = arith.addi %add3A_305, %add3A_564 : i32
        %get3A_566 = arith.index_cast %add3A_565 : i32 to index
        %get3A_567 = arith.constant 80 : index
        %get3A_568 = tpu.vector_load %arg20[%get3A_566, %get3A_567] {strides = array<i32>} : memref<128x128xf32, #tpu.memory_space<vmem>>, vector<16xf32>,
        %mul3A_569 = arith.mulf %get3A_568, %gather3A_318 : vector<16xf32>
        %add3A_570 = arith.constant 1 : i32
        %add3A_571 = arith.addi %add3A_305, %add3A_570 : i32
        %swap3A_572 = arith.index_cast %add3A_571 : i32 to index
        %swap3A_573 = arith.constant 80 : index
        %swap3A_574 = tpu.vector_load %arg20[%swap3A_572, %swap3A_573] {strides = array<i32>} : memref<128x128xf32, #tpu.memory_space<vmem>>, vector<16xf32>,
        tpu.vector_store %arg20[%swap3A_572, %swap3A_573], %mul3A_569 {strides = array<i32>} : memref<128x128xf32, #tpu.memory_space<vmem>>, vector<16xf32>,
        %add3A_575 = arith.constant 2 : i32
        %add3A_576 = arith.addi %add3A_305, %add3A_575 : i32
        %get3A_577 = arith.index_cast %add3A_576 : i32 to index
        %get3A_578 = arith.constant 80 : index
        %get3A_579 = tpu.vector_load %arg20[%get3A_577, %get3A_578] {strides = array<i32>} : memref<128x128xf32, #tpu.memory_space<vmem>>, vector<16xf32>,
        %mul3A_580 = arith.mulf %get3A_579, %gather3A_325 : vector<16xf32>
        %add3A_581 = arith.constant 2 : i32
        %add3A_582 = arith.addi %add3A_305, %add3A_581 : i32
        %swap3A_583 = arith.index_cast %add3A_582 : i32 to index
        %swap3A_584 = arith.constant 80 : index
        %swap3A_585 = tpu.vector_load %arg20[%swap3A_583, %swap3A_584] {strides = array<i32>} : memref<128x128xf32, #tpu.memory_space<vmem>>, vector<16xf32>,
        tpu.vector_store %arg20[%swap3A_583, %swap3A_584], %mul3A_580 {strides = array<i32>} : memref<128x128xf32, #tpu.memory_space<vmem>>, vector<16xf32>,
        %add3A_586 = arith.constant 3 : i32
        %add3A_587 = arith.addi %add3A_305, %add3A_586 : i32
        %get3A_588 = arith.index_cast %add3A_587 : i32 to index
        %get3A_589 = arith.constant 80 : index
        %get3A_590 = tpu.vector_load %arg20[%get3A_588, %get3A_589] {strides = array<i32>} : memref<128x128xf32, #tpu.memory_space<vmem>>, vector<16xf32>,
        %mul3A_591 = arith.mulf %get3A_590, %gather3A_332 : vector<16xf32>
        %add3A_592 = arith.constant 3 : i32
        %add3A_593 = arith.addi %add3A_305, %add3A_592 : i32
        %swap3A_594 = arith.index_cast %add3A_593 : i32 to index
        %swap3A_595 = arith.constant 80 : index
        %swap3A_596 = tpu.vector_load %arg20[%swap3A_594, %swap3A_595] {strides = array<i32>} : memref<128x128xf32, #tpu.memory_space<vmem>>, vector<16xf32>,
        tpu.vector_store %arg20[%swap3A_594, %swap3A_595], %mul3A_591 {strides = array<i32>} : memref<128x128xf32, #tpu.memory_space<vmem>>, vector<16xf32>,
        %add3A_597 = arith.constant 0 : i32
        %add3A_598 = arith.addi %add3A_305, %add3A_597 : i32
        %get3A_599 = arith.index_cast %add3A_598 : i32 to index
        %get3A_600 = arith.constant 96 : index
        %get3A_601 = tpu.vector_load %arg20[%get3A_599, %get3A_600] {strides = array<i32>} : memref<128x128xf32, #tpu.memory_space<vmem>>, vector<16xf32>,
        %mul3A_602 = arith.mulf %get3A_601, %gather3A : vector<16xf32>
        %add3A_603 = arith.constant 0 : i32
        %add3A_604 = arith.addi %add3A_305, %add3A_603 : i32
        %swap3A_605 = arith.index_cast %add3A_604 : i32 to index
        %swap3A_606 = arith.constant 96 : index
        %swap3A_607 = tpu.vector_load %arg20[%swap3A_605, %swap3A_606] {strides = array<i32>} : memref<128x128xf32, #tpu.memory_space<vmem>>, vector<16xf32>,
        tpu.vector_store %arg20[%swap3A_605, %swap3A_606], %mul3A_602 {strides = array<i32>} : memref<128x128xf32, #tpu.memory_space<vmem>>, vector<16xf32>,
        %add3A_608 = arith.constant 1 : i32
        %add3A_609 = arith.addi %add3A_305, %add3A_608 : i32
        %get3A_610 = arith.index_cast %add3A_609 : i32 to index
        %get3A_611 = arith.constant 96 : index
        %get3A_612 = tpu.vector_load %arg20[%get3A_610, %get3A_611] {strides = array<i32>} : memref<128x128xf32, #tpu.memory_space<vmem>>, vector<16xf32>,
        %mul3A_613 = arith.mulf %get3A_612, %gather3A_318 : vector<16xf32>
        %add3A_614 = arith.constant 1 : i32
        %add3A_615 = arith.addi %add3A_305, %add3A_614 : i32
        %swap3A_616 = arith.index_cast %add3A_615 : i32 to index
        %swap3A_617 = arith.constant 96 : index
        %swap3A_618 = tpu.vector_load %arg20[%swap3A_616, %swap3A_617] {strides = array<i32>} : memref<128x128xf32, #tpu.memory_space<vmem>>, vector<16xf32>,
        tpu.vector_store %arg20[%swap3A_616, %swap3A_617], %mul3A_613 {strides = array<i32>} : memref<128x128xf32, #tpu.memory_space<vmem>>, vector<16xf32>,
        %add3A_619 = arith.constant 2 : i32
        %add3A_620 = arith.addi %add3A_305, %add3A_619 : i32
        %get3A_621 = arith.index_cast %add3A_620 : i32 to index
        %get3A_622 = arith.constant 96 : index
        %get3A_623 = tpu.vector_load %arg20[%get3A_621, %get3A_622] {strides = array<i32>} : memref<128x128xf32, #tpu.memory_space<vmem>>, vector<16xf32>,
        %mul3A_624 = arith.mulf %get3A_623, %gather3A_325 : vector<16xf32>
        %add3A_625 = arith.constant 2 : i32
        %add3A_626 = arith.addi %add3A_305, %add3A_625 : i32
        %swap3A_627 = arith.index_cast %add3A_626 : i32 to index
        %swap3A_628 = arith.constant 96 : index
        %swap3A_629 = tpu.vector_load %arg20[%swap3A_627, %swap3A_628] {strides = array<i32>} : memref<128x128xf32, #tpu.memory_space<vmem>>, vector<16xf32>,
        tpu.vector_store %arg20[%swap3A_627, %swap3A_628], %mul3A_624 {strides = array<i32>} : memref<128x128xf32, #tpu.memory_space<vmem>>, vector<16xf32>,
        %add3A_630 = arith.constant 3 : i32
        %add3A_631 = arith.addi %add3A_305, %add3A_630 : i32
        %get3A_632 = arith.index_cast %add3A_631 : i32 to index
        %get3A_633 = arith.constant 96 : index
        %get3A_634 = tpu.vector_load %arg20[%get3A_632, %get3A_633] {strides = array<i32>} : memref<128x128xf32, #tpu.memory_space<vmem>>, vector<16xf32>,
        %mul3A_635 = arith.mulf %get3A_634, %gather3A_332 : vector<16xf32>
        %add3A_636 = arith.constant 3 : i32
        %add3A_637 = arith.addi %add3A_305, %add3A_636 : i32
        %swap3A_638 = arith.index_cast %add3A_637 : i32 to index
        %swap3A_639 = arith.constant 96 : index
        %swap3A_640 = tpu.vector_load %arg20[%swap3A_638, %swap3A_639] {strides = array<i32>} : memref<128x128xf32, #tpu.memory_space<vmem>>, vector<16xf32>,
        tpu.vector_store %arg20[%swap3A_638, %swap3A_639], %mul3A_635 {strides = array<i32>} : memref<128x128xf32, #tpu.memory_space<vmem>>, vector<16xf32>,
        %add3A_641 = arith.constant 0 : i32
        %add3A_642 = arith.addi %add3A_305, %add3A_641 : i32
        %get3A_643 = arith.index_cast %add3A_642 : i32 to index
        %get3A_644 = arith.constant 112 : index
        %get3A_645 = tpu.vector_load %arg20[%get3A_643, %get3A_644] {strides = array<i32>} : memref<128x128xf32, #tpu.memory_space<vmem>>, vector<16xf32>,
        %mul3A_646 = arith.mulf %get3A_645, %gather3A : vector<16xf32>
        %add3A_647 = arith.constant 0 : i32
        %add3A_648 = arith.addi %add3A_305, %add3A_647 : i32
        %swap3A_649 = arith.index_cast %add3A_648 : i32 to index
        %swap3A_650 = arith.constant 112 : index
        %swap3A_651 = tpu.vector_load %arg20[%swap3A_649, %swap3A_650] {strides = array<i32>} : memref<128x128xf32, #tpu.memory_space<vmem>>, vector<16xf32>,
        tpu.vector_store %arg20[%swap3A_649, %swap3A_650], %mul3A_646 {strides = array<i32>} : memref<128x128xf32, #tpu.memory_space<vmem>>, vector<16xf32>,
        %add3A_652 = arith.constant 1 : i32
        %add3A_653 = arith.addi %add3A_305, %add3A_652 : i32
        %get3A_654 = arith.index_cast %add3A_653 : i32 to index
        %get3A_655 = arith.constant 112 : index
        %get3A_656 = tpu.vector_load %arg20[%get3A_654, %get3A_655] {strides = array<i32>} : memref<128x128xf32, #tpu.memory_space<vmem>>, vector<16xf32>,
        %mul3A_657 = arith.mulf %get3A_656, %gather3A_318 : vector<16xf32>
        %add3A_658 = arith.constant 1 : i32
        %add3A_659 = arith.addi %add3A_305, %add3A_658 : i32
        %swap3A_660 = arith.index_cast %add3A_659 : i32 to index
        %swap3A_661 = arith.constant 112 : index
        %swap3A_662 = tpu.vector_load %arg20[%swap3A_660, %swap3A_661] {strides = array<i32>} : memref<128x128xf32, #tpu.memory_space<vmem>>, vector<16xf32>,
        tpu.vector_store %arg20[%swap3A_660, %swap3A_661], %mul3A_657 {strides = array<i32>} : memref<128x128xf32, #tpu.memory_space<vmem>>, vector<16xf32>,
        %add3A_663 = arith.constant 2 : i32
        %add3A_664 = arith.addi %add3A_305, %add3A_663 : i32
        %get3A_665 = arith.index_cast %add3A_664 : i32 to index
        %get3A_666 = arith.constant 112 : index
        %get3A_667 = tpu.vector_load %arg20[%get3A_665, %get3A_666] {strides = array<i32>} : memref<128x128xf32, #tpu.memory_space<vmem>>, vector<16xf32>,
        %mul3A_668 = arith.mulf %get3A_667, %gather3A_325 : vector<16xf32>
        %add3A_669 = arith.constant 2 : i32
        %add3A_670 = arith.addi %add3A_305, %add3A_669 : i32
        %swap3A_671 = arith.index_cast %add3A_670 : i32 to index
        %swap3A_672 = arith.constant 112 : index
        %swap3A_673 = tpu.vector_load %arg20[%swap3A_671, %swap3A_672] {strides = array<i32>} : memref<128x128xf32, #tpu.memory_space<vmem>>, vector<16xf32>,
        tpu.vector_store %arg20[%swap3A_671, %swap3A_672], %mul3A_668 {strides = array<i32>} : memref<128x128xf32, #tpu.memory_space<vmem>>, vector<16xf32>,
        %add3A_674 = arith.constant 3 : i32
        %add3A_675 = arith.addi %add3A_305, %add3A_674 : i32
        %get3A_676 = arith.index_cast %add3A_675 : i32 to index
        %get3A_677 = arith.constant 112 : index
        %get3A_678 = tpu.vector_load %arg20[%get3A_676, %get3A_677] {strides = array<i32>} : memref<128x128xf32, #tpu.memory_space<vmem>>, vector<16xf32>,
        %mul3A_679 = arith.mulf %get3A_678, %gather3A_332 : vector<16xf32>
        %add3A_680 = arith.constant 3 : i32
        %add3A_681 = arith.addi %add3A_305, %add3A_680 : i32
        %swap3A_682 = arith.index_cast %add3A_681 : i32 to index
        %swap3A_683 = arith.constant 112 : index
        %swap3A_684 = tpu.vector_load %arg20[%swap3A_682, %swap3A_683] {strides = array<i32>} : memref<128x128xf32, #tpu.memory_space<vmem>>, vector<16xf32>,
        tpu.vector_store %arg20[%swap3A_682, %swap3A_683], %mul3A_679 {strides = array<i32>} : memref<128x128xf32, #tpu.memory_space<vmem>>, vector<16xf32>,
      }
      %scan3A_176 = arith.constant 32 : i32
      %get3A_177 = arith.constant 0 : index
      %get3A_178 = tpu.vector_load %arg11[%get3A_177] {strides = array<i32>} : memref<128xi32, #tpu.memory_space<vmem>>, vector<16xi32>,
      %swap3A_179 = arith.constant 0 : index
      %swap3A_180 = tpu.vector_load %arg17[%swap3A_179] {strides = array<i32>} : memref<128xi32, #tpu.memory_space<vmem>>, vector<16xi32>,
      tpu.vector_store %arg17[%swap3A_179], %get3A_178 {strides = array<i32>} : memref<128xi32, #tpu.memory_space<vmem>>, vector<16xi32>,
      %get3A_181 = arith.constant 16 : index
      %get3A_182 = tpu.vector_load %arg11[%get3A_181] {strides = array<i32>} : memref<128xi32, #tpu.memory_space<vmem>>, vector<16xi32>,
      %swap3A_183 = arith.constant 16 : index
      %swap3A_184 = tpu.vector_load %arg17[%swap3A_183] {strides = array<i32>} : memref<128xi32, #tpu.memory_space<vmem>>, vector<16xi32>,
      tpu.vector_store %arg17[%swap3A_183], %get3A_182 {strides = array<i32>} : memref<128xi32, #tpu.memory_space<vmem>>, vector<16xi32>,
      %get3A_185 = arith.constant 32 : index
      %get3A_186 = tpu.vector_load %arg11[%get3A_185] {strides = array<i32>} : memref<128xi32, #tpu.memory_space<vmem>>, vector<16xi32>,
      %swap3A_187 = arith.constant 32 : index
      %swap3A_188 = tpu.vector_load %arg17[%swap3A_187] {strides = array<i32>} : memref<128xi32, #tpu.memory_space<vmem>>, vector<16xi32>,
      tpu.vector_store %arg17[%swap3A_187], %get3A_186 {strides = array<i32>} : memref<128xi32, #tpu.memory_space<vmem>>, vector<16xi32>,
      %get3A_189 = arith.constant 48 : index
      %get3A_190 = tpu.vector_load %arg11[%get3A_189] {strides = array<i32>} : memref<128xi32, #tpu.memory_space<vmem>>, vector<16xi32>,
      %swap3A_191 = arith.constant 48 : index
      %swap3A_192 = tpu.vector_load %arg17[%swap3A_191] {strides = array<i32>} : memref<128xi32, #tpu.memory_space<vmem>>, vector<16xi32>,
      tpu.vector_store %arg17[%swap3A_191], %get3A_190 {strides = array<i32>} : memref<128xi32, #tpu.memory_space<vmem>>, vector<16xi32>,
      %get3A_193 = arith.constant 64 : index
      %get3A_194 = tpu.vector_load %arg11[%get3A_193] {strides = array<i32>} : memref<128xi32, #tpu.memory_space<vmem>>, vector<16xi32>,
      %swap3A_195 = arith.constant 64 : index
      %swap3A_196 = tpu.vector_load %arg17[%swap3A_195] {strides = array<i32>} : memref<128xi32, #tpu.memory_space<vmem>>, vector<16xi32>,
      tpu.vector_store %arg17[%swap3A_195], %get3A_194 {strides = array<i32>} : memref<128xi32, #tpu.memory_space<vmem>>, vector<16xi32>,
      %get3A_197 = arith.constant 80 : index
      %get3A_198 = tpu.vector_load %arg11[%get3A_197] {strides = array<i32>} : memref<128xi32, #tpu.memory_space<vmem>>, vector<16xi32>,
      %swap3A_199 = arith.constant 80 : index
      %swap3A_200 = tpu.vector_load %arg17[%swap3A_199] {strides = array<i32>} : memref<128xi32, #tpu.memory_space<vmem>>, vector<16xi32>,
      tpu.vector_store %arg17[%swap3A_199], %get3A_198 {strides = array<i32>} : memref<128xi32, #tpu.memory_space<vmem>>, vector<16xi32>,
      %get3A_201 = arith.constant 96 : index
      %get3A_202 = tpu.vector_load %arg11[%get3A_201] {strides = array<i32>} : memref<128xi32, #tpu.memory_space<vmem>>, vector<16xi32>,
      %swap3A_203 = arith.constant 96 : index
      %swap3A_204 = tpu.vector_load %arg17[%swap3A_203] {strides = array<i32>} : memref<128xi32, #tpu.memory_space<vmem>>, vector<16xi32>,
      tpu.vector_store %arg17[%swap3A_203], %get3A_202 {strides = array<i32>} : memref<128xi32, #tpu.memory_space<vmem>>, vector<16xi32>,
      %get3A_205 = arith.constant 112 : index
      %get3A_206 = tpu.vector_load %arg11[%get3A_205] {strides = array<i32>} : memref<128xi32, #tpu.memory_space<vmem>>, vector<16xi32>,
      %swap3A_207 = arith.constant 112 : index
      %swap3A_208 = tpu.vector_load %arg17[%swap3A_207] {strides = array<i32>} : memref<128xi32, #tpu.memory_space<vmem>>, vector<16xi32>,
      tpu.vector_store %arg17[%swap3A_207], %get3A_206 {strides = array<i32>} : memref<128xi32, #tpu.memory_space<vmem>>, vector<16xi32>,
      %dma_start3A_209 = arith.constant 0 : i32
      %dma_start3A_210 = arith.constant 0 : i32
      %dma_start3A_211 = tpu.memref_slice %arg22[%dma_start3A_209, %dma_start3A_210] : memref<10000x128xf32, #tpu.memory_space<vmem_shared>> -> memref<10000x128xf32, #tpu.memory_space<vmem_shared>>
      tpu.enqueue_indirect_dma source(%arg20 : memref<128x128xf32, #tpu.memory_space<vmem>>) target(%dma_start3A_211 : memref<10000x128xf32, #tpu.memory_space<vmem_shared>>) offsets(%arg17 : memref<128xi32, #tpu.memory_space<vmem>>) semaphore(%arg30 : memref<!tpu.dma_semaphore, #tpu.memory_space<semaphore_mem>>) {add = true}
      %add3A_212 = arith.constant 3 : i32
      %add3A_213 = arith.addi %add3A_168, %add3A_212 : i32
      %lt3A_214 = arith.constant 81 : i32
      %lt3A_215 = arith.cmpi slt, %add3A_213, %lt3A_214 : i32
      %convert_element_type3A_216 = arith.extui %lt3A_215 : i1 to i32
      %cond3A_217 = arith.constant 0 : i32
      %cond3A_218 = arith.cmpi ne, %convert_element_type3A_216, %cond3A_217 : i32
      scf.if %cond3A_218 {
        %add3A_301 = arith.constant 3 : i32
        %add3A_302 = arith.addi %add3A_168, %add3A_301 : i32
        %mul3A_303 = arith.constant 81 : i32
        %mul3A_304 = arith.muli %add3A, %mul3A_303 : i32
        %add3A_305 = arith.addi %mul3A_304, %add3A_302 : i32
        %mul3A_306 = arith.constant 128 : i32
        %mul3A_307 = arith.muli %add3A_305, %mul3A_306 : i32
        %dma_start3A_308 = tpu.memref_slice %arg4[%mul3A_307] : memref<331776xi32, #tpu.memory_space<hbm>> -> memref<128xi32, #tpu.memory_space<hbm>>
        %dma_start3A_309 = tpu.memref_slice %arg4[%mul3A_307] : memref<331776xi32, #tpu.memory_space<hbm>> -> memref<128xi32, #tpu.memory_space<hbm>>
        tpu.enqueue_dma source(%dma_start3A_309 : memref<128xi32, #tpu.memory_space<hbm>>) target(%arg8 : memref<128xi32, #tpu.memory_space<vmem>>) target_semaphore(%arg24 : memref<!tpu.dma_semaphore, #tpu.memory_space<semaphore_mem>>)
        %dma_start3A_310 = tpu.memref_slice %arg3[%mul3A_307] : memref<331776xi32, #tpu.memory_space<hbm>> -> memref<128xi32, #tpu.memory_space<hbm>>
        %dma_start3A_311 = tpu.memref_slice %arg3[%mul3A_307] : memref<331776xi32, #tpu.memory_space<hbm>> -> memref<128xi32, #tpu.memory_space<hbm>>
        tpu.enqueue_dma source(%dma_start3A_311 : memref<128xi32, #tpu.memory_space<hbm>>) target(%arg11 : memref<128xi32, #tpu.memory_space<vmem>>) target_semaphore(%arg24 : memref<!tpu.dma_semaphore, #tpu.memory_space<semaphore_mem>>)
        %dma_start3A_312 = tpu.memref_slice %arg5[%mul3A_307] : memref<331776xf32, #tpu.memory_space<hbm>> -> memref<128xf32, #tpu.memory_space<hbm>>
        %dma_start3A_313 = tpu.memref_slice %arg5[%mul3A_307] : memref<331776xf32, #tpu.memory_space<hbm>> -> memref<128xf32, #tpu.memory_space<hbm>>
        tpu.enqueue_dma source(%dma_start3A_313 : memref<128xf32, #tpu.memory_space<hbm>>) target(%arg14 : memref<128xf32, #tpu.memory_space<vmem>>) target_semaphore(%arg24 : memref<!tpu.dma_semaphore, #tpu.memory_space<semaphore_mem>>)
      } else {
      }
      %ge3A_219 = arith.constant 1 : i32
      %ge3A_220 = arith.cmpi sge, %add3A_168, %ge3A_219 : i32
      %convert_element_type3A_221 = arith.extui %ge3A_220 : i1 to i32
      %cond3A_222 = arith.constant 0 : i32
      %cond3A_223 = arith.cmpi ne, %convert_element_type3A_221, %cond3A_222 : i32
      scf.if %cond3A_223 {
        %dma_wait3A_301 = arith.constant 0 : i32
        %dma_wait3A_302 = arith.constant 0 : i32
        %dma_wait3A_303 = tpu.memref_slice %arg22[%dma_wait3A_301, %dma_wait3A_302] : memref<10000x128xf32, #tpu.memory_space<vmem_shared>> -> memref<10000x128xf32, #tpu.memory_space<vmem_shared>>
        tpu.wait_indirect_dma semaphore(%arg29 : memref<!tpu.dma_semaphore, #tpu.memory_space<semaphore_mem>>) src(%arg19 : memref<128x128xf32, #tpu.memory_space<vmem>>) dst(%dma_wait3A_303 : memref<10000x128xf32, #tpu.memory_space<vmem_shared>>)
      } else {
      }
      %add3A_224 = arith.constant 3 : i32
      %add3A_225 = arith.addi %add3A_168, %add3A_224 : i32
      %sub3A_226 = arith.constant 1 : i32
      %sub3A_227 = arith.subi %add3A_225, %sub3A_226 : i32
      %lt3A_228 = arith.constant 81 : i32
      %lt3A_229 = arith.cmpi slt, %sub3A_227, %lt3A_228 : i32
      %convert_element_type3A_230 = arith.extui %lt3A_229 : i1 to i32
      %cond3A_231 = arith.constant 0 : i32
      %cond3A_232 = arith.cmpi ne, %convert_element_type3A_230, %cond3A_231 : i32
      scf.if %cond3A_232 {
        %dma_wait3A_301 = arith.constant 0 : i32
        %dma_wait3A_302 = tpu.memref_slice %arg4[%dma_wait3A_301] : memref<331776xi32, #tpu.memory_space<hbm>> -> memref<128xi32, #tpu.memory_space<hbm>>
        %dma_wait3A_303 = arith.constant 0 : i32
        %dma_wait3A_304 = tpu.memref_slice %arg4[%dma_wait3A_303] : memref<331776xi32, #tpu.memory_space<hbm>> -> memref<128xi32, #tpu.memory_space<hbm>>
        tpu.wait_dma2 semaphore(%arg23 : memref<!tpu.dma_semaphore, #tpu.memory_space<semaphore_mem>>) src(%dma_wait3A_304 : memref<128xi32, #tpu.memory_space<hbm>>) dst(%arg7 : memref<128xi32, #tpu.memory_space<vmem>>)
        %dma_wait3A_305 = arith.constant 0 : i32
        %dma_wait3A_306 = tpu.memref_slice %arg4[%dma_wait3A_305] : memref<331776xi32, #tpu.memory_space<hbm>> -> memref<128xi32, #tpu.memory_space<hbm>>
        %dma_wait3A_307 = arith.constant 0 : i32
        %dma_wait3A_308 = tpu.memref_slice %arg4[%dma_wait3A_307] : memref<331776xi32, #tpu.memory_space<hbm>> -> memref<128xi32, #tpu.memory_space<hbm>>
        tpu.wait_dma2 semaphore(%arg23 : memref<!tpu.dma_semaphore, #tpu.memory_space<semaphore_mem>>) src(%dma_wait3A_308 : memref<128xi32, #tpu.memory_space<hbm>>) dst(%arg10 : memref<128xi32, #tpu.memory_space<vmem>>)
        %dma_wait3A_309 = arith.constant 0 : i32
        %dma_wait3A_310 = tpu.memref_slice %arg5[%dma_wait3A_309] : memref<331776xf32, #tpu.memory_space<hbm>> -> memref<128xf32, #tpu.memory_space<hbm>>
        %dma_wait3A_311 = arith.constant 0 : i32
        %dma_wait3A_312 = tpu.memref_slice %arg5[%dma_wait3A_311] : memref<331776xf32, #tpu.memory_space<hbm>> -> memref<128xf32, #tpu.memory_space<hbm>>
        tpu.wait_dma2 semaphore(%arg23 : memref<!tpu.dma_semaphore, #tpu.memory_space<semaphore_mem>>) src(%dma_wait3A_312 : memref<128xf32, #tpu.memory_space<hbm>>) dst(%arg13 : memref<128xf32, #tpu.memory_space<vmem>>)
        %dma_start3A_313 = arith.constant 0 : i32
        %dma_start3A_314 = arith.constant 0 : i32
        %dma_start3A_315 = tpu.memref_slice %arg2[%dma_start3A_313, %dma_start3A_314] : memref<10000x128xf32, #tpu.memory_space<hbm>> -> memref<10000x128xf32, #tpu.memory_space<hbm>>
        tpu.enqueue_indirect_dma source(%dma_start3A_315 : memref<10000x128xf32, #tpu.memory_space<hbm>>) target(%arg19 : memref<128x128xf32, #tpu.memory_space<vmem>>) offsets(%arg7 : memref<128xi32, #tpu.memory_space<vmem>>) semaphore(%arg26 : memref<!tpu.dma_semaphore, #tpu.memory_space<semaphore_mem>>)
      } else {
      }
      %mul3A_233 = arith.constant 3 : i32
      %mul3A_234 = arith.muli %add3A_103, %mul3A_233 : i32
      %add3A_235 = arith.constant 2 : i32
      %add3A_236 = arith.addi %mul3A_234, %add3A_235 : i32
      %dma_wait3A_237 = arith.constant 0 : i32
      %dma_wait3A_238 = arith.constant 0 : i32
      %dma_wait3A_239 = tpu.memref_slice %arg2[%dma_wait3A_237, %dma_wait3A_238] : memref<10000x128xf32, #tpu.memory_space<hbm>> -> memref<10000x128xf32, #tpu.memory_space<hbm>>
      tpu.wait_indirect_dma semaphore(%arg28 : memref<!tpu.dma_semaphore, #tpu.memory_space<semaphore_mem>>) src(%dma_wait3A_239 : memref<10000x128xf32, #tpu.memory_space<hbm>>) dst(%arg21 : memref<128x128xf32, #tpu.memory_space<vmem>>)
      %scan3A_240 = arith.constant 0 : i32
      %scan3A_241 = arith.constant 32 : i32
      %scan3A_242 = arith.addi %scan3A_240, %scan3A_241 : i32
      %scan3A_243 = arith.constant 1 : i32
      scf.for %scan3A_301 = %scan3A_240 to %scan3A_242 step %scan3A_243  : i32 {
        %mul3A_302 = arith.constant 4 : i32
        %mul3A_303 = arith.muli %scan3A_301, %mul3A_302 : i32
        %add3A_304 = arith.constant 0 : i32
        %add3A_305 = arith.addi %add3A_304, %mul3A_303 : i32
        %broadcast_in_dim3A_306 = arith.constant 0 : i32
        %broadcast_in_dim3A_307 = vector.broadcast %broadcast_in_dim3A_306 : i32 to vector<16xi32>
        %add3A_308 = arith.constant 0 : i32
        %add3A_309 = arith.addi %add3A_305, %add3A_308 : i32
        %add3A_310 = vector.broadcast %add3A_309 : i32 to vector<16xi32>
        %add3A_311 = arith.addi %broadcast_in_dim3A_307, %add3A_310 : vector<16xi32>
        %gather3A = tpu.vector_load_idx %arg15[%add3A_311] : memref<128xf32, #tpu.memory_space<vmem>>[vector<16xi32>], vector<16xf32>,
        %broadcast_in_dim3A_312 = arith.constant 0 : i32
        %broadcast_in_dim3A_313 = vector.broadcast %broadcast_in_dim3A_312 : i32 to vector<16xi32>
        %add3A_314 = arith.constant 1 : i32
        %add3A_315 = arith.addi %add3A_305, %add3A_314 : i32
        %add3A_316 = vector.broadcast %add3A_315 : i32 to vector<16xi32>
        %add3A_317 = arith.addi %broadcast_in_dim3A_313, %add3A_316 : vector<16xi32>
        %gather3A_318 = tpu.vector_load_idx %arg15[%add3A_317] : memref<128xf32, #tpu.memory_space<vmem>>[vector<16xi32>], vector<16xf32>,
        %broadcast_in_dim3A_319 = arith.constant 0 : i32
        %broadcast_in_dim3A_320 = vector.broadcast %broadcast_in_dim3A_319 : i32 to vector<16xi32>
        %add3A_321 = arith.constant 2 : i32
        %add3A_322 = arith.addi %add3A_305, %add3A_321 : i32
        %add3A_323 = vector.broadcast %add3A_322 : i32 to vector<16xi32>
        %add3A_324 = arith.addi %broadcast_in_dim3A_320, %add3A_323 : vector<16xi32>
        %gather3A_325 = tpu.vector_load_idx %arg15[%add3A_324] : memref<128xf32, #tpu.memory_space<vmem>>[vector<16xi32>], vector<16xf32>,
        %broadcast_in_dim3A_326 = arith.constant 0 : i32
        %broadcast_in_dim3A_327 = vector.broadcast %broadcast_in_dim3A_326 : i32 to vector<16xi32>
        %add3A_328 = arith.constant 3 : i32
        %add3A_329 = arith.addi %add3A_305, %add3A_328 : i32
        %add3A_330 = vector.broadcast %add3A_329 : i32 to vector<16xi32>
        %add3A_331 = arith.addi %broadcast_in_dim3A_327, %add3A_330 : vector<16xi32>
        %gather3A_332 = tpu.vector_load_idx %arg15[%add3A_331] : memref<128xf32, #tpu.memory_space<vmem>>[vector<16xi32>], vector<16xf32>,
        %add3A_333 = arith.constant 0 : i32
        %add3A_334 = arith.addi %add3A_305, %add3A_333 : i32
        %get3A_335 = arith.index_cast %add3A_334 : i32 to index
        %get3A_336 = arith.constant 0 : index
        %get3A_337 = tpu.vector_load %arg21[%get3A_335, %get3A_336] {strides = array<i32>} : memref<128x128xf32, #tpu.memory_space<vmem>>, vector<16xf32>,
        %mul3A_338 = arith.mulf %get3A_337, %gather3A : vector<16xf32>
        %add3A_339 = arith.constant 0 : i32
        %add3A_340 = arith.addi %add3A_305, %add3A_339 : i32
        %swap3A_341 = arith.index_cast %add3A_340 : i32 to index
        %swap3A_342 = arith.constant 0 : index
        %swap3A_343 = tpu.vector_load %arg21[%swap3A_341, %swap3A_342] {strides = array<i32>} : memref<128x128xf32, #tpu.memory_space<vmem>>, vector<16xf32>,
        tpu.vector_store %arg21[%swap3A_341, %swap3A_342], %mul3A_338 {strides = array<i32>} : memref<128x128xf32, #tpu.memory_space<vmem>>, vector<16xf32>,
        %add3A_344 = arith.constant 1 : i32
        %add3A_345 = arith.addi %add3A_305, %add3A_344 : i32
        %get3A_346 = arith.index_cast %add3A_345 : i32 to index
        %get3A_347 = arith.constant 0 : index
        %get3A_348 = tpu.vector_load %arg21[%get3A_346, %get3A_347] {strides = array<i32>} : memref<128x128xf32, #tpu.memory_space<vmem>>, vector<16xf32>,
        %mul3A_349 = arith.mulf %get3A_348, %gather3A_318 : vector<16xf32>
        %add3A_350 = arith.constant 1 : i32
        %add3A_351 = arith.addi %add3A_305, %add3A_350 : i32
        %swap3A_352 = arith.index_cast %add3A_351 : i32 to index
        %swap3A_353 = arith.constant 0 : index
        %swap3A_354 = tpu.vector_load %arg21[%swap3A_352, %swap3A_353] {strides = array<i32>} : memref<128x128xf32, #tpu.memory_space<vmem>>, vector<16xf32>,
        tpu.vector_store %arg21[%swap3A_352, %swap3A_353], %mul3A_349 {strides = array<i32>} : memref<128x128xf32, #tpu.memory_space<vmem>>, vector<16xf32>,
        %add3A_355 = arith.constant 2 : i32
        %add3A_356 = arith.addi %add3A_305, %add3A_355 : i32
        %get3A_357 = arith.index_cast %add3A_356 : i32 to index
        %get3A_358 = arith.constant 0 : index
        %get3A_359 = tpu.vector_load %arg21[%get3A_357, %get3A_358] {strides = array<i32>} : memref<128x128xf32, #tpu.memory_space<vmem>>, vector<16xf32>,
        %mul3A_360 = arith.mulf %get3A_359, %gather3A_325 : vector<16xf32>
        %add3A_361 = arith.constant 2 : i32
        %add3A_362 = arith.addi %add3A_305, %add3A_361 : i32
        %swap3A_363 = arith.index_cast %add3A_362 : i32 to index
        %swap3A_364 = arith.constant 0 : index
        %swap3A_365 = tpu.vector_load %arg21[%swap3A_363, %swap3A_364] {strides = array<i32>} : memref<128x128xf32, #tpu.memory_space<vmem>>, vector<16xf32>,
        tpu.vector_store %arg21[%swap3A_363, %swap3A_364], %mul3A_360 {strides = array<i32>} : memref<128x128xf32, #tpu.memory_space<vmem>>, vector<16xf32>,
        %add3A_366 = arith.constant 3 : i32
        %add3A_367 = arith.addi %add3A_305, %add3A_366 : i32
        %get3A_368 = arith.index_cast %add3A_367 : i32 to index
        %get3A_369 = arith.constant 0 : index
        %get3A_370 = tpu.vector_load %arg21[%get3A_368, %get3A_369] {strides = array<i32>} : memref<128x128xf32, #tpu.memory_space<vmem>>, vector<16xf32>,
        %mul3A_371 = arith.mulf %get3A_370, %gather3A_332 : vector<16xf32>
        %add3A_372 = arith.constant 3 : i32
        %add3A_373 = arith.addi %add3A_305, %add3A_372 : i32
        %swap3A_374 = arith.index_cast %add3A_373 : i32 to index
        %swap3A_375 = arith.constant 0 : index
        %swap3A_376 = tpu.vector_load %arg21[%swap3A_374, %swap3A_375] {strides = array<i32>} : memref<128x128xf32, #tpu.memory_space<vmem>>, vector<16xf32>,
        tpu.vector_store %arg21[%swap3A_374, %swap3A_375], %mul3A_371 {strides = array<i32>} : memref<128x128xf32, #tpu.memory_space<vmem>>, vector<16xf32>,
        %add3A_377 = arith.constant 0 : i32
        %add3A_378 = arith.addi %add3A_305, %add3A_377 : i32
        %get3A_379 = arith.index_cast %add3A_378 : i32 to index
        %get3A_380 = arith.constant 16 : index
        %get3A_381 = tpu.vector_load %arg21[%get3A_379, %get3A_380] {strides = array<i32>} : memref<128x128xf32, #tpu.memory_space<vmem>>, vector<16xf32>,
        %mul3A_382 = arith.mulf %get3A_381, %gather3A : vector<16xf32>
        %add3A_383 = arith.constant 0 : i32
        %add3A_384 = arith.addi %add3A_305, %add3A_383 : i32
        %swap3A_385 = arith.index_cast %add3A_384 : i32 to index
        %swap3A_386 = arith.constant 16 : index
        %swap3A_387 = tpu.vector_load %arg21[%swap3A_385, %swap3A_386] {strides = array<i32>} : memref<128x128xf32, #tpu.memory_space<vmem>>, vector<16xf32>,
        tpu.vector_store %arg21[%swap3A_385, %swap3A_386], %mul3A_382 {strides = array<i32>} : memref<128x128xf32, #tpu.memory_space<vmem>>, vector<16xf32>,
        %add3A_388 = arith.constant 1 : i32
        %add3A_389 = arith.addi %add3A_305, %add3A_388 : i32
        %get3A_390 = arith.index_cast %add3A_389 : i32 to index
        %get3A_391 = arith.constant 16 : index
        %get3A_392 = tpu.vector_load %arg21[%get3A_390, %get3A_391] {strides = array<i32>} : memref<128x128xf32, #tpu.memory_space<vmem>>, vector<16xf32>,
        %mul3A_393 = arith.mulf %get3A_392, %gather3A_318 : vector<16xf32>
        %add3A_394 = arith.constant 1 : i32
        %add3A_395 = arith.addi %add3A_305, %add3A_394 : i32
        %swap3A_396 = arith.index_cast %add3A_395 : i32 to index
        %swap3A_397 = arith.constant 16 : index
        %swap3A_398 = tpu.vector_load %arg21[%swap3A_396, %swap3A_397] {strides = array<i32>} : memref<128x128xf32, #tpu.memory_space<vmem>>, vector<16xf32>,
        tpu.vector_store %arg21[%swap3A_396, %swap3A_397], %mul3A_393 {strides = array<i32>} : memref<128x128xf32, #tpu.memory_space<vmem>>, vector<16xf32>,
        %add3A_399 = arith.constant 2 : i32
        %add3A_400 = arith.addi %add3A_305, %add3A_399 : i32
        %get3A_401 = arith.index_cast %add3A_400 : i32 to index
        %get3A_402 = arith.constant 16 : index
        %get3A_403 = tpu.vector_load %arg21[%get3A_401, %get3A_402] {strides = array<i32>} : memref<128x128xf32, #tpu.memory_space<vmem>>, vector<16xf32>,
        %mul3A_404 = arith.mulf %get3A_403, %gather3A_325 : vector<16xf32>
        %add3A_405 = arith.constant 2 : i32
        %add3A_406 = arith.addi %add3A_305, %add3A_405 : i32
        %swap3A_407 = arith.index_cast %add3A_406 : i32 to index
        %swap3A_408 = arith.constant 16 : index
        %swap3A_409 = tpu.vector_load %arg21[%swap3A_407, %swap3A_408] {strides = array<i32>} : memref<128x128xf32, #tpu.memory_space<vmem>>, vector<16xf32>,
        tpu.vector_store %arg21[%swap3A_407, %swap3A_408], %mul3A_404 {strides = array<i32>} : memref<128x128xf32, #tpu.memory_space<vmem>>, vector<16xf32>,
        %add3A_410 = arith.constant 3 : i32
        %add3A_411 = arith.addi %add3A_305, %add3A_410 : i32
        %get3A_412 = arith.index_cast %add3A_411 : i32 to index
        %get3A_413 = arith.constant 16 : index
        %get3A_414 = tpu.vector_load %arg21[%get3A_412, %get3A_413] {strides = array<i32>} : memref<128x128xf32, #tpu.memory_space<vmem>>, vector<16xf32>,
        %mul3A_415 = arith.mulf %get3A_414, %gather3A_332 : vector<16xf32>
        %add3A_416 = arith.constant 3 : i32
        %add3A_417 = arith.addi %add3A_305, %add3A_416 : i32
        %swap3A_418 = arith.index_cast %add3A_417 : i32 to index
        %swap3A_419 = arith.constant 16 : index
        %swap3A_420 = tpu.vector_load %arg21[%swap3A_418, %swap3A_419] {strides = array<i32>} : memref<128x128xf32, #tpu.memory_space<vmem>>, vector<16xf32>,
        tpu.vector_store %arg21[%swap3A_418, %swap3A_419], %mul3A_415 {strides = array<i32>} : memref<128x128xf32, #tpu.memory_space<vmem>>, vector<16xf32>,
        %add3A_421 = arith.constant 0 : i32
        %add3A_422 = arith.addi %add3A_305, %add3A_421 : i32
        %get3A_423 = arith.index_cast %add3A_422 : i32 to index
        %get3A_424 = arith.constant 32 : index
        %get3A_425 = tpu.vector_load %arg21[%get3A_423, %get3A_424] {strides = array<i32>} : memref<128x128xf32, #tpu.memory_space<vmem>>, vector<16xf32>,
        %mul3A_426 = arith.mulf %get3A_425, %gather3A : vector<16xf32>
        %add3A_427 = arith.constant 0 : i32
        %add3A_428 = arith.addi %add3A_305, %add3A_427 : i32
        %swap3A_429 = arith.index_cast %add3A_428 : i32 to index
        %swap3A_430 = arith.constant 32 : index
        %swap3A_431 = tpu.vector_load %arg21[%swap3A_429, %swap3A_430] {strides = array<i32>} : memref<128x128xf32, #tpu.memory_space<vmem>>, vector<16xf32>,
        tpu.vector_store %arg21[%swap3A_429, %swap3A_430], %mul3A_426 {strides = array<i32>} : memref<128x128xf32, #tpu.memory_space<vmem>>, vector<16xf32>,
        %add3A_432 = arith.constant 1 : i32
        %add3A_433 = arith.addi %add3A_305, %add3A_432 : i32
        %get3A_434 = arith.index_cast %add3A_433 : i32 to index
        %get3A_435 = arith.constant 32 : index
        %get3A_436 = tpu.vector_load %arg21[%get3A_434, %get3A_435] {strides = array<i32>} : memref<128x128xf32, #tpu.memory_space<vmem>>, vector<16xf32>,
        %mul3A_437 = arith.mulf %get3A_436, %gather3A_318 : vector<16xf32>
        %add3A_438 = arith.constant 1 : i32
        %add3A_439 = arith.addi %add3A_305, %add3A_438 : i32
        %swap3A_440 = arith.index_cast %add3A_439 : i32 to index
        %swap3A_441 = arith.constant 32 : index
        %swap3A_442 = tpu.vector_load %arg21[%swap3A_440, %swap3A_441] {strides = array<i32>} : memref<128x128xf32, #tpu.memory_space<vmem>>, vector<16xf32>,
        tpu.vector_store %arg21[%swap3A_440, %swap3A_441], %mul3A_437 {strides = array<i32>} : memref<128x128xf32, #tpu.memory_space<vmem>>, vector<16xf32>,
        %add3A_443 = arith.constant 2 : i32
        %add3A_444 = arith.addi %add3A_305, %add3A_443 : i32
        %get3A_445 = arith.index_cast %add3A_444 : i32 to index
        %get3A_446 = arith.constant 32 : index
        %get3A_447 = tpu.vector_load %arg21[%get3A_445, %get3A_446] {strides = array<i32>} : memref<128x128xf32, #tpu.memory_space<vmem>>, vector<16xf32>,
        %mul3A_448 = arith.mulf %get3A_447, %gather3A_325 : vector<16xf32>
        %add3A_449 = arith.constant 2 : i32
        %add3A_450 = arith.addi %add3A_305, %add3A_449 : i32
        %swap3A_451 = arith.index_cast %add3A_450 : i32 to index
        %swap3A_452 = arith.constant 32 : index
        %swap3A_453 = tpu.vector_load %arg21[%swap3A_451, %swap3A_452] {strides = array<i32>} : memref<128x128xf32, #tpu.memory_space<vmem>>, vector<16xf32>,
        tpu.vector_store %arg21[%swap3A_451, %swap3A_452], %mul3A_448 {strides = array<i32>} : memref<128x128xf32, #tpu.memory_space<vmem>>, vector<16xf32>,
        %add3A_454 = arith.constant 3 : i32
        %add3A_455 = arith.addi %add3A_305, %add3A_454 : i32
        %get3A_456 = arith.index_cast %add3A_455 : i32 to index
        %get3A_457 = arith.constant 32 : index
        %get3A_458 = tpu.vector_load %arg21[%get3A_456, %get3A_457] {strides = array<i32>} : memref<128x128xf32, #tpu.memory_space<vmem>>, vector<16xf32>,
        %mul3A_459 = arith.mulf %get3A_458, %gather3A_332 : vector<16xf32>
        %add3A_460 = arith.constant 3 : i32
        %add3A_461 = arith.addi %add3A_305, %add3A_460 : i32
        %swap3A_462 = arith.index_cast %add3A_461 : i32 to index
        %swap3A_463 = arith.constant 32 : index
        %swap3A_464 = tpu.vector_load %arg21[%swap3A_462, %swap3A_463] {strides = array<i32>} : memref<128x128xf32, #tpu.memory_space<vmem>>, vector<16xf32>,
        tpu.vector_store %arg21[%swap3A_462, %swap3A_463], %mul3A_459 {strides = array<i32>} : memref<128x128xf32, #tpu.memory_space<vmem>>, vector<16xf32>,
        %add3A_465 = arith.constant 0 : i32
        %add3A_466 = arith.addi %add3A_305, %add3A_465 : i32
        %get3A_467 = arith.index_cast %add3A_466 : i32 to index
        %get3A_468 = arith.constant 48 : index
        %get3A_469 = tpu.vector_load %arg21[%get3A_467, %get3A_468] {strides = array<i32>} : memref<128x128xf32, #tpu.memory_space<vmem>>, vector<16xf32>,
        %mul3A_470 = arith.mulf %get3A_469, %gather3A : vector<16xf32>
        %add3A_471 = arith.constant 0 : i32
        %add3A_472 = arith.addi %add3A_305, %add3A_471 : i32
        %swap3A_473 = arith.index_cast %add3A_472 : i32 to index
        %swap3A_474 = arith.constant 48 : index
        %swap3A_475 = tpu.vector_load %arg21[%swap3A_473, %swap3A_474] {strides = array<i32>} : memref<128x128xf32, #tpu.memory_space<vmem>>, vector<16xf32>,
        tpu.vector_store %arg21[%swap3A_473, %swap3A_474], %mul3A_470 {strides = array<i32>} : memref<128x128xf32, #tpu.memory_space<vmem>>, vector<16xf32>,
        %add3A_476 = arith.constant 1 : i32
        %add3A_477 = arith.addi %add3A_305, %add3A_476 : i32
        %get3A_478 = arith.index_cast %add3A_477 : i32 to index
        %get3A_479 = arith.constant 48 : index
        %get3A_480 = tpu.vector_load %arg21[%get3A_478, %get3A_479] {strides = array<i32>} : memref<128x128xf32, #tpu.memory_space<vmem>>, vector<16xf32>,
        %mul3A_481 = arith.mulf %get3A_480, %gather3A_318 : vector<16xf32>
        %add3A_482 = arith.constant 1 : i32
        %add3A_483 = arith.addi %add3A_305, %add3A_482 : i32
        %swap3A_484 = arith.index_cast %add3A_483 : i32 to index
        %swap3A_485 = arith.constant 48 : index
        %swap3A_486 = tpu.vector_load %arg21[%swap3A_484, %swap3A_485] {strides = array<i32>} : memref<128x128xf32, #tpu.memory_space<vmem>>, vector<16xf32>,
        tpu.vector_store %arg21[%swap3A_484, %swap3A_485], %mul3A_481 {strides = array<i32>} : memref<128x128xf32, #tpu.memory_space<vmem>>, vector<16xf32>,
        %add3A_487 = arith.constant 2 : i32
        %add3A_488 = arith.addi %add3A_305, %add3A_487 : i32
        %get3A_489 = arith.index_cast %add3A_488 : i32 to index
        %get3A_490 = arith.constant 48 : index
        %get3A_491 = tpu.vector_load %arg21[%get3A_489, %get3A_490] {strides = array<i32>} : memref<128x128xf32, #tpu.memory_space<vmem>>, vector<16xf32>,
        %mul3A_492 = arith.mulf %get3A_491, %gather3A_325 : vector<16xf32>
        %add3A_493 = arith.constant 2 : i32
        %add3A_494 = arith.addi %add3A_305, %add3A_493 : i32
        %swap3A_495 = arith.index_cast %add3A_494 : i32 to index
        %swap3A_496 = arith.constant 48 : index
        %swap3A_497 = tpu.vector_load %arg21[%swap3A_495, %swap3A_496] {strides = array<i32>} : memref<128x128xf32, #tpu.memory_space<vmem>>, vector<16xf32>,
        tpu.vector_store %arg21[%swap3A_495, %swap3A_496], %mul3A_492 {strides = array<i32>} : memref<128x128xf32, #tpu.memory_space<vmem>>, vector<16xf32>,
        %add3A_498 = arith.constant 3 : i32
        %add3A_499 = arith.addi %add3A_305, %add3A_498 : i32
        %get3A_500 = arith.index_cast %add3A_499 : i32 to index
        %get3A_501 = arith.constant 48 : index
        %get3A_502 = tpu.vector_load %arg21[%get3A_500, %get3A_501] {strides = array<i32>} : memref<128x128xf32, #tpu.memory_space<vmem>>, vector<16xf32>,
        %mul3A_503 = arith.mulf %get3A_502, %gather3A_332 : vector<16xf32>
        %add3A_504 = arith.constant 3 : i32
        %add3A_505 = arith.addi %add3A_305, %add3A_504 : i32
        %swap3A_506 = arith.index_cast %add3A_505 : i32 to index
        %swap3A_507 = arith.constant 48 : index
        %swap3A_508 = tpu.vector_load %arg21[%swap3A_506, %swap3A_507] {strides = array<i32>} : memref<128x128xf32, #tpu.memory_space<vmem>>, vector<16xf32>,
        tpu.vector_store %arg21[%swap3A_506, %swap3A_507], %mul3A_503 {strides = array<i32>} : memref<128x128xf32, #tpu.memory_space<vmem>>, vector<16xf32>,
        %add3A_509 = arith.constant 0 : i32
        %add3A_510 = arith.addi %add3A_305, %add3A_509 : i32
        %get3A_511 = arith.index_cast %add3A_510 : i32 to index
        %get3A_512 = arith.constant 64 : index
        %get3A_513 = tpu.vector_load %arg21[%get3A_511, %get3A_512] {strides = array<i32>} : memref<128x128xf32, #tpu.memory_space<vmem>>, vector<16xf32>,
        %mul3A_514 = arith.mulf %get3A_513, %gather3A : vector<16xf32>
        %add3A_515 = arith.constant 0 : i32
        %add3A_516 = arith.addi %add3A_305, %add3A_515 : i32
        %swap3A_517 = arith.index_cast %add3A_516 : i32 to index
        %swap3A_518 = arith.constant 64 : index
        %swap3A_519 = tpu.vector_load %arg21[%swap3A_517, %swap3A_518] {strides = array<i32>} : memref<128x128xf32, #tpu.memory_space<vmem>>, vector<16xf32>,
        tpu.vector_store %arg21[%swap3A_517, %swap3A_518], %mul3A_514 {strides = array<i32>} : memref<128x128xf32, #tpu.memory_space<vmem>>, vector<16xf32>,
        %add3A_520 = arith.constant 1 : i32
        %add3A_521 = arith.addi %add3A_305, %add3A_520 : i32
        %get3A_522 = arith.index_cast %add3A_521 : i32 to index
        %get3A_523 = arith.constant 64 : index
        %get3A_524 = tpu.vector_load %arg21[%get3A_522, %get3A_523] {strides = array<i32>} : memref<128x128xf32, #tpu.memory_space<vmem>>, vector<16xf32>,
        %mul3A_525 = arith.mulf %get3A_524, %gather3A_318 : vector<16xf32>
        %add3A_526 = arith.constant 1 : i32
        %add3A_527 = arith.addi %add3A_305, %add3A_526 : i32
        %swap3A_528 = arith.index_cast %add3A_527 : i32 to index
        %swap3A_529 = arith.constant 64 : index
        %swap3A_530 = tpu.vector_load %arg21[%swap3A_528, %swap3A_529] {strides = array<i32>} : memref<128x128xf32, #tpu.memory_space<vmem>>, vector<16xf32>,
        tpu.vector_store %arg21[%swap3A_528, %swap3A_529], %mul3A_525 {strides = array<i32>} : memref<128x128xf32, #tpu.memory_space<vmem>>, vector<16xf32>,
        %add3A_531 = arith.constant 2 : i32
        %add3A_532 = arith.addi %add3A_305, %add3A_531 : i32
        %get3A_533 = arith.index_cast %add3A_532 : i32 to index
        %get3A_534 = arith.constant 64 : index
        %get3A_535 = tpu.vector_load %arg21[%get3A_533, %get3A_534] {strides = array<i32>} : memref<128x128xf32, #tpu.memory_space<vmem>>, vector<16xf32>,
        %mul3A_536 = arith.mulf %get3A_535, %gather3A_325 : vector<16xf32>
        %add3A_537 = arith.constant 2 : i32
        %add3A_538 = arith.addi %add3A_305, %add3A_537 : i32
        %swap3A_539 = arith.index_cast %add3A_538 : i32 to index
        %swap3A_540 = arith.constant 64 : index
        %swap3A_541 = tpu.vector_load %arg21[%swap3A_539, %swap3A_540] {strides = array<i32>} : memref<128x128xf32, #tpu.memory_space<vmem>>, vector<16xf32>,
        tpu.vector_store %arg21[%swap3A_539, %swap3A_540], %mul3A_536 {strides = array<i32>} : memref<128x128xf32, #tpu.memory_space<vmem>>, vector<16xf32>,
        %add3A_542 = arith.constant 3 : i32
        %add3A_543 = arith.addi %add3A_305, %add3A_542 : i32
        %get3A_544 = arith.index_cast %add3A_543 : i32 to index
        %get3A_545 = arith.constant 64 : index
        %get3A_546 = tpu.vector_load %arg21[%get3A_544, %get3A_545] {strides = array<i32>} : memref<128x128xf32, #tpu.memory_space<vmem>>, vector<16xf32>,
        %mul3A_547 = arith.mulf %get3A_546, %gather3A_332 : vector<16xf32>
        %add3A_548 = arith.constant 3 : i32
        %add3A_549 = arith.addi %add3A_305, %add3A_548 : i32
        %swap3A_550 = arith.index_cast %add3A_549 : i32 to index
        %swap3A_551 = arith.constant 64 : index
        %swap3A_552 = tpu.vector_load %arg21[%swap3A_550, %swap3A_551] {strides = array<i32>} : memref<128x128xf32, #tpu.memory_space<vmem>>, vector<16xf32>,
        tpu.vector_store %arg21[%swap3A_550, %swap3A_551], %mul3A_547 {strides = array<i32>} : memref<128x128xf32, #tpu.memory_space<vmem>>, vector<16xf32>,
        %add3A_553 = arith.constant 0 : i32
        %add3A_554 = arith.addi %add3A_305, %add3A_553 : i32
        %get3A_555 = arith.index_cast %add3A_554 : i32 to index
        %get3A_556 = arith.constant 80 : index
        %get3A_557 = tpu.vector_load %arg21[%get3A_555, %get3A_556] {strides = array<i32>} : memref<128x128xf32, #tpu.memory_space<vmem>>, vector<16xf32>,
        %mul3A_558 = arith.mulf %get3A_557, %gather3A : vector<16xf32>
        %add3A_559 = arith.constant 0 : i32
        %add3A_560 = arith.addi %add3A_305, %add3A_559 : i32
        %swap3A_561 = arith.index_cast %add3A_560 : i32 to index
        %swap3A_562 = arith.constant 80 : index
        %swap3A_563 = tpu.vector_load %arg21[%swap3A_561, %swap3A_562] {strides = array<i32>} : memref<128x128xf32, #tpu.memory_space<vmem>>, vector<16xf32>,
        tpu.vector_store %arg21[%swap3A_561, %swap3A_562], %mul3A_558 {strides = array<i32>} : memref<128x128xf32, #tpu.memory_space<vmem>>, vector<16xf32>,
        %add3A_564 = arith.constant 1 : i32
        %add3A_565 = arith.addi %add3A_305, %add3A_564 : i32
        %get3A_566 = arith.index_cast %add3A_565 : i32 to index
        %get3A_567 = arith.constant 80 : index
        %get3A_568 = tpu.vector_load %arg21[%get3A_566, %get3A_567] {strides = array<i32>} : memref<128x128xf32, #tpu.memory_space<vmem>>, vector<16xf32>,
        %mul3A_569 = arith.mulf %get3A_568, %gather3A_318 : vector<16xf32>
        %add3A_570 = arith.constant 1 : i32
        %add3A_571 = arith.addi %add3A_305, %add3A_570 : i32
        %swap3A_572 = arith.index_cast %add3A_571 : i32 to index
        %swap3A_573 = arith.constant 80 : index
        %swap3A_574 = tpu.vector_load %arg21[%swap3A_572, %swap3A_573] {strides = array<i32>} : memref<128x128xf32, #tpu.memory_space<vmem>>, vector<16xf32>,
        tpu.vector_store %arg21[%swap3A_572, %swap3A_573], %mul3A_569 {strides = array<i32>} : memref<128x128xf32, #tpu.memory_space<vmem>>, vector<16xf32>,
        %add3A_575 = arith.constant 2 : i32
        %add3A_576 = arith.addi %add3A_305, %add3A_575 : i32
        %get3A_577 = arith.index_cast %add3A_576 : i32 to index
        %get3A_578 = arith.constant 80 : index
        %get3A_579 = tpu.vector_load %arg21[%get3A_577, %get3A_578] {strides = array<i32>} : memref<128x128xf32, #tpu.memory_space<vmem>>, vector<16xf32>,
        %mul3A_580 = arith.mulf %get3A_579, %gather3A_325 : vector<16xf32>
        %add3A_581 = arith.constant 2 : i32
        %add3A_582 = arith.addi %add3A_305, %add3A_581 : i32
        %swap3A_583 = arith.index_cast %add3A_582 : i32 to index
        %swap3A_584 = arith.constant 80 : index
        %swap3A_585 = tpu.vector_load %arg21[%swap3A_583, %swap3A_584] {strides = array<i32>} : memref<128x128xf32, #tpu.memory_space<vmem>>, vector<16xf32>,
        tpu.vector_store %arg21[%swap3A_583, %swap3A_584], %mul3A_580 {strides = array<i32>} : memref<128x128xf32, #tpu.memory_space<vmem>>, vector<16xf32>,
        %add3A_586 = arith.constant 3 : i32
        %add3A_587 = arith.addi %add3A_305, %add3A_586 : i32
        %get3A_588 = arith.index_cast %add3A_587 : i32 to index
        %get3A_589 = arith.constant 80 : index
        %get3A_590 = tpu.vector_load %arg21[%get3A_588, %get3A_589] {strides = array<i32>} : memref<128x128xf32, #tpu.memory_space<vmem>>, vector<16xf32>,
        %mul3A_591 = arith.mulf %get3A_590, %gather3A_332 : vector<16xf32>
        %add3A_592 = arith.constant 3 : i32
        %add3A_593 = arith.addi %add3A_305, %add3A_592 : i32
        %swap3A_594 = arith.index_cast %add3A_593 : i32 to index
        %swap3A_595 = arith.constant 80 : index
        %swap3A_596 = tpu.vector_load %arg21[%swap3A_594, %swap3A_595] {strides = array<i32>} : memref<128x128xf32, #tpu.memory_space<vmem>>, vector<16xf32>,
        tpu.vector_store %arg21[%swap3A_594, %swap3A_595], %mul3A_591 {strides = array<i32>} : memref<128x128xf32, #tpu.memory_space<vmem>>, vector<16xf32>,
        %add3A_597 = arith.constant 0 : i32
        %add3A_598 = arith.addi %add3A_305, %add3A_597 : i32
        %get3A_599 = arith.index_cast %add3A_598 : i32 to index
        %get3A_600 = arith.constant 96 : index
        %get3A_601 = tpu.vector_load %arg21[%get3A_599, %get3A_600] {strides = array<i32>} : memref<128x128xf32, #tpu.memory_space<vmem>>, vector<16xf32>,
        %mul3A_602 = arith.mulf %get3A_601, %gather3A : vector<16xf32>
        %add3A_603 = arith.constant 0 : i32
        %add3A_604 = arith.addi %add3A_305, %add3A_603 : i32
        %swap3A_605 = arith.index_cast %add3A_604 : i32 to index
        %swap3A_606 = arith.constant 96 : index
        %swap3A_607 = tpu.vector_load %arg21[%swap3A_605, %swap3A_606] {strides = array<i32>} : memref<128x128xf32, #tpu.memory_space<vmem>>, vector<16xf32>,
        tpu.vector_store %arg21[%swap3A_605, %swap3A_606], %mul3A_602 {strides = array<i32>} : memref<128x128xf32, #tpu.memory_space<vmem>>, vector<16xf32>,
        %add3A_608 = arith.constant 1 : i32
        %add3A_609 = arith.addi %add3A_305, %add3A_608 : i32
        %get3A_610 = arith.index_cast %add3A_609 : i32 to index
        %get3A_611 = arith.constant 96 : index
        %get3A_612 = tpu.vector_load %arg21[%get3A_610, %get3A_611] {strides = array<i32>} : memref<128x128xf32, #tpu.memory_space<vmem>>, vector<16xf32>,
        %mul3A_613 = arith.mulf %get3A_612, %gather3A_318 : vector<16xf32>
        %add3A_614 = arith.constant 1 : i32
        %add3A_615 = arith.addi %add3A_305, %add3A_614 : i32
        %swap3A_616 = arith.index_cast %add3A_615 : i32 to index
        %swap3A_617 = arith.constant 96 : index
        %swap3A_618 = tpu.vector_load %arg21[%swap3A_616, %swap3A_617] {strides = array<i32>} : memref<128x128xf32, #tpu.memory_space<vmem>>, vector<16xf32>,
        tpu.vector_store %arg21[%swap3A_616, %swap3A_617], %mul3A_613 {strides = array<i32>} : memref<128x128xf32, #tpu.memory_space<vmem>>, vector<16xf32>,
        %add3A_619 = arith.constant 2 : i32
        %add3A_620 = arith.addi %add3A_305, %add3A_619 : i32
        %get3A_621 = arith.index_cast %add3A_620 : i32 to index
        %get3A_622 = arith.constant 96 : index
        %get3A_623 = tpu.vector_load %arg21[%get3A_621, %get3A_622] {strides = array<i32>} : memref<128x128xf32, #tpu.memory_space<vmem>>, vector<16xf32>,
        %mul3A_624 = arith.mulf %get3A_623, %gather3A_325 : vector<16xf32>
        %add3A_625 = arith.constant 2 : i32
        %add3A_626 = arith.addi %add3A_305, %add3A_625 : i32
        %swap3A_627 = arith.index_cast %add3A_626 : i32 to index
        %swap3A_628 = arith.constant 96 : index
        %swap3A_629 = tpu.vector_load %arg21[%swap3A_627, %swap3A_628] {strides = array<i32>} : memref<128x128xf32, #tpu.memory_space<vmem>>, vector<16xf32>,
        tpu.vector_store %arg21[%swap3A_627, %swap3A_628], %mul3A_624 {strides = array<i32>} : memref<128x128xf32, #tpu.memory_space<vmem>>, vector<16xf32>,
        %add3A_630 = arith.constant 3 : i32
        %add3A_631 = arith.addi %add3A_305, %add3A_630 : i32
        %get3A_632 = arith.index_cast %add3A_631 : i32 to index
        %get3A_633 = arith.constant 96 : index
        %get3A_634 = tpu.vector_load %arg21[%get3A_632, %get3A_633] {strides = array<i32>} : memref<128x128xf32, #tpu.memory_space<vmem>>, vector<16xf32>,
        %mul3A_635 = arith.mulf %get3A_634, %gather3A_332 : vector<16xf32>
        %add3A_636 = arith.constant 3 : i32
        %add3A_637 = arith.addi %add3A_305, %add3A_636 : i32
        %swap3A_638 = arith.index_cast %add3A_637 : i32 to index
        %swap3A_639 = arith.constant 96 : index
        %swap3A_640 = tpu.vector_load %arg21[%swap3A_638, %swap3A_639] {strides = array<i32>} : memref<128x128xf32, #tpu.memory_space<vmem>>, vector<16xf32>,
        tpu.vector_store %arg21[%swap3A_638, %swap3A_639], %mul3A_635 {strides = array<i32>} : memref<128x128xf32, #tpu.memory_space<vmem>>, vector<16xf32>,
        %add3A_641 = arith.constant 0 : i32
        %add3A_642 = arith.addi %add3A_305, %add3A_641 : i32
        %get3A_643 = arith.index_cast %add3A_642 : i32 to index
        %get3A_644 = arith.constant 112 : index
        %get3A_645 = tpu.vector_load %arg21[%get3A_643, %get3A_644] {strides = array<i32>} : memref<128x128xf32, #tpu.memory_space<vmem>>, vector<16xf32>,
        %mul3A_646 = arith.mulf %get3A_645, %gather3A : vector<16xf32>
        %add3A_647 = arith.constant 0 : i32
        %add3A_648 = arith.addi %add3A_305, %add3A_647 : i32
        %swap3A_649 = arith.index_cast %add3A_648 : i32 to index
        %swap3A_650 = arith.constant 112 : index
        %swap3A_651 = tpu.vector_load %arg21[%swap3A_649, %swap3A_650] {strides = array<i32>} : memref<128x128xf32, #tpu.memory_space<vmem>>, vector<16xf32>,
        tpu.vector_store %arg21[%swap3A_649, %swap3A_650], %mul3A_646 {strides = array<i32>} : memref<128x128xf32, #tpu.memory_space<vmem>>, vector<16xf32>,
        %add3A_652 = arith.constant 1 : i32
        %add3A_653 = arith.addi %add3A_305, %add3A_652 : i32
        %get3A_654 = arith.index_cast %add3A_653 : i32 to index
        %get3A_655 = arith.constant 112 : index
        %get3A_656 = tpu.vector_load %arg21[%get3A_654, %get3A_655] {strides = array<i32>} : memref<128x128xf32, #tpu.memory_space<vmem>>, vector<16xf32>,
        %mul3A_657 = arith.mulf %get3A_656, %gather3A_318 : vector<16xf32>
        %add3A_658 = arith.constant 1 : i32
        %add3A_659 = arith.addi %add3A_305, %add3A_658 : i32
        %swap3A_660 = arith.index_cast %add3A_659 : i32 to index
        %swap3A_661 = arith.constant 112 : index
        %swap3A_662 = tpu.vector_load %arg21[%swap3A_660, %swap3A_661] {strides = array<i32>} : memref<128x128xf32, #tpu.memory_space<vmem>>, vector<16xf32>,
        tpu.vector_store %arg21[%swap3A_660, %swap3A_661], %mul3A_657 {strides = array<i32>} : memref<128x128xf32, #tpu.memory_space<vmem>>, vector<16xf32>,
        %add3A_663 = arith.constant 2 : i32
        %add3A_664 = arith.addi %add3A_305, %add3A_663 : i32
        %get3A_665 = arith.index_cast %add3A_664 : i32 to index
        %get3A_666 = arith.constant 112 : index
        %get3A_667 = tpu.vector_load %arg21[%get3A_665, %get3A_666] {strides = array<i32>} : memref<128x128xf32, #tpu.memory_space<vmem>>, vector<16xf32>,
        %mul3A_668 = arith.mulf %get3A_667, %gather3A_325 : vector<16xf32>
        %add3A_669 = arith.constant 2 : i32
        %add3A_670 = arith.addi %add3A_305, %add3A_669 : i32
        %swap3A_671 = arith.index_cast %add3A_670 : i32 to index
        %swap3A_672 = arith.constant 112 : index
        %swap3A_673 = tpu.vector_load %arg21[%swap3A_671, %swap3A_672] {strides = array<i32>} : memref<128x128xf32, #tpu.memory_space<vmem>>, vector<16xf32>,
        tpu.vector_store %arg21[%swap3A_671, %swap3A_672], %mul3A_668 {strides = array<i32>} : memref<128x128xf32, #tpu.memory_space<vmem>>, vector<16xf32>,
        %add3A_674 = arith.constant 3 : i32
        %add3A_675 = arith.addi %add3A_305, %add3A_674 : i32
        %get3A_676 = arith.index_cast %add3A_675 : i32 to index
        %get3A_677 = arith.constant 112 : index
        %get3A_678 = tpu.vector_load %arg21[%get3A_676, %get3A_677] {strides = array<i32>} : memref<128x128xf32, #tpu.memory_space<vmem>>, vector<16xf32>,
        %mul3A_679 = arith.mulf %get3A_678, %gather3A_332 : vector<16xf32>
        %add3A_680 = arith.constant 3 : i32
        %add3A_681 = arith.addi %add3A_305, %add3A_680 : i32
        %swap3A_682 = arith.index_cast %add3A_681 : i32 to index
        %swap3A_683 = arith.constant 112 : index
        %swap3A_684 = tpu.vector_load %arg21[%swap3A_682, %swap3A_683] {strides = array<i32>} : memref<128x128xf32, #tpu.memory_space<vmem>>, vector<16xf32>,
        tpu.vector_store %arg21[%swap3A_682, %swap3A_683], %mul3A_679 {strides = array<i32>} : memref<128x128xf32, #tpu.memory_space<vmem>>, vector<16xf32>,
      }
      %scan3A_244 = arith.constant 32 : i32
      %get3A_245 = arith.constant 0 : index
      %get3A_246 = tpu.vector_load %arg12[%get3A_245] {strides = array<i32>} : memref<128xi32, #tpu.memory_space<vmem>>, vector<16xi32>,
      %swap3A_247 = arith.constant 0 : index
      %swap3A_248 = tpu.vector_load %arg18[%swap3A_247] {strides = array<i32>} : memref<128xi32, #tpu.memory_space<vmem>>, vector<16xi32>,
      tpu.vector_store %arg18[%swap3A_247], %get3A_246 {strides = array<i32>} : memref<128xi32, #tpu.memory_space<vmem>>, vector<16xi32>,
      %get3A_249 = arith.constant 16 : index
      %get3A_250 = tpu.vector_load %arg12[%get3A_249] {strides = array<i32>} : memref<128xi32, #tpu.memory_space<vmem>>, vector<16xi32>,
      %swap3A_251 = arith.constant 16 : index
      %swap3A_252 = tpu.vector_load %arg18[%swap3A_251] {strides = array<i32>} : memref<128xi32, #tpu.memory_space<vmem>>, vector<16xi32>,
      tpu.vector_store %arg18[%swap3A_251], %get3A_250 {strides = array<i32>} : memref<128xi32, #tpu.memory_space<vmem>>, vector<16xi32>,
      %get3A_253 = arith.constant 32 : index
      %get3A_254 = tpu.vector_load %arg12[%get3A_253] {strides = array<i32>} : memref<128xi32, #tpu.memory_space<vmem>>, vector<16xi32>,
      %swap3A_255 = arith.constant 32 : index
      %swap3A_256 = tpu.vector_load %arg18[%swap3A_255] {strides = array<i32>} : memref<128xi32, #tpu.memory_space<vmem>>, vector<16xi32>,
      tpu.vector_store %arg18[%swap3A_255], %get3A_254 {strides = array<i32>} : memref<128xi32, #tpu.memory_space<vmem>>, vector<16xi32>,
      %get3A_257 = arith.constant 48 : index
      %get3A_258 = tpu.vector_load %arg12[%get3A_257] {strides = array<i32>} : memref<128xi32, #tpu.memory_space<vmem>>, vector<16xi32>,
      %swap3A_259 = arith.constant 48 : index
      %swap3A_260 = tpu.vector_load %arg18[%swap3A_259] {strides = array<i32>} : memref<128xi32, #tpu.memory_space<vmem>>, vector<16xi32>,
      tpu.vector_store %arg18[%swap3A_259], %get3A_258 {strides = array<i32>} : memref<128xi32, #tpu.memory_space<vmem>>, vector<16xi32>,
      %get3A_261 = arith.constant 64 : index
      %get3A_262 = tpu.vector_load %arg12[%get3A_261] {strides = array<i32>} : memref<128xi32, #tpu.memory_space<vmem>>, vector<16xi32>,
      %swap3A_263 = arith.constant 64 : index
      %swap3A_264 = tpu.vector_load %arg18[%swap3A_263] {strides = array<i32>} : memref<128xi32, #tpu.memory_space<vmem>>, vector<16xi32>,
      tpu.vector_store %arg18[%swap3A_263], %get3A_262 {strides = array<i32>} : memref<128xi32, #tpu.memory_space<vmem>>, vector<16xi32>,
      %get3A_265 = arith.constant 80 : index
      %get3A_266 = tpu.vector_load %arg12[%get3A_265] {strides = array<i32>} : memref<128xi32, #tpu.memory_space<vmem>>, vector<16xi32>,
      %swap3A_267 = arith.constant 80 : index
      %swap3A_268 = tpu.vector_load %arg18[%swap3A_267] {strides = array<i32>} : memref<128xi32, #tpu.memory_space<vmem>>, vector<16xi32>,
      tpu.vector_store %arg18[%swap3A_267], %get3A_266 {strides = array<i32>} : memref<128xi32, #tpu.memory_space<vmem>>, vector<16xi32>,
      %get3A_269 = arith.constant 96 : index
      %get3A_270 = tpu.vector_load %arg12[%get3A_269] {strides = array<i32>} : memref<128xi32, #tpu.memory_space<vmem>>, vector<16xi32>,
      %swap3A_271 = arith.constant 96 : index
      %swap3A_272 = tpu.vector_load %arg18[%swap3A_271] {strides = array<i32>} : memref<128xi32, #tpu.memory_space<vmem>>, vector<16xi32>,
      tpu.vector_store %arg18[%swap3A_271], %get3A_270 {strides = array<i32>} : memref<128xi32, #tpu.memory_space<vmem>>, vector<16xi32>,
      %get3A_273 = arith.constant 112 : index
      %get3A_274 = tpu.vector_load %arg12[%get3A_273] {strides = array<i32>} : memref<128xi32, #tpu.memory_space<vmem>>, vector<16xi32>,
      %swap3A_275 = arith.constant 112 : index
      %swap3A_276 = tpu.vector_load %arg18[%swap3A_275] {strides = array<i32>} : memref<128xi32, #tpu.memory_space<vmem>>, vector<16xi32>,
      tpu.vector_store %arg18[%swap3A_275], %get3A_274 {strides = array<i32>} : memref<128xi32, #tpu.memory_space<vmem>>, vector<16xi32>,
      %dma_start3A_277 = arith.constant 0 : i32
      %dma_start3A_278 = arith.constant 0 : i32
      %dma_start3A_279 = tpu.memref_slice %arg22[%dma_start3A_277, %dma_start3A_278] : memref<10000x128xf32, #tpu.memory_space<vmem_shared>> -> memref<10000x128xf32, #tpu.memory_space<vmem_shared>>
      tpu.enqueue_indirect_dma source(%arg21 : memref<128x128xf32, #tpu.memory_space<vmem>>) target(%dma_start3A_279 : memref<10000x128xf32, #tpu.memory_space<vmem_shared>>) offsets(%arg18 : memref<128xi32, #tpu.memory_space<vmem>>) semaphore(%arg31 : memref<!tpu.dma_semaphore, #tpu.memory_space<semaphore_mem>>) {add = true}
      %add3A_280 = arith.constant 3 : i32
      %add3A_281 = arith.addi %add3A_236, %add3A_280 : i32
      %lt3A_282 = arith.constant 81 : i32
      %lt3A_283 = arith.cmpi slt, %add3A_281, %lt3A_282 : i32
      %convert_element_type3A_284 = arith.extui %lt3A_283 : i1 to i32
      %cond3A_285 = arith.constant 0 : i32
      %cond3A_286 = arith.cmpi ne, %convert_element_type3A_284, %cond3A_285 : i32
      scf.if %cond3A_286 {
        %add3A_301 = arith.constant 3 : i32
        %add3A_302 = arith.addi %add3A_236, %add3A_301 : i32
        %mul3A_303 = arith.constant 81 : i32
        %mul3A_304 = arith.muli %add3A, %mul3A_303 : i32
        %add3A_305 = arith.addi %mul3A_304, %add3A_302 : i32
        %mul3A_306 = arith.constant 128 : i32
        %mul3A_307 = arith.muli %add3A_305, %mul3A_306 : i32
        %dma_start3A_308 = tpu.memref_slice %arg4[%mul3A_307] : memref<331776xi32, #tpu.memory_space<hbm>> -> memref<128xi32, #tpu.memory_space<hbm>>
        %dma_start3A_309 = tpu.memref_slice %arg4[%mul3A_307] : memref<331776xi32, #tpu.memory_space<hbm>> -> memref<128xi32, #tpu.memory_space<hbm>>
        tpu.enqueue_dma source(%dma_start3A_309 : memref<128xi32, #tpu.memory_space<hbm>>) target(%arg9 : memref<128xi32, #tpu.memory_space<vmem>>) target_semaphore(%arg25 : memref<!tpu.dma_semaphore, #tpu.memory_space<semaphore_mem>>)
        %dma_start3A_310 = tpu.memref_slice %arg3[%mul3A_307] : memref<331776xi32, #tpu.memory_space<hbm>> -> memref<128xi32, #tpu.memory_space<hbm>>
        %dma_start3A_311 = tpu.memref_slice %arg3[%mul3A_307] : memref<331776xi32, #tpu.memory_space<hbm>> -> memref<128xi32, #tpu.memory_space<hbm>>
        tpu.enqueue_dma source(%dma_start3A_311 : memref<128xi32, #tpu.memory_space<hbm>>) target(%arg12 : memref<128xi32, #tpu.memory_space<vmem>>) target_semaphore(%arg25 : memref<!tpu.dma_semaphore, #tpu.memory_space<semaphore_mem>>)
        %dma_start3A_312 = tpu.memref_slice %arg5[%mul3A_307] : memref<331776xf32, #tpu.memory_space<hbm>> -> memref<128xf32, #tpu.memory_space<hbm>>
        %dma_start3A_313 = tpu.memref_slice %arg5[%mul3A_307] : memref<331776xf32, #tpu.memory_space<hbm>> -> memref<128xf32, #tpu.memory_space<hbm>>
        tpu.enqueue_dma source(%dma_start3A_313 : memref<128xf32, #tpu.memory_space<hbm>>) target(%arg15 : memref<128xf32, #tpu.memory_space<vmem>>) target_semaphore(%arg25 : memref<!tpu.dma_semaphore, #tpu.memory_space<semaphore_mem>>)
      } else {
      }
      %ge3A_287 = arith.constant 1 : i32
      %ge3A_288 = arith.cmpi sge, %add3A_236, %ge3A_287 : i32
      %convert_element_type3A_289 = arith.extui %ge3A_288 : i1 to i32
      %cond3A_290 = arith.constant 0 : i32
      %cond3A_291 = arith.cmpi ne, %convert_element_type3A_289, %cond3A_290 : i32
      scf.if %cond3A_291 {
        %dma_wait3A_301 = arith.constant 0 : i32
        %dma_wait3A_302 = arith.constant 0 : i32
        %dma_wait3A_303 = tpu.memref_slice %arg22[%dma_wait3A_301, %dma_wait3A_302] : memref<10000x128xf32, #tpu.memory_space<vmem_shared>> -> memref<10000x128xf32, #tpu.memory_space<vmem_shared>>
        tpu.wait_indirect_dma semaphore(%arg30 : memref<!tpu.dma_semaphore, #tpu.memory_space<semaphore_mem>>) src(%arg20 : memref<128x128xf32, #tpu.memory_space<vmem>>) dst(%dma_wait3A_303 : memref<10000x128xf32, #tpu.memory_space<vmem_shared>>)
      } else {
      }
      %add3A_292 = arith.constant 3 : i32
      %add3A_293 = arith.addi %add3A_236, %add3A_292 : i32
      %sub3A_294 = arith.constant 1 : i32
      %sub3A_295 = arith.subi %add3A_293, %sub3A_294 : i32
      %lt3A_296 = arith.constant 81 : i32
      %lt3A_297 = arith.cmpi slt, %sub3A_295, %lt3A_296 : i32
      %convert_element_type3A_298 = arith.extui %lt3A_297 : i1 to i32
      %cond3A_299 = arith.constant 0 : i32
      %cond3A_300 = arith.cmpi ne, %convert_element_type3A_298, %cond3A_299 : i32
      scf.if %cond3A_300 {
        %dma_wait3A_301 = arith.constant 0 : i32
        %dma_wait3A_302 = tpu.memref_slice %arg4[%dma_wait3A_301] : memref<331776xi32, #tpu.memory_space<hbm>> -> memref<128xi32, #tpu.memory_space<hbm>>
        %dma_wait3A_303 = arith.constant 0 : i32
        %dma_wait3A_304 = tpu.memref_slice %arg4[%dma_wait3A_303] : memref<331776xi32, #tpu.memory_space<hbm>> -> memref<128xi32, #tpu.memory_space<hbm>>
        tpu.wait_dma2 semaphore(%arg24 : memref<!tpu.dma_semaphore, #tpu.memory_space<semaphore_mem>>) src(%dma_wait3A_304 : memref<128xi32, #tpu.memory_space<hbm>>) dst(%arg8 : memref<128xi32, #tpu.memory_space<vmem>>)
        %dma_wait3A_305 = arith.constant 0 : i32
        %dma_wait3A_306 = tpu.memref_slice %arg4[%dma_wait3A_305] : memref<331776xi32, #tpu.memory_space<hbm>> -> memref<128xi32, #tpu.memory_space<hbm>>
        %dma_wait3A_307 = arith.constant 0 : i32
        %dma_wait3A_308 = tpu.memref_slice %arg4[%dma_wait3A_307] : memref<331776xi32, #tpu.memory_space<hbm>> -> memref<128xi32, #tpu.memory_space<hbm>>
        tpu.wait_dma2 semaphore(%arg24 : memref<!tpu.dma_semaphore, #tpu.memory_space<semaphore_mem>>) src(%dma_wait3A_308 : memref<128xi32, #tpu.memory_space<hbm>>) dst(%arg11 : memref<128xi32, #tpu.memory_space<vmem>>)
        %dma_wait3A_309 = arith.constant 0 : i32
        %dma_wait3A_310 = tpu.memref_slice %arg5[%dma_wait3A_309] : memref<331776xf32, #tpu.memory_space<hbm>> -> memref<128xf32, #tpu.memory_space<hbm>>
        %dma_wait3A_311 = arith.constant 0 : i32
        %dma_wait3A_312 = tpu.memref_slice %arg5[%dma_wait3A_311] : memref<331776xf32, #tpu.memory_space<hbm>> -> memref<128xf32, #tpu.memory_space<hbm>>
        tpu.wait_dma2 semaphore(%arg24 : memref<!tpu.dma_semaphore, #tpu.memory_space<semaphore_mem>>) src(%dma_wait3A_312 : memref<128xf32, #tpu.memory_space<hbm>>) dst(%arg14 : memref<128xf32, #tpu.memory_space<vmem>>)
        %dma_start3A_313 = arith.constant 0 : i32
        %dma_start3A_314 = arith.constant 0 : i32
        %dma_start3A_315 = tpu.memref_slice %arg2[%dma_start3A_313, %dma_start3A_314] : memref<10000x128xf32, #tpu.memory_space<hbm>> -> memref<10000x128xf32, #tpu.memory_space<hbm>>
        tpu.enqueue_indirect_dma source(%dma_start3A_315 : memref<10000x128xf32, #tpu.memory_space<hbm>>) target(%arg20 : memref<128x128xf32, #tpu.memory_space<vmem>>) offsets(%arg8 : memref<128xi32, #tpu.memory_space<vmem>>) semaphore(%arg27 : memref<!tpu.dma_semaphore, #tpu.memory_space<semaphore_mem>>)
      } else {
      }
    }
    %scan3A_84 = arith.constant 27 : i32
    %dma_wait3A_85 = arith.constant 0 : i32
    %dma_wait3A_86 = arith.constant 0 : i32
    %dma_wait3A_87 = tpu.memref_slice %arg22[%dma_wait3A_85, %dma_wait3A_86] : memref<10000x128xf32, #tpu.memory_space<vmem_shared>> -> memref<10000x128xf32, #tpu.memory_space<vmem_shared>>
    tpu.wait_indirect_dma semaphore(%arg31 : memref<!tpu.dma_semaphore, #tpu.memory_space<semaphore_mem>>) src(%arg21 : memref<128x128xf32, #tpu.memory_space<vmem>>) dst(%dma_wait3A_87 : memref<10000x128xf32, #tpu.memory_space<vmem_shared>>)
    %barrier3A_88 = arith.constant 0 : index
    tpu.barrier barrier_id(%barrier3A_88)
    %scan3A_89 = arith.constant 0 : i32
    %scan3A_90 = arith.constant 8 : i32
    %scan3A_91 = arith.addi %scan3A_89, %scan3A_90 : i32
    %scan3A_92 = arith.constant 1 : i32
    scf.for %scan3A_99 = %scan3A_89 to %scan3A_91 step %scan3A_92  : i32 {
      %mul3A_100 = arith.constant 1 : i32
      %mul3A_101 = arith.muli %scan3A_99, %mul3A_100 : i32
      %add3A_102 = arith.constant 0 : i32
      %add3A_103 = arith.addi %add3A_102, %mul3A_101 : i32
      %mul3A_104 = arith.constant 16 : i32
      %mul3A_105 = arith.muli %add3A_103, %mul3A_104 : i32
      %add3A_106 = arith.addi %arg1, %mul3A_105 : i32
      %lt3A = arith.constant 125 : i32
      %lt3A_107 = arith.cmpi slt, %add3A_106, %lt3A : i32
      %convert_element_type3A = arith.extui %lt3A_107 : i1 to i32
      %cond3A = arith.constant 0 : i32
      %cond3A_108 = arith.cmpi ne, %convert_element_type3A, %cond3A : i32
      scf.if %cond3A_108 {
        %mul3A_109 = arith.constant 80 : i32
        %mul3A_110 = arith.muli %add3A_106, %mul3A_109 : i32
        %mul3A_111 = arith.constant 80 : i32
        %mul3A_112 = arith.muli %add3A_106, %mul3A_111 : i32
        %dma_start3A_113 = arith.constant 0 : i32
        %dma_start3A_114 = tpu.memref_slice %arg6[%arg0, %mul3A_112, %dma_start3A_113] : memref<2x10000x128xf32, #tpu.memory_space<hbm>> -> memref<1x80x128xf32, #tpu.memory_space<hbm>>
        %dma_start3A_115 = tpu.memref_squeeze %dma_start3A_114 : memref<1x80x128xf32, #tpu.memory_space<hbm>> -> memref<80x128xf32, #tpu.memory_space<hbm>>
        %dma_start3A_116 = arith.constant 0 : i32
        %dma_start3A_117 = tpu.memref_slice %arg22[%mul3A_110, %dma_start3A_116] : memref<10000x128xf32, #tpu.memory_space<vmem_shared>> -> memref<80x128xf32, #tpu.memory_space<vmem_shared>>
        tpu.enqueue_dma source(%dma_start3A_117 : memref<80x128xf32, #tpu.memory_space<vmem_shared>>) target(%dma_start3A_115 : memref<80x128xf32, #tpu.memory_space<hbm>>) target_semaphore(%arg32 : memref<!tpu.dma_semaphore, #tpu.memory_space<semaphore_mem>>)
      } else {
      }
    }
    %scan3A_93 = arith.constant 8 : i32
    %scan3A_94 = arith.constant 0 : i32
    %scan3A_95 = arith.constant 8 : i32
    %scan3A_96 = arith.addi %scan3A_94, %scan3A_95 : i32
    %scan3A_97 = arith.constant 1 : i32
    scf.for %scan3A_99 = %scan3A_94 to %scan3A_96 step %scan3A_97  : i32 {
      %mul3A_100 = arith.constant 1 : i32
      %mul3A_101 = arith.muli %scan3A_99, %mul3A_100 : i32
      %add3A_102 = arith.constant 0 : i32
      %add3A_103 = arith.addi %add3A_102, %mul3A_101 : i32
      %mul3A_104 = arith.constant 16 : i32
      %mul3A_105 = arith.muli %add3A_103, %mul3A_104 : i32
      %add3A_106 = arith.addi %arg1, %mul3A_105 : i32
      %lt3A = arith.constant 125 : i32
      %lt3A_107 = arith.cmpi slt, %add3A_106, %lt3A : i32
      %convert_element_type3A = arith.extui %lt3A_107 : i1 to i32
      %cond3A = arith.constant 0 : i32
      %cond3A_108 = arith.cmpi ne, %convert_element_type3A, %cond3A : i32
      scf.if %cond3A_108 {
        %mul3A_109 = arith.constant 80 : i32
        %mul3A_110 = arith.muli %add3A_106, %mul3A_109 : i32
        %mul3A_111 = arith.constant 80 : i32
        %mul3A_112 = arith.muli %add3A_106, %mul3A_111 : i32
        %dma_wait3A_113 = arith.constant 0 : i32
        %dma_wait3A_114 = tpu.memref_slice %arg6[%arg0, %mul3A_112, %dma_wait3A_113] : memref<2x10000x128xf32, #tpu.memory_space<hbm>> -> memref<1x80x128xf32, #tpu.memory_space<hbm>>
        %dma_wait3A_115 = tpu.memref_squeeze %dma_wait3A_114 : memref<1x80x128xf32, #tpu.memory_space<hbm>> -> memref<80x128xf32, #tpu.memory_space<hbm>>
        %dma_wait3A_116 = arith.constant 0 : i32
        %dma_wait3A_117 = tpu.memref_slice %arg22[%mul3A_110, %dma_wait3A_116] : memref<10000x128xf32, #tpu.memory_space<vmem_shared>> -> memref<80x128xf32, #tpu.memory_space<vmem_shared>>
        tpu.wait_dma2 semaphore(%arg32 : memref<!tpu.dma_semaphore, #tpu.memory_space<semaphore_mem>>) src(%dma_wait3A_117 : memref<80x128xf32, #tpu.memory_space<vmem_shared>>) dst(%dma_wait3A_115 : memref<80x128xf32, #tpu.memory_space<hbm>>)
      } else {
      }
    }
    %scan3A_98 = arith.constant 8 : i32
    return
  }
}

module attributes {stable_mosaic.version = 14 : i64} {
  func.func @_finish_body(%arg0: i32, %arg1: memref<2x1000x128xf32, #tpu.memory_space<vmem>>, %arg2: memref<128x128xf32, #tpu.memory_space<vmem>>, %arg3: memref<1x128xf32, #tpu.memory_space<vmem>>, %arg4: memref<1000x128xf32, #tpu.memory_space<vmem>>) attributes {dimension_semantics = [#tpu.dimension_semantics<arbitrary>], iteration_bounds = array<i64: 10>, scalar_prefetch = 0 : i64, scratch_operands = 0 : i64, tpu.core_type = #tpu.core_type<tc>, window_params = [{transform_indices = @transform_0, window_bounds = array<i64: 2, 1000, 128>}, {pipeline_mode = #tpu.pipeline_mode<synchronous>, transform_indices = @transform_1, window_bounds = array<i64: 128, 128>}, {pipeline_mode = #tpu.pipeline_mode<synchronous>, transform_indices = @transform_2, window_bounds = array<i64: 1, 128>}, {transform_indices = @transform_3, window_bounds = array<i64: 1000, 128>}]} {
    %get3A = arith.constant 0 : index
    %get3A_0 = arith.constant 0 : index
    %get3A_1 = arith.constant 0 : index
    %get3A_2 = vector.load %arg1[%get3A, %get3A_0, %get3A_1] : memref<2x1000x128xf32, #tpu.memory_space<vmem>>, vector<1x1000x128xf32>
    %get3A_3 = vector.shape_cast %get3A_2 : vector<1x1000x128xf32> to vector<1000x128xf32>
    %get3A_4 = arith.constant 1 : index
    %get3A_5 = arith.constant 0 : index
    %get3A_6 = arith.constant 0 : index
    %get3A_7 = vector.load %arg1[%get3A_4, %get3A_5, %get3A_6] : memref<2x1000x128xf32, #tpu.memory_space<vmem>>, vector<1x1000x128xf32>
    %get3A_8 = vector.shape_cast %get3A_7 : vector<1x1000x128xf32> to vector<1000x128xf32>
    %add3A = arith.addf %get3A_3, %get3A_8 : vector<1000x128xf32>
    %get3A_9 = arith.constant 0 : index
    %get3A_10 = arith.constant 0 : index
    %get3A_11 = vector.load %arg2[%get3A_9, %get3A_10] : memref<128x128xf32, #tpu.memory_space<vmem>>, vector<128x128xf32>
    %dot_general3A = arith.constant dense<0.000000e+00> : vector<1000x128xf32>
    %dot_general3A_12 = tpu.matmul %add3A, %get3A_11, %dot_general3A {dimension_numbers = #tpu.dot_dimension_numbers<[1], [0], [0], [1], [0, 0, 1, 1], [], []>, transpose_lhs_hint = false} : vector<1000x128xf32>, vector<128x128xf32>, vector<1000x128xf32> -> vector<1000x128xf32>
    %get3A_13 = arith.constant 0 : index
    %get3A_14 = arith.constant 0 : index
    %get3A_15 = vector.load %arg3[%get3A_13, %get3A_14] : memref<1x128xf32, #tpu.memory_space<vmem>>, vector<1x128xf32>
    %add3A_16 = vector.broadcast %get3A_15 : vector<1x128xf32> to vector<1000x128xf32>
    %add3A_17 = arith.addf %dot_general3A_12, %add3A_16 : vector<1000x128xf32>
    %max3A = arith.constant 0.000000e+00 : f32
    %max3A_18 = vector.broadcast %max3A : f32 to vector<1000x128xf32>
    %max3A_19 = arith.maximumf %add3A_17, %max3A_18 : vector<1000x128xf32>
    %swap3A = arith.constant 0 : index
    %swap3A_20 = arith.constant 0 : index
    %swap3A_21 = vector.load %arg4[%swap3A, %swap3A_20] : memref<1000x128xf32, #tpu.memory_space<vmem>>, vector<1000x128xf32>
    tpu.vector_store %arg4[%swap3A, %swap3A_20], %max3A_19 {strides = array<i32>} : memref<1000x128xf32, #tpu.memory_space<vmem>>, vector<1000x128xf32>,
    return
  }
  func.func @transform_0(%arg0: i32) -> (i32, i32, i32) {
    %c0_i32 = arith.constant 0 : i32
    %c0_i32_0 = arith.constant 0 : i32
    %c0_i32_1 = arith.constant 0 : i32
    return %c0_i32, %arg0, %c0_i32_0 : i32, i32, i32
  }
  func.func @transform_1(%arg0: i32) -> (i32, i32) {
    %c0_i32 = arith.constant 0 : i32
    %c0_i32_0 = arith.constant 0 : i32
    %c0_i32_1 = arith.constant 0 : i32
    return %c0_i32, %c0_i32_0 : i32, i32
  }
  func.func @transform_2(%arg0: i32) -> (i32, i32) {
    %c0_i32 = arith.constant 0 : i32
    %c0_i32_0 = arith.constant 0 : i32
    %c0_i32_1 = arith.constant 0 : i32
    return %c0_i32, %c0_i32_0 : i32, i32
  }
  func.func @transform_3(%arg0: i32) -> (i32, i32) {
    %c0_i32 = arith.constant 0 : i32
    %c0_i32_0 = arith.constant 0 : i32
    return %arg0, %c0_i32 : i32, i32
  }
}

</mosaic_0001>

<sc_bundles>
// kernel: kernel.4.cloned.1.call-start
scs
__scs_entry_jumppad:
0x0: {  	(pc) =	sbr.rel $0x88, $3  }
0x1: {  	(tag) =	ssettag $0x0;
	lr =	simm.s32 $0x1  }
0x2: {  	[smem:$0x3F9C] =	sst lr;
	_ =	strace $0xD0000000  }
0x3: {  	_ = 	snop  }
0x4: {  	_ = 	snop  }
0x5: {  	_ = 	snop  }
0x6: {  	_ = 	snop  }
0x7: {  	_ = 	snop  }
__scs_overlays_trampoline_lowered:
0x8: {  	[smem:$0x3FAB] =	sst s0  }
0x9: {  	[smem:$0x3FAC] =	sst s1  }
0xa: {  	[smem:$0x3FAD] =	sst s2  }
0xb: {  	[smem:$0x3FAE] =	sst s3  }
0xc: {  	[smem:$0x3FAF] =	sst s4  }
0xd: {  	[smem:$0x3FB0] =	sst s5  }
0xe: {  	[smem:$0x3FB1] =	sst s6  }
0xf: {  	[smem:$0x3FB2] =	sst s7  }
0x10: {  	[smem:$0x3FB3] =	sst s8  }
0x11: {  	[smem:$0x3FB4] =	sst s9;
	s0 =	simm.s32 @!p0 $0x0  }
0x12: {  	s1 =	sld [smem:$0x3F9A];
	s0 =	simm.s32 @p0 $0x1  }
0x13: {  	[smem:$0x3FB5] =	sst s0;
	s0 =	simm.s32 @!p1 $0x0  }
0x14: {  	s2 =	sld [smem:$0x3F99];
	s0 =	simm.s32 @p1 $0x1  }
0x15: {  	[smem:$0x3FB6] =	sst s0;
	s0 =	simm.s32 @!p2 $0x0  }
0x16: {  	s3 =	sld [smem:$0x3FDB];
	s0 =	simm.s32 @p2 $0x1  }
0x17: {  	s4 =	simm.s32 $0x1BF5;
	[smem:$0x3FB8] =	sst s0  }
0x18: {  	s0 =	sld [smem:$0x3F9B];
	_ =	swait.ge [sflag:s4], $0x0  }
0x19: {  	s7 =	sld [smem:$0x3F9C]  }
0x1a: {  	s8 =	sadd.s32 $0xFFFFE003, lr  }
0x1b: {  	s9 =	sadd.s32 $0xFFFFFEF7, lr;
	s5 =	simm.s32 $0xFFFFFFFF;
	p2 =	slt.u32 s8, $0xFFFFF086  }
0x1c: {  	p1 =	slt.u32 s9, $0xF7A;
	s5 =	simm.s32 @!p2 $0x0  }
0x1d: {  	s5 =	simm.s32 @p1 $0x1;
	p0 =	seq.s32 s7, s2  }
0x1e: {  	s7 =	smul.u32 @!p0 $0xF7A, s2;
	p2 =	seq.s32 @!p0 s5, $0x0  }
0x1f: {  	s9 =	smul.u32 $0xF7A, s1;
	s8 =	simm.s32 @!p0 $0x1BF5;
	p2 =	por !p2, p0  }
0x20: {  	[sflag:s8] =	ssyncset.s32 @!p0 $0xFFFFF086;
	s6 =	sadd.s32 @!p0 s3, s7;
	s7 =	simm.s32 @!p0 $0x108  }
0x21: {  	s3 =	sadd.s32 s3, s9;
	s6 =	sadd.s32 @!p0 $0x88, s6;
	s7 =	simm.s32 @p2 $0x1082  }
0x22: {  	[simem:s7], [sflag:s8] =	dma.local @!p0 [hbm:s6], $0xF7A  }
0x23: {  	s9 =	sor.u32 $0xD0000000, s2;
	s6 =	simm.s32 $0x108;
	_ =	swait.ge @!p0 [sflag:s8], $0x0  }
0x24: {  	s3 =	sadd.s32 $0x88, s3;
	s6 =	simm.s32 @!p1 $0x1082;
	[sflag:s4] =	ssyncset.s32 $0xFFFFF086  }
0x25: {  	[simem:s6], [sflag:s4] =	dma.local [hbm:s3], $0xF7A  }
0x26: {  	[smem:$0x3F9C] =	sst s1;
	(tag) =	ssettag s2;
	_ =	strace s9  }
0x27: {  	s1 =	sld [smem:$0x3FAC]  }
0x28: {  	s2 =	sld [smem:$0x3FAD]  }
0x29: {  	s4 =	sld [smem:$0x3FAF]  }
0x2a: {  	p0 =	seq.s32 s5, $0x0;
	s5 =	sld [smem:$0x3FB0]  }
0x2b: {  	s6 =	sld [smem:$0x3FB1]  }
0x2c: {  	s7 =	sld [smem:$0x3FB2]  }
0x2d: {  	s3 =	simm.s32 $0x108;
	s8 =	sld [smem:$0x3FB3]  }
0x2e: {  	s3 =	simm.s32 @!p0 $0x1082;
	s9 =	sld [smem:$0x3FB4]  }
0x2f: {  	lr =	sadd.s32 s0, s3;
	s0 =	sld [smem:$0x3FAB]  }
0x30: {  	s3 =	sld [smem:$0x3FAE]  }
0x31: {  	[smem:$0x3FB7] =	sst s10  }
0x32: {  	s10 =	sld [smem:$0x3FB5];
	_ =	sdelay $0x3  }
0x33: {  	p0 =	seq.s32 s10, $0x1;
	s10 =	sld [smem:$0x3FB7];
	_ =	sdelay $0x3  }
0x34: {  	[smem:$0x3FB7] =	sst s10  }
0x35: {  	s10 =	sld [smem:$0x3FB6];
	_ =	sdelay $0x3  }
0x36: {  	p1 =	seq.s32 s10, $0x1;
	s10 =	sld [smem:$0x3FB7];
	_ =	sdelay $0x3  }
0x37: {  	[smem:$0x3FB7] =	sst s10  }
0x38: {  	s10 =	sld [smem:$0x3FB8]  }
0x39: {  	_ = 	snop;
	(pc) =	sbr.ind lr, $3  }
0x3a: {  	_ = 	snop  }
0x3b: {  	_ = 	snop  }
0x3c: {  	p2 =	seq.s32 s10, $0x1;
	s10 =	sld [smem:$0x3FB7]  }
0x3d: {  	_ =	shalt  }
0x3e: {  	_ =	shalt  }
0x3f: {  	_ =	shalt  }
0x40: {  	_ =	shalt  }
0x41: {  	_ =	shalt  }
0x42: {  	_ =	shalt  }
0x43: {  	_ =	shalt  }
0x44: {  	_ =	shalt  }
0x45: {  	_ =	shalt  }
0x46: {  	_ =	shalt  }
0x47: {  	_ =	shalt  }
0x48: {  	_ =	shalt  }
0x49: {  	_ =	shalt  }
0x4a: {  	_ =	shalt  }
0x4b: {  	_ =	shalt  }
0x4c: {  	_ =	shalt  }
0x4d: {  	_ =	shalt  }
0x4e: {  	_ =	shalt  }
0x4f: {  	_ =	shalt  }
0x50: {  	_ =	shalt  }
0x51: {  	_ =	shalt  }
0x52: {  	_ =	shalt  }
0x53: {  	_ =	shalt  }
0x54: {  	_ =	shalt  }
0x55: {  	_ =	shalt  }
0x56: {  	_ =	shalt  }
0x57: {  	_ =	shalt  }
0x58: {  	_ =	shalt  }
0x59: {  	_ =	shalt  }
0x5a: {  	_ =	shalt  }
0x5b: {  	_ =	shalt  }
0x5c: {  	_ =	shalt  }
0x5d: {  	_ =	shalt  }
0x5e: {  	_ =	shalt  }
0x5f: {  	_ =	shalt  }
0x60: {  	_ =	shalt  }
0x61: {  	_ =	shalt  }
0x62: {  	_ =	shalt  }
0x63: {  	_ =	shalt  }
0x64: {  	_ =	shalt  }
0x65: {  	_ =	shalt  }
0x66: {  	_ =	shalt  }
0x67: {  	_ =	shalt  }
0x68: {  	_ =	shalt  }
0x69: {  	_ =	shalt  }
0x6a: {  	_ =	shalt  }
0x6b: {  	_ =	shalt  }
0x6c: {  	_ =	shalt  }
0x6d: {  	_ =	shalt  }
0x6e: {  	_ =	shalt  }
0x6f: {  	_ =	shalt  }
0x70: {  	_ =	shalt  }
0x71: {  	_ =	shalt  }
0x72: {  	_ =	shalt  }
0x73: {  	_ =	shalt  }
0x74: {  	_ =	shalt  }
0x75: {  	_ =	shalt  }
0x76: {  	_ =	shalt  }
0x77: {  	_ =	shalt  }
0x78: {  	_ =	shalt  }
0x79: {  	_ =	shalt  }
0x7a: {  	_ =	shalt  }
0x7b: {  	_ =	shalt  }
0x7c: {  	_ =	shalt  }
0x7d: {  	_ =	shalt  }
0x7e: {  	_ =	shalt  }
0x7f: {  	_ =	shalt  }
0x80: {  	_ =	shalt  }
0x81: {  	_ =	shalt  }
0x82: {  	_ =	shalt  }
0x83: {  	_ =	shalt  }
0x84: {  	_ =	shalt  }
0x85: {  	_ =	shalt  }
0x86: {  	_ =	shalt  }
0x87: {  	_ =	shalt  }
.Lfunc_end0:
.L_simem_size_0:
called_computation_lowered:
.L_overlay_start_0:
0x88: {  	s2 =	sld [smem:$0x3FD9]  }
0x89: {  	s3 =	sld [smem:$0x3FFE];
	_ =	sdelay $0x1  }
0x8a: {  	s1 =	srdreg.scid  }
0x8b: {  	s0 =	sand.u32 $0x1, s1  }
0x8c: {  	s17 =	sshll.u32 s0, $0xA;
	s2 =	sadd.s32 s3, s2  }
0x8d: {  	s2 =	sadd.s32 s2, s17  }
0x8e: {  	[smem:$0x3FC3] =	sst s2  }
0x8f: {  	_ = 	snop  }
0x90: {  	s2 =	sld [smem:$0x3FC7]  }
0x91: {  	s18 =	sld [smem:$0x3FD0];
	(tm) =	ssettm $0x1  }
0x92: {  	s4 =	sld [smem:$0x3FFB];
	_ =	sdelay $0x3  }
0x93: {  	_ =	strace s4  }
0x94: {  	s4 =	sld [smem:$0x3FFC];
	_ =	sdelay $0x3  }
0x95: {  	_ =	strace s4  }
0x96: {  	s4 =	sld [smem:$0x3FFD];
	_ =	sdelay $0x3  }
0x97: {  	_ =	strace s4  }
0x98: {  	_ =	strace $0x8FFFFFFF  }
0x99: {  	s19 =	sld [smem:$0x3FDB];
	_ =	sdelay $0x1  }
0x9a: {  	s5 =	simm.s32 $_scs_section_size  }
0x9b: {  	s6 =	simm.s32 $_size__tile_overlayer_lowered;
	s7 =	simm.s32 $_tile_overlayer_lowered  }
0x9c: {  	s22 =	simm.s32 $0x1BFF;
	s21 =	sshll.u32 s7, $0x1;
	s4 =	sadd.s32 s5, s19  }
0x9d: {  	s8 =	simm.s32 $0x0;
	s20 =	sshll.u32 s6, $0x1;
	s6 =	sadd.s32 s21, s4  }
0x9e: {  	[timem:s8], [sflag:s22] =	dma.local [hbm:s6], s20  }
0x9f: {  	_ =	swait.ge [sflag:s22], s20  }
0xa0: {  	s5 =	ssub.s32 $0x0, s20;
	[sflag:s22] =	ssyncset.done $0x0  }
0xa1: {  	[sflag:s22] =	ssyncadd.s32 s5;
	_ =	sdelay $0x1  }
0xa2: {  	s23 =	simm.s32 $0x1B8B  }
0xa3: {  	_ =	swait.ge [sflag:s23], $0x1  }
0xa4: {  	[sflag:s23] =	ssyncset.done $0x0  }
0xa5: {  	s25 =	simm.s32 $0x1B8E;
	s24 =	sld [smem:$0x3FFE];
	[sflag:s23] =	ssyncadd.s32 $0xFFFFFFFF  }
0xa6: {  	s26 =	simm.s32 $execute0_lowered;
	[smem:$0x3FD2] =	sst s25  }
0xa7: {  	s6 =	sshll.u32 s26, $0x1;
	_ =	strace $0x80000046;
	[dreg:$0x1] =	wrdreg $0xFFFFFFFF  }
0xa8: {  	s28 =	simm.s32 $_size_execute0_lowered;
	s4 =	sadd.s32 s4, s6;
	[dreg:$0x0] =	wrdreg $0x0  }
0xa9: {  	s6 =	sshll.u32 s28, $0x1;
	[dreg:$0x2] =	wrdreg s4  }
0xaa: {  	[dreg:$0x3] =	wrdreg s6  }
0xab: {  	[dreg:$0x4] =	wrdreg $0xC0  }
0xac: {  	_ =	task [dreg:s8], $0x5FFFF  }
0xad: {  	[dreg:$0x1] =	wrdreg $0xFFFFFFFF  }
0xae: {  	[dreg:$0x0] =	wrdreg $0x60  }
0xaf: {  	[dreg:$0x2] =	wrdreg s2  }
0xb0: {  	[dreg:$0x3] =	wrdreg s24  }
0xb1: {  	[dreg:$0x4] =	wrdreg s18  }
0xb2: {  	[dreg:$0x5] =	wrdreg $0xC6000  }
0xb3: {  	[dreg:$0x6] =	wrdreg $0x9  }
0xb4: {  	_ =	task.clear_ibuf [dreg:s8], $0x7FFFF;
	_ =	strace $0x90000046  }
0xb5: {  	s29 =	simm.s32 $0x9;
	_ =	strace $0x80000048  }
0xb6: {  	_ =	swait.ge [sflag:s29], $0x1  }
0xb7: {  	[sflag:s29] =	ssyncadd.s32 $0xFFFFFFFF  }
0xb8: {  	_ =	strace $0x90000048  }
0xb9: {  	_ =	sfence  }
0xba: {  	s30 =	sld [smem:$0x0];
	_ =	sdelay $0x2  }
0xbb: {  	s31 =	sshll.u32 s1, $0xD;
	s1 =	sshrl.u32 s1, $0x2  }
0xbc: {  	s3 =	sand.u32 $0x4000, s31;
	s1 =	sadd.s32 s1, s30  }
0xbd: {  	s0 =	sor.u32 s3, s0;
	s1 =	sshll.u32 s1, $0x11  }
0xbe: {  	s0 =	sor.u32 s1, s0  }
0xbf: {  	s0 =	sadd.s32 $0x8F2B, s0  }
0xc0: {  	[sflag:s0] =	ssyncadd.remote.s32 $0x1  }
0xc1: {  	_ =	sfence.sel $0xFFFF  }
0xc2: {  	[dreg:$0x0] =	wrdreg $0xFFFFFFFF;
	(pc) =	sbr.abs _section_cstart, $3  }
0xc3: {  	[dreg:$0x1] =	wrdreg $0xFFFFFFFF  }
0xc4: {  	_ =	task.clear_ibuf [dreg:s8], $0x2FFFF;
	_ =	strace $0x9FFFFFFF  }
0xc5: {  	(tm) =	ssettm $0x7FFFFFFF  }
tec
execute0_lowered:
.L_overlay_start_1:
0x0: {  	(tag) =	ssettag $0x1  }
0x1: {  	s1 =	rddreg [dreg:$0x0]  }
0x2: {  	s0 =	srdreg.scid;
	s24 =	stileid.u32  }
0x3: {  	s10 =	rddreg [dreg:$0x1];
	s0 =	sand.u32 $0x1, s0;
	s13 =	smul.u32 $0x2800, s24  }
0x4: {  	s2 =	rddreg [dreg:$0x2];
	s12 =	sor.u32 $0x10, s24;
	s11 =	smul.u32 $0x138800, s0  }
0x5: {  	s3 =	rddreg [dreg:$0x3];
	s4 =	sor.u32 $0x20, s24;
	s15 =	smul.u32 $0x2800, s12  }
0x6: {  	s5 =	simm.s32 $0x0;
	s6 =	sor.u32 $0x30, s24;
	s16 =	smul.u32 $0x2800, s4  }
0x7: {  	s30 =	simm.s32 $0x3;
	s7 =	sor.u32 $0x40, s24;
	s17 =	smul.u32 $0x2800, s6  }
0x8: {  	s31 =	simm.s32 $0x5;
	[smem:$0x7FF] =	sst s5;
	s19 =	smul.u32 $0x2800, s7  }
0x9: {  	s20 =	sshll.u32 s24, $0x1;
	s8 =	ssub.s32 $0x2, s0;
	s4 =	smul.u32 $0xA000, s4  }
0xa: {  	s20 =	sor.u32 s0, s20;
	s0 =	sor.u32 $0x70, s24;
	s7 =	smul.u32 $0xA000, s7  }
0xb: {  	s14 =	sadd.s32 $0x14A00, s10;
	_ =	strace $0x80000047;
	s23 =	smul.u32 $0x2800, s0  }
0xc: {  	s9 =	sshrl.u32 s8, $0x1;
	s25 =	smul.u32 $0x510, s20;
	p0 =	sgt.u32 s0, $0x7C  }
0xd: {  	s0 =	smul.u32 $0xA000, s0;
	s18 =	ssub.s32 s8, s9;
	s8 =	sor.u32 $0x50, s24  }
0xe: {  	s9 =	sor.u32 $0x60, s24;
	s13 =	sadd.s32 s11, s13;
	s15 =	sadd.s32 s11, s15  }
0xf: {  	s16 =	sadd.s32 s11, s16;
	s17 =	sadd.s32 s11, s17;
	s19 =	sadd.s32 s11, s19  }
0x10: {  	s4 =	sshrl.u32 s4, $0x2;
	s7 =	sshrl.u32 s7, $0x2;
	s21 =	smul.u32 $0x2800, s8  }
0x11: {  	s22 =	smul.u32 $0x2800, s9;
	s13 =	sshrl.u32 s13, $0x3;
	s15 =	sshrl.u32 s15, $0x3  }
0x12: {  	s28 =	sadd.s32 s7, s3;
	s0 =	sshrl.u32 s0, $0x2;
	s13 =	sadd.s32 s14, s13  }
0x13: {  	s26 =	sadd.s32 s14, s15;
	s15 =	sshrl.u32 s16, $0x3;
	[dreg:$0x1c] =	wrdreg s28  }
0x14: {  	s16 =	sshrl.u32 s17, $0x3;
	s17 =	sshrl.u32 s19, $0x3;
	[dreg:$0x5] =	wrdreg s13  }
0x15: {  	s0 =	sadd.s32 s0, s3;
	s21 =	sadd.s32 s11, s21;
	[dreg:$0x6] =	wrdreg s26  }
0x16: {  	s22 =	sadd.s32 s11, s22;
	s13 =	sadd.s32 s14, s15;
	[dreg:$0x1f] =	wrdreg s0  }
0x17: {  	s11 =	sadd.s32 s11, s23;
	s19 =	sadd.s32 s14, s17;
	[dreg:$0x7] =	wrdreg s13  }
0x18: {  	s23 =	smul.u32 $0x2880, s20;
	s13 =	sadd.s32 s14, s16;
	[dreg:$0x9] =	wrdreg s19  }
0x19: {  	s21 =	sshrl.u32 s21, $0x3;
	s16 =	sadd.s32 s2, s25;
	[dreg:$0x8] =	wrdreg s13  }
0x1a: {  	s11 =	sshrl.u32 s11, $0x3;
	s13 =	sadd.s32 s14, s21;
	[dreg:$0xd] =	wrdreg s16  }
0x1b: {  	s15 =	sadd.s32 $0x600, s10;
	s11 =	sadd.s32 s14, s11;
	[dreg:$0xa] =	wrdreg s13  }
0x1c: {  	s22 =	sshrl.u32 s22, $0x3;
	s16 =	smax.u32 s18, $0x1;
	[dreg:$0xc] =	wrdreg s11  }
0x1d: {  	s21 =	smul.u32 $0x51, s20;
	s20 =	sadd.s32 s4, s3;
	[dreg:$0x17] =	wrdreg s16  }
0x1e: {  	s26 =	sshrl.u32 s23, $0x3;
	s13 =	sadd.s32 s14, s22;
	[dreg:$0x1a] =	wrdreg s20  }
0x1f: {  	s14 =	sadd.s32 $0xA800, s10;
	s11 =	sadd.s32 s15, s25;
	[dreg:$0xb] =	wrdreg s13  }
0x20: {  	s19 =	sadd.s32 $0x10, s26;
	s17 =	sadd.s32 s14, s25;
	[dreg:$0xf] =	wrdreg s11  }
0x21: {  	p1 =	sgt.u32 s24, $0xC;
	s22 =	sadd.s32 s2, s19;
	[dreg:$0xe] =	wrdreg s17  }
0x22: {  	s12 =	smul.u32 $0xA000, s12;
	s23 =	sadd.s32 s14, s19;
	[dreg:$0x10] =	wrdreg s22  }
0x23: {  	s10 =	sadd.s32 $0x20, s26;
	s13 =	sadd.s32 s15, s19;
	[dreg:$0x11] =	wrdreg s23  }
0x24: {  	s6 =	smul.u32 $0xA000, s6;
	s25 =	sadd.s32 s2, s10;
	[dreg:$0x12] =	wrdreg s13  }
0x25: {  	s8 =	smul.u32 $0xA000, s8;
	s26 =	sadd.s32 s14, s10;
	[dreg:$0x13] =	wrdreg s25  }
0x26: {  	s18 =	sshrl.u32 s6, $0x2;
	s10 =	sadd.s32 s15, s10;
	[dreg:$0x14] =	wrdreg s26  }
0x27: {  	s11 =	sadd.s32 $0x5, s21;
	[dreg:$0x15] =	wrdreg s10;
	s25 =	sadd.s32 $0x3, s21  }
0x28: {  	s13 =	smul.u32 $0xA000, s24;
	s26 =	sadd.s32 $0x4, s21;
	[dreg:$0x16] =	wrdreg s11  }
0x29: {  	s17 =	sshrl.u32 s12, $0x2;
	s21 =	smul.u32 $0xA000, s9;
	s23 =	sadd.s32 s18, s3  }
0x2a: {  	s22 =	sshrl.u32 s8, $0x2;
	s11 =	simm.s32 $0x80;
	s12 =	simm.s32 $0x380  }
0x2b: {  	s18 =	simm.s32 $0x8600;
	s9 =	simm.s32 $0xA;
	s24 =	simm.s32 $0x4  }
0x2c: {  	s8 =	simm.s32 $0x0;
	s19 =	sadd.s32 s17, s3;
	s29 =	sadd.s32 s22, s3  }
0x2d: {  	s17 =	simm.s32 $0x400;
	s22 =	simm.s32 $0x4600;
	[smem:$0x7FD] =	sst s8  }
.Ltmp0:
0x2e: {  	[dreg:$0x1b] =	wrdreg s23;
	s10 =	sshrl.u32 s13, $0x2;
	(pc) =	sbr.rel .LBB2_1-.Ltmp0, $4  }
0x2f: {  	s7 =	sshrl.u32 s21, $0x2;
	s13 =	simm.s32 $0x100;
	[dreg:$0x19] =	wrdreg s19  }
0x30: {  	s21 =	simm.s32 $0x2;
	[dreg:$0x1d] =	wrdreg s29;
	s4 =	sadd.s32 s7, s3  }
0x31: {  	s16 =	sadd.s32 s10, s3;
	s10 =	simm.s32 $0x300;
	[dreg:$0x1e] =	wrdreg s4  }
0x32: {  	v0 =	vimm.f32 $0.0e+00;
	s7 =	simm.s32 $0x8;
	s4 =	simm.s32 $0x6;
	[dreg:$0x18] =	wrdreg s16  }
.LBB2_12:
0x33: {  	_ =	swait.ge [sflag:s7], $0x4000  }
0x34: {  	[sflag:s7] =	ssyncset.done $0x0  }
0x35: {  	[sflag:s7] =	ssyncadd.s32 $0xFFFFC000  }
0x36: {  	_ =	swait.ge [sflag:s8], $0x4000  }
0x37: {  	[sflag:s8] =	ssyncset.done $0x0  }
0x38: {  	[sflag:s8] =	ssyncadd.s32 $0xFFFFC000  }
0x39: {  	s0 =	stileid.u32;
	[bflag:$0x0] =	sbarrier.arrive $0xFFFF  }
0x3a: {  	s0 =	sshll.u32 s0, $0x6;
	s16 =	rddreg [dreg:$0x18]  }
0x3b: {  	s0 =	sor.u32 $0x1C0A, s0;
	s9 =	rddreg [dreg:$0x5];
	s6 =	sshrl.u32 s16, $0x3  }
0x3c: {  	[hbm:s9], [sflag:s0] =	dma.local [spmem:s6], $0x500  }
0x3d: {  	s19 =	rddreg [dreg:$0x19]  }
0x3e: {  	s9 =	rddreg [dreg:$0x6];
	s20 =	sshrl.u32 s19, $0x3  }
0x3f: {  	[hbm:s9], [sflag:s0] =	dma.local [spmem:s20], $0x500  }
0x40: {  	s20 =	rddreg [dreg:$0x1a]  }
0x41: {  	s9 =	rddreg [dreg:$0x7];
	s23 =	sshrl.u32 s20, $0x3  }
0x42: {  	[hbm:s9], [sflag:s0] =	dma.local [spmem:s23], $0x500  }
0x43: {  	s23 =	rddreg [dreg:$0x1b]  }
0x44: {  	s9 =	rddreg [dreg:$0x8];
	s8 =	sshrl.u32 s23, $0x3  }
0x45: {  	[hbm:s9], [sflag:s0] =	dma.local [spmem:s8], $0x500  }
0x46: {  	s28 =	rddreg [dreg:$0x1c]  }
0x47: {  	s9 =	rddreg [dreg:$0x9];
	s8 =	sshrl.u32 s28, $0x3  }
0x48: {  	[hbm:s9], [sflag:s0] =	dma.local [spmem:s8], $0x500  }
0x49: {  	s29 =	rddreg [dreg:$0x1d]  }
0x4a: {  	s9 =	rddreg [dreg:$0xa];
	s8 =	sshrl.u32 s29, $0x3  }
0x4b: {  	[hbm:s9], [sflag:s0] =	dma.local [spmem:s8], $0x500  }
0x4c: {  	s6 =	rddreg [dreg:$0x1e]  }
0x4d: {  	s9 =	rddreg [dreg:$0xb];
	s6 =	sshrl.u32 s6, $0x3  }
0x4e: {  	[hbm:s9], [sflag:s0] =	dma.local [spmem:s6], $0x500  }
0x4f: {  	s6 =	rddreg [dreg:$0x1f]  }
0x50: {  	s9 =	rddreg [dreg:$0xc];
	s6 =	sshrl.u32 @!p0 s6, $0x3  }
0x51: {  	[hbm:s9], [sflag:s0] =	dma.local @!p0 [spmem:s6], $0x500  }
0x52: {  	s9 =	simm.s32 $0xA  }
0x53: {  	_ =	swait.ge [sflag:s9], $0x500  }
0x54: {  	[sflag:s9] =	ssyncset.done $0x0  }
0x55: {  	[sflag:s9] =	ssyncadd.s32 $0xFFFFFB00  }
0x56: {  	_ =	swait.ge [sflag:s9], $0x500  }
0x57: {  	[sflag:s9] =	ssyncset.done $0x0  }
0x58: {  	[sflag:s9] =	ssyncadd.s32 $0xFFFFFB00  }
0x59: {  	_ =	swait.ge [sflag:s9], $0x500  }
0x5a: {  	[sflag:s9] =	ssyncset.done $0x0  }
0x5b: {  	[sflag:s9] =	ssyncadd.s32 $0xFFFFFB00  }
0x5c: {  	_ =	swait.ge [sflag:s9], $0x500  }
0x5d: {  	[sflag:s9] =	ssyncset.done $0x0  }
0x5e: {  	[sflag:s9] =	ssyncadd.s32 $0xFFFFFB00  }
0x5f: {  	_ =	swait.ge [sflag:s9], $0x500  }
0x60: {  	[sflag:s9] =	ssyncset.done $0x0  }
0x61: {  	[sflag:s9] =	ssyncadd.s32 $0xFFFFFB00  }
0x62: {  	_ =	swait.ge [sflag:s9], $0x500  }
0x63: {  	[sflag:s9] =	ssyncset.done $0x0  }
0x64: {  	[sflag:s9] =	ssyncadd.s32 $0xFFFFFB00  }
0x65: {  	_ =	swait.ge [sflag:s9], $0x500  }
0x66: {  	[sflag:s9] =	ssyncset.done $0x0  }
0x67: {  	s0 =	simm.s32 @!p1 $0xA;
	[sflag:s9] =	ssyncadd.s32 $0xFFFFFB00  }
0x68: {  	_ =	swait.ge @!p1 [sflag:s0], $0x500  }
0x69: {  	s6 =	sld [smem:$0x7FD];
	_ =	sdelay $0x1  }
0x6a: {  	s8 =	smov.u32 s26  }
0x6b: {  	s26 =	smov.u32 s25;
	s25 =	sadd.s32 $0x1, s6;
	s6 =	rddreg [dreg:$0x17]  }
0x6c: {  	p2 =	sne.s32 s25, s6  }
.Ltmp1:
0x6d: {  	_ = 	snop;
	(pc) =	sbr.rel @!p2 .LBB2_13-.Ltmp1, $4  }
0x6e: {  	_ = 	snop  }
0x6f: {  	[sflag:s0] =	ssyncset.done @!p1 $0x0  }
0x70: {  	[sflag:s0] =	ssyncadd.s32 @!p1 $0xFFFFFB00  }
0x71: {  	[smem:$0x7FD] =	sst s25;
	s25 =	smov.u32 s26;
	s26 =	smov.u32 s8  }
.LBB2_1:
0x72: {  	s0 =	rddreg [dreg:$0xd]  }
0x73: {  	[tilespmem:s5], [sflag:$0x1] =	stream.linear.gather [hbm4b:s0+s5], $0x80, $0x38;
	[tilespmem:$0x1FE80] =	vst v63  }
0x74: {  	s8 =	rddreg [dreg:$0xe];
	s6 =	simm.s32 $0x180  }
0x75: {  	[tilespmem:s6], [sflag:$0x1] =	stream.linear.gather [hbm4b:s8+s5], $0x80, $0x38;
	[tilespmem:$0x1FE80] =	vst v63  }
0x76: {  	s6 =	rddreg [dreg:$0xf]  }
0x77: {  	[tilespmem:s10], [sflag:$0x1] =	stream.linear.gather [hbm4b:s6+s5], $0x80, $0x38;
	[tilespmem:$0x1FE80] =	vst v63  }
0x78: {  	s8 =	rddreg [dreg:$0x10]  }
0x79: {  	[tilespmem:s11], [sflag:$0x2] =	stream.linear.gather [hbm4b:s8+s5], $0x80, $0x38;
	[tilespmem:$0x1FE80] =	vst v63  }
0x7a: {  	s6 =	rddreg [dreg:$0x11];
	s8 =	simm.s32 $0x200  }
0x7b: {  	[tilespmem:s8], [sflag:$0x2] =	stream.linear.gather [hbm4b:s6+s5], $0x80, $0x38;
	[tilespmem:$0x1FE80] =	vst v63  }
0x7c: {  	s6 =	rddreg [dreg:$0x12]  }
0x7d: {  	[tilespmem:s12], [sflag:$0x2] =	stream.linear.gather [hbm4b:s6+s5], $0x80, $0x38;
	[tilespmem:$0x1FE80] =	vst v63  }
0x7e: {  	s8 =	rddreg [dreg:$0x13]  }
0x7f: {  	[tilespmem:s13], [sflag:$0x3] =	stream.linear.gather [hbm4b:s8+s5], $0x80, $0x38;
	[tilespmem:$0x1FE80] =	vst v63  }
0x80: {  	s6 =	rddreg [dreg:$0x14];
	s8 =	simm.s32 $0x280  }
0x81: {  	[tilespmem:s8], [sflag:$0x3] =	stream.linear.gather [hbm4b:s6+s5], $0x80, $0x38;
	[tilespmem:$0x1FE80] =	vst v63  }
0x82: {  	s0 =	simm.s32 $0x0;
	s8 =	rddreg [dreg:$0x15];
	s6 =	simm.s32 $0x200  }
0x83: {  	[tilespmem:s17], [sflag:$0x3] =	stream.linear.gather [hbm4b:s8+s5], $0x80, $0x38;
	[tilespmem:$0x1FE80] =	vst v63  }
.LBB2_2:
0x84: {  	p2 =	sne.s32 s6, $0x9E00;
	[tilespmem:s0+$0x8670] =	vst v0  }
0x85: {  	[tilespmem:s0+$0x8600] =	vst v0  }
0x86: {  	[tilespmem:s0+$0x8610] =	vst v0  }
.Ltmp2:
0x87: {  	[tilespmem:s0+$0x8620] =	vst v0;
	(pc) =	sbr.rel @p2 .LBB2_2-.Ltmp2, $4  }
0x88: {  	[tilespmem:s0+$0x8630] =	vst v0  }
0x89: {  	[tilespmem:s0+$0x8640] =	vst v0  }
0x8a: {  	[tilespmem:s0+$0x8650] =	vst v0  }
0x8b: {  	[tilespmem:s0+$0x8660] =	vst v0;
	s0 =	sshra.s32 s6, $0x2;
	s6 =	sadd.s32 $0x200, s6  }
0x8c: {  	[tilespmem:s0+$0x8670] =	vst v0  }
0x8d: {  	[tilespmem:s0+$0x8600] =	vst v0  }
0x8e: {  	[tilespmem:s0+$0x8610] =	vst v0  }
0x8f: {  	[tilespmem:s0+$0x8620] =	vst v0  }
0x90: {  	[tilespmem:s0+$0x8630] =	vst v0  }
0x91: {  	[tilespmem:s0+$0x8640] =	vst v0  }
0x92: {  	[tilespmem:s0+$0x8650] =	vst v0  }
0x93: {  	[tilespmem:s0+$0x8660] =	vst v0  }
0x94: {  	[spmem:s16] =	stream.linear.scatter [tilespmem:s18], [sflag:$0xA], $0x2800, $0x38;
	[tilespmem:$0x1FE80] =	vst v63  }
0x95: {  	_ = 	snop  }
0x96: {  	[spmem:s19] =	stream.linear.scatter [tilespmem:s18], [sflag:$0xA], $0x2800, $0x38;
	[tilespmem:$0x1FE80] =	vst v63  }
0x97: {  	_ = 	snop  }
0x98: {  	[spmem:s20] =	stream.linear.scatter [tilespmem:s18], [sflag:$0xA], $0x2800, $0x38;
	[tilespmem:$0x1FE80] =	vst v63  }
0x99: {  	_ = 	snop  }
0x9a: {  	[spmem:s23] =	stream.linear.scatter [tilespmem:s18], [sflag:$0xA], $0x2800, $0x38;
	[tilespmem:$0x1FE80] =	vst v63  }
0x9b: {  	_ = 	snop  }
0x9c: {  	[spmem:s28] =	stream.linear.scatter [tilespmem:s18], [sflag:$0xA], $0x2800, $0x38;
	[tilespmem:$0x1FE80] =	vst v63  }
0x9d: {  	_ = 	snop  }
0x9e: {  	[spmem:s29] =	stream.linear.scatter [tilespmem:s18], [sflag:$0xA], $0x2800, $0x38;
	[tilespmem:$0x1FE80] =	vst v63  }
0x9f: {  	s23 =	rddreg [dreg:$0x1e]  }
0xa0: {  	[spmem:s23] =	stream.linear.scatter [tilespmem:s18], [sflag:$0xA], $0x2800, $0x38;
	[tilespmem:$0x1FE80] =	vst v63  }
0xa1: {  	s0 =	simm.s32 @!p0 $0x8600;
	s6 =	rddreg [dreg:$0x1f];
	s28 =	simm.s32 $0x1  }
0xa2: {  	[spmem:s6] =	stream.linear.scatter @!p0 [tilespmem:s0], [sflag:$0xA], $0x2800, $0x38;
	[tilespmem:$0x1FE80] =	vst v63  }
0xa3: {  	_ =	swait.ge [sflag:s28], $0x80  }
0xa4: {  	[sflag:s28] =	ssyncset.done $0x0  }
0xa5: {  	[sflag:s28] =	ssyncadd.s32 $0xFFFFFF80  }
0xa6: {  	_ =	swait.ge [sflag:s28], $0x80  }
0xa7: {  	[sflag:s28] =	ssyncset.done $0x0  }
0xa8: {  	[sflag:s28] =	ssyncadd.s32 $0xFFFFFF80  }
0xa9: {  	_ =	swait.ge [sflag:s28], $0x80  }
0xaa: {  	[sflag:s28] =	ssyncset.done $0x0  }
0xab: {  	s29 =	simm.s32 $0x600;
	[sflag:s28] =	ssyncadd.s32 $0xFFFFFF80  }
0xac: {  	[tilespmem:s29], [sflag:$0x4] =	stream.indirect.gather [hbm4b:s1+s11], $0x80, s5, s11, $0xb8;
	[tilespmem:$0x1FE80] =	vst v63  }
0xad: {  	_ =	swait.ge [sflag:s21], $0x80  }
0xae: {  	[sflag:s21] =	ssyncset.done $0x0  }
0xaf: {  	[sflag:s21] =	ssyncadd.s32 $0xFFFFFF80  }
0xb0: {  	_ =	swait.ge [sflag:s21], $0x80  }
0xb1: {  	[sflag:s21] =	ssyncset.done $0x0  }
0xb2: {  	[sflag:s21] =	ssyncadd.s32 $0xFFFFFF80  }
0xb3: {  	_ =	swait.ge [sflag:s21], $0x80  }
0xb4: {  	[sflag:s21] =	ssyncset.done $0x0  }
0xb5: {  	[sflag:s21] =	ssyncadd.s32 $0xFFFFFF80  }
0xb6: {  	[tilespmem:s22], [sflag:$0x5] =	stream.indirect.gather [hbm4b:s1+s11], $0x80, s11, s11, $0xb8;
	[tilespmem:$0x1FE80] =	vst v63  }
0xb7: {  	_ =	swait.ge [sflag:s9], $0x2800  }
0xb8: {  	[sflag:s9] =	ssyncset.done $0x0  }
0xb9: {  	[sflag:s9] =	ssyncadd.s32 $0xFFFFD800  }
0xba: {  	_ =	swait.ge [sflag:s9], $0x2800  }
0xbb: {  	[sflag:s9] =	ssyncset.done $0x0  }
0xbc: {  	[sflag:s9] =	ssyncadd.s32 $0xFFFFD800  }
0xbd: {  	_ =	swait.ge [sflag:s9], $0x2800  }
0xbe: {  	[sflag:s9] =	ssyncset.done $0x0  }
0xbf: {  	[sflag:s9] =	ssyncadd.s32 $0xFFFFD800  }
0xc0: {  	_ =	swait.ge [sflag:s9], $0x2800  }
0xc1: {  	[sflag:s9] =	ssyncset.done $0x0  }
0xc2: {  	[sflag:s9] =	ssyncadd.s32 $0xFFFFD800  }
0xc3: {  	_ =	swait.ge [sflag:s9], $0x2800  }
0xc4: {  	[sflag:s9] =	ssyncset.done $0x0  }
0xc5: {  	[sflag:s9] =	ssyncadd.s32 $0xFFFFD800  }
0xc6: {  	_ =	swait.ge [sflag:s9], $0x2800  }
0xc7: {  	[sflag:s9] =	ssyncset.done $0x0  }
0xc8: {  	[sflag:s9] =	ssyncadd.s32 $0xFFFFD800  }
0xc9: {  	_ =	swait.ge [sflag:s9], $0x2800  }
0xca: {  	[sflag:s9] =	ssyncset.done $0x0  }
0xcb: {  	s0 =	simm.s32 @!p1 $0xA;
	[sflag:s9] =	ssyncadd.s32 $0xFFFFD800  }
0xcc: {  	_ =	swait.ge @!p1 [sflag:s0], $0x2800  }
0xcd: {  	[sflag:s0] =	ssyncset.done @!p1 $0x0  }
0xce: {  	[sflag:s0] =	ssyncadd.s32 @!p1 $0xFFFFD800  }
0xcf: {  	s8 =	simm.s32 $0x9;
	s9 =	simm.s32 $0x0;
	[bflag:$0x0] =	sbarrier.arrive $0xFFFF  }
.LBB2_4:
0xd0: {  	_ =	swait.ge [sflag:s24], $0x4000  }
0xd1: {  	[sflag:s24] =	ssyncset.done $0x0  }
0xd2: {  	s16 =	simm.s32 $0x700;
	[sflag:s24] =	ssyncadd.s32 $0xFFFFC000  }
0xd3: {  	v3 =	vld [tilespmem:s16+$0xFFFFFFF0]  }
0xd4: {  	v4 =	vld [tilespmem:s16+$0xF0]  }
0xd5: {  	v2 =	vld [tilespmem:s16+$0xB0]  }
0xd6: {  	v5 =	vld [tilespmem:s16+$0xFFFFFFC0]  }
0xd7: {  	v6 =	vld [tilespmem:s16+$0x40]  }
0xd8: {  	v7 =	vld [tilespmem:s16+$0xFFFFFF50]  }
0xd9: {  	v8 =	vld [tilespmem:s16+$0xFFFFFFD0]  }
0xda: {  	v9 =	vld [tilespmem:s16+$0x50]  }
0xdb: {  	v12 =	vld [tilespmem:s16+$0xD0]  }
0xdc: {  	s6 =	simm.s32 $0x3;
	v14 =	vld [tilespmem:s16+$0xFFFFFF60]  }
0xdd: {  	s0 =	simm.s32 $0x0;
	v11 =	vmov s6;
	v17 =	vld [tilespmem:s16+$0x60]  }
0xde: {  	s23 =	simm.s32 $0x1;
	v1 =	vmov s0;
	v18 =	vld [tilespmem:s16+$0xE0]  }
0xdf: {  	s28 =	simm.s32 $0x2;
	v10 =	vmov s23;
	v1 =	vand.u32 $0xFFFFFFFC, v1;
	v19 =	vld [tilespmem:s16+$0xFFFFFF70]  }
0xe0: {  	v13 =	vbroadcast v1, $0x0;
	v1 =	vand.u32 $0xFFFFFFFD, v10;
	v10 =	vmov s28;
	v22 =	vld [tilespmem:s16+$0xA0]  }
0xe1: {  	v23 =	vld [tilespmem:s16+$0xFFFFFF30];
	v15 =	vbroadcast v1, $0x0;
	v1 =	vand.u32 $0xFFFFFFFE, v10  }
0xe2: {  	v16 =	vbroadcast v1, $0x0;
	v1 =	vld.idx.msk [tilespmem:v11+s10+$0x0], $0xffff  }
0xe3: {  	v60 =	vld [tilespmem:s16+$0xFFFFFFA0]  }
0xe4: {  	v24 =	vld [tilespmem:s16+$0x10]  }
0xe5: {  	v25 =	vld [tilespmem:s16+$0xFFFFFF10]  }
0xe6: {  	v61 =	vld [tilespmem:s16+$0xFFFFFF80]  }
0xe7: {  	v20 =	vld.idx.msk [tilespmem:v13+s10+$0x0], $0xffff;
	v12 =	vmul.f32 v12, v1  }
0xe8: {  	v21 =	vld.idx.msk [tilespmem:v15+s10+$0x0], $0xffff;
	v18 =	vmul.f32 v18, v1  }
0xe9: {  	v16 =	vld.idx.msk [tilespmem:v16+s10+$0x0], $0xffff;
	v2 =	vmul.f32 v2, v1;
	[tilespmem:s16+$0xD0] =	vst v12  }
0xea: {  	v10 =	vld [tilespmem:s16+$0xFFFFFFE0];
	v4 =	vmul.f32 v4, v1;
	[tilespmem:s16+$0xE0] =	vst v18  }
0xeb: {  	v62 =	vld [tilespmem:s16+$0xFFFFFF00];
	v22 =	vmul.f32 v22, v1;
	[tilespmem:s16+$0xB0] =	vst v2  }
0xec: {  	v11 =	vld [tilespmem:s16+$0x70];
	[tilespmem:s16+$0xF0] =	vst v4;
	v7 =	vmul.f32 v7, v20  }
0xed: {  	v63 =	vld [tilespmem:s16+$0xFFFFFF40];
	[tilespmem:s16+$0xA0] =	vst v22;
	v12 =	vmul.f32 v14, v20  }
0xee: {  	v13 =	vld [tilespmem:s16+$0x30];
	v5 =	vmul.f32 v5, v21;
	[tilespmem:s16+$0xFFFFFF50] =	vst v7  }
0xef: {  	v15 =	vld [tilespmem:s16+$0xFFFFFFB0];
	v10 =	vmul.f32 v10, v21;
	[tilespmem:s16+$0xFFFFFF60] =	vst v12  }
0xf0: {  	v14 =	vld [tilespmem:s16+$0x20];
	v26 =	vmul.f32 v3, v21;
	v7 =	vmul.f32 v8, v21;
	[tilespmem:s16+$0xFFFFFFC0] =	vst v5  }
0xf1: {  	v3 =	vmul.f32 v19, v20;
	v8 =	vld [tilespmem:s16+$0xFFFFFF20];
	v11 =	vmul.f32 v11, v16;
	[tilespmem:s16+$0xFFFFFFE0] =	vst v10  }
0xf2: {  	v4 =	vmul.f32 v61, v21;
	v12 =	vld [tilespmem:s16+$0x90];
	v5 =	vmul.f32 v6, v16;
	[tilespmem:s16+$0xFFFFFFD0] =	vst v7  }
0xf3: {  	v2 =	vmul.f32 v17, v16;
	v17 =	vld [tilespmem:s16+$0x80];
	v6 =	vmul.f32 v13, v16;
	[tilespmem:s16+$0x70] =	vst v11  }
0xf4: {  	v13 =	vld [tilespmem:s16+$0xFFFFFF90];
	v7 =	vmul.f32 v9, v16;
	v9 =	vmul.f32 v15, v21;
	[tilespmem:s16+$0x40] =	vst v5  }
0xf5: {  	v11 =	vmul.f32 v24, v16;
	[tilespmem:s16+$0x30] =	vst v6;
	v6 =	vmul.f32 v14, v16;
	v14 =	vld [tilespmem:s16+$0x0]  }
0xf6: {  	v5 =	vmul.f32 v23, v20;
	[tilespmem:s16+$0x50] =	vst v7;
	v7 =	vmul.f32 v60, v21  }
0xf7: {  	v15 =	vld [tilespmem:s16+$0xC0];
	[tilespmem:s16+$0xFFFFFFB0] =	vst v9;
	v8 =	vmul.f32 v8, v20;
	v9 =	vmul.f32 v12, v1  }
0xf8: {  	v10 =	vmul.f32 v17, v1;
	[tilespmem:s16+$0xFFFFFF30] =	vst v5;
	v5 =	vmul.f32 v62, v20  }
0xf9: {  	[tilespmem:s16+$0xFFFFFF70] =	vst v3;
	v12 =	vmul.f32 v13, v21;
	v13 =	vmul.f32 v25, v20  }
0xfa: {  	s29 =	simm.s32 $0x900;
	s6 =	simm.s32 $0x4;
	[tilespmem:s16+$0xFFFFFFF0] =	vst v26;
	v3 =	vmul.f32 v14, v16;
	v14 =	vmul.f32 v63, v20  }
.LBB2_5:
0xfb: {  	s20 =	sadd.s32 $0x1, s6  }
0xfc: {  	v16 =	vmov s6;
	s19 =	sadd.s32 $0x3, s6;
	v17 =	vld [tilespmem:s29+$0xFFFFFFF0];
	[tilespmem:s16+$0x20] =	vst v6;
	v1 =	vmul.f32 v15, v1;
	s23 =	smov.u32 s6;
	s0 =	sadd.s32 $0x4, s6  }
0xfd: {  	p2 =	sne.s32 s6, $0x7C;
	v6 =	vand.u32 $0xFFFFFFFC, v16;
	v15 =	vmov s20;
	s20 =	sadd.s32 $0x2, s23;
	v16 =	vmov s19;
	v18 =	vld [tilespmem:s29+$0xF0];
	[tilespmem:s16+$0xFFFFFFA0] =	vst v7  }
0xfe: {  	v6 =	vbroadcast v6, $0x0;
	v7 =	vand.u32 $0xFFFFFFFD, v15;
	v15 =	vmov s20;
	v19 =	vld [tilespmem:s29+$0xB0];
	[tilespmem:s16+$0xFFFFFF20] =	vst v8  }
0xff: {  	v7 =	vbroadcast v7, $0x0;
	v8 =	vand.u32 $0xFFFFFFFE, v15;
	v15 =	vld [tilespmem:s29+$0xFFFFFFC0];
	[tilespmem:s16+$0x90] =	vst v9  }
0x100: {  	v8 =	vbroadcast v8, $0x0;
	v9 =	vld [tilespmem:s29+$0x40];
	[tilespmem:s16+$0x10] =	vst v11  }
0x101: {  	v11 =	vld [tilespmem:s29+$0xFFFFFF50];
	[tilespmem:s16+$0xFFFFFF90] =	vst v12  }
0x102: {  	v12 =	vld [tilespmem:s29+$0xFFFFFFD0];
	[tilespmem:s16+$0xFFFFFF10] =	vst v13  }
0x103: {  	v13 =	vld [tilespmem:s29+$0x50];
	[tilespmem:s16+$0xFFFFFF40] =	vst v14  }
0x104: {  	v14 =	vld [tilespmem:s29+$0xD0];
	[tilespmem:s16+$0x80] =	vst v10  }
0x105: {  	v10 =	vld [tilespmem:s29+$0xFFFFFF60];
	[tilespmem:s16+$0x60] =	vst v2  }
0x106: {  	v20 =	vld [tilespmem:s29+$0xFFFFFFE0];
	[tilespmem:s16+$0xC0] =	vst v1  }
0x107: {  	v2 =	vld [tilespmem:s29+$0x60];
	[tilespmem:s16+$0x0] =	vst v3  }
0x108: {  	v3 =	vld [tilespmem:s29+$0xE0];
	[tilespmem:s16+$0xFFFFFF80] =	vst v4  }
0x109: {  	v4 =	vld [tilespmem:s29+$0xFFFFFF70];
	[tilespmem:s16+$0xFFFFFF00] =	vst v5;
	s16 =	smov.u32 s29  }
0x10a: {  	v1 =	vld.idx.msk [tilespmem:v16+s10+$0x0], $0xffff  }
0x10b: {  	v16 =	vld.idx.msk [tilespmem:v6+s10+$0x0], $0xffff  }
0x10c: {  	v5 =	vld.idx.msk [tilespmem:v7+s10+$0x0], $0xffff  }
0x10d: {  	v21 =	vld.idx.msk [tilespmem:v8+s10+$0x0], $0xffff  }
0x10e: {  	v6 =	vld [tilespmem:s29+$0x70]  }
0x10f: {  	v7 =	vld [tilespmem:s29+$0x30]  }
0x110: {  	v14 =	vmul.f32 v14, v1;
	v3 =	vmul.f32 v3, v1;
	v8 =	vld [tilespmem:s29+$0xFFFFFFB0]  }
0x111: {  	v11 =	vmul.f32 v11, v16;
	v10 =	vmul.f32 v10, v16;
	v22 =	vld [tilespmem:s29+$0xFFFFFF30]  }
0x112: {  	v15 =	vmul.f32 v15, v5;
	v12 =	vmul.f32 v12, v5;
	v23 =	vld [tilespmem:s29+$0xA0];
	[tilespmem:s29+$0xD0] =	vst v14  }
0x113: {  	v19 =	vmul.f32 v19, v1;
	v9 =	vmul.f32 v9, v21;
	v14 =	vld [tilespmem:s29+$0x20];
	[tilespmem:s29+$0xE0] =	vst v3  }
0x114: {  	v3 =	vld [tilespmem:s29+$0xFFFFFFA0];
	v24 =	vmul.f32 v7, v21;
	[tilespmem:s29+$0xFFFFFF50] =	vst v11;
	v11 =	vmul.f32 v13, v21  }
0x115: {  	v2 =	vmul.f32 v2, v21;
	v13 =	vld [tilespmem:s29+$0xFFFFFF20];
	v25 =	vmul.f32 v8, v5;
	[tilespmem:s29+$0xFFFFFF60] =	vst v10  }
0x116: {  	v10 =	vld [tilespmem:s29+$0x90];
	v22 =	vmul.f32 v22, v16;
	[tilespmem:s29+$0xFFFFFFC0] =	vst v15;
	v15 =	vmul.f32 v6, v21  }
0x117: {  	v20 =	vmul.f32 v20, v5;
	v26 =	vld [tilespmem:s29+$0x10];
	v23 =	vmul.f32 v23, v1;
	[tilespmem:s29+$0xFFFFFFD0] =	vst v12  }
0x118: {  	v12 =	vld [tilespmem:s29+$0xFFFFFF90];
	v6 =	vmul.f32 v14, v21;
	[tilespmem:s29+$0xB0] =	vst v19;
	v14 =	vmul.f32 v17, v5  }
0x119: {  	v17 =	vld [tilespmem:s29+$0xFFFFFF10];
	v7 =	vmul.f32 v3, v5;
	[tilespmem:s29+$0x40] =	vst v9;
	v3 =	vmul.f32 v4, v16  }
0x11a: {  	v18 =	vmul.f32 v18, v1;
	v4 =	vld [tilespmem:s29+$0x80];
	v8 =	vmul.f32 v13, v16;
	[tilespmem:s29+$0x30] =	vst v24  }
0x11b: {  	v19 =	vld [tilespmem:s29+$0x0];
	v9 =	vmul.f32 v10, v1;
	[tilespmem:s29+$0x50] =	vst v11  }
0x11c: {  	v24 =	vld [tilespmem:s29+$0xFFFFFF80];
	v11 =	vmul.f32 v26, v21;
	[tilespmem:s29+$0xFFFFFFB0] =	vst v25  }
0x11d: {  	v25 =	vld [tilespmem:s29+$0xFFFFFF00];
	v12 =	vmul.f32 v12, v5;
	[tilespmem:s29+$0x70] =	vst v15  }
0x11e: {  	v13 =	vmul.f32 v17, v16;
	v17 =	vld [tilespmem:s29+$0xFFFFFF40];
	[tilespmem:s29+$0xFFFFFFE0] =	vst v20  }
.Ltmp3:
0x11f: {  	v10 =	vmul.f32 v4, v1;
	v15 =	vld [tilespmem:s29+$0xC0];
	[tilespmem:s29+$0xFFFFFF70] =	vst v3;
	(pc) =	sbr.rel @p2 .LBB2_5-.Ltmp3, $4  }
0x120: {  	v3 =	vmul.f32 v19, v21;
	[tilespmem:s29+$0xF0] =	vst v18  }
0x121: {  	v4 =	vmul.f32 v24, v5;
	[tilespmem:s29+$0xFFFFFF30] =	vst v22  }
0x122: {  	v5 =	vmul.f32 v25, v16;
	[tilespmem:s29+$0xFFFFFFF0] =	vst v14  }
0x123: {  	s6 =	smov.u32 s0;
	s29 =	sadd.s32 $0x200, s29;
	[tilespmem:s16+$0xA0] =	vst v23;
	v14 =	vmul.f32 v17, v16  }
0x124: {  	[tilespmem:s16+$0x20] =	vst v6  }
0x125: {  	[tilespmem:s16+$0xFFFFFFA0] =	vst v7  }
0x126: {  	[tilespmem:s16+$0xFFFFFF20] =	vst v8  }
0x127: {  	[tilespmem:s16+$0x90] =	vst v9  }
0x128: {  	[tilespmem:s16+$0x10] =	vst v11  }
0x129: {  	[tilespmem:s16+$0xFFFFFF90] =	vst v12  }
0x12a: {  	[tilespmem:s16+$0xFFFFFF10] =	vst v13  }
0x12b: {  	[tilespmem:s16+$0x80] =	vst v10  }
0x12c: {  	[tilespmem:s16+$0x60] =	vst v2  }
0x12d: {  	[tilespmem:s16+$0x0] =	vst v3  }
0x12e: {  	[tilespmem:s16+$0xFFFFFF80] =	vst v4  }
0x12f: {  	v1 =	vmul.f32 v15, v1;
	[tilespmem:s16+$0xFFFFFF00] =	vst v5  }
0x130: {  	[tilespmem:s16+$0xFFFFFF40] =	vst v14  }
0x131: {  	[tilespmem:s16+$0xC0] =	vst v1  }
0x132: {  	v1 =	vld [tilespmem:$0x180]  }
0x133: {  	v2 =	vld [tilespmem:$0x190]  }
0x134: {  	v3 =	vld [tilespmem:$0x1A0]  }
0x135: {  	v4 =	vld [tilespmem:$0x1B0]  }
0x136: {  	v5 =	vld [tilespmem:$0x1C0]  }
0x137: {  	[tilespmem:$0x480] =	vst v1;
	v1 =	vld [tilespmem:$0x1D0]  }
0x138: {  	[tilespmem:$0x490] =	vst v2;
	v2 =	vld [tilespmem:$0x1E0]  }
0x139: {  	[tilespmem:$0x4A0] =	vst v3;
	v3 =	vld [tilespmem:$0x1F0]  }
0x13a: {  	[tilespmem:$0x4B0] =	vst v4  }
0x13b: {  	[tilespmem:$0x4C0] =	vst v5  }
0x13c: {  	[tilespmem:$0x4D0] =	vst v1  }
0x13d: {  	s0 =	simm.s32 $0x600;
	[tilespmem:$0x4E0] =	vst v2  }
0x13e: {  	s6 =	simm.s32 $0x480;
	p2 =	seq.s32 s9, $0x1A;
	s16 =	smul.u32 $0x3, s9;
	[tilespmem:$0x4F0] =	vst v3  }
0x13f: {  	[spmem:s3] =	stream.indirect.scatter.add.f32 [tilespmem:s0], [sflag:$0x7], $0x80, s6, s11, $0xb8;
	[tilespmem:$0x1FE80] =	vst v63  }
0x140: {  	s0 =	sadd.s32 @!p2 s16, s25  }
0x141: {  	s0 =	sshll.u32 @!p2 s0, $0x4  }
0x142: {  	s0 =	sand.u32 @!p2 $0x1FFFFFF0, s0  }
0x143: {  	s19 =	simm.s32 @!p2 $0x0;
	s6 =	sadd.s32 @!p2 s2, s0  }
0x144: {  	[tilespmem:s19], [sflag:$0x1] =	stream.linear.gather @!p2 [hbm4b:s6+s19], $0x80, $0x38;
	[tilespmem:$0x1FE80] =	vst v63  }
0x145: {  	s20 =	simm.s32 @!p2 $0x180;
	p3 =	seq.s32 @!p2 s9, $0x0;
	s6 =	sadd.s32 @!p2 s14, s0  }
0x146: {  	[tilespmem:s20], [sflag:$0x1] =	stream.linear.gather @!p2 [hbm4b:s6+s19], $0x80, $0x38;
	[tilespmem:$0x1FE80] =	vst v63  }
0x147: {  	p3 =	por p2, !p3;
	s0 =	sadd.s32 @!p2 s15, s0;
	s6 =	simm.s32 @!p2 $0x300  }
0x148: {  	[tilespmem:s6], [sflag:$0x1] =	stream.linear.gather @!p2 [hbm4b:s0+s19], $0x80, $0x38;
	[tilespmem:$0x1FE80] =	vst v63  }
0x149: {  	_ =	swait.ge @p3 [sflag:s8], $0x4000  }
0x14a: {  	[sflag:s8] =	ssyncset.done @p3 $0x0  }
0x14b: {  	[sflag:s8] =	ssyncadd.s32 @p3 $0xFFFFC000  }
0x14c: {  	_ =	swait.ge [sflag:s30], $0x80  }
0x14d: {  	[sflag:s30] =	ssyncset.done $0x0  }
0x14e: {  	[sflag:s30] =	ssyncadd.s32 $0xFFFFFF80  }
0x14f: {  	_ =	swait.ge [sflag:s30], $0x80  }
0x150: {  	[sflag:s30] =	ssyncset.done $0x0  }
0x151: {  	[sflag:s30] =	ssyncadd.s32 $0xFFFFFF80  }
0x152: {  	_ =	swait.ge [sflag:s30], $0x80  }
0x153: {  	[sflag:s30] =	ssyncset.done $0x0  }
0x154: {  	[sflag:s30] =	ssyncadd.s32 $0xFFFFFF80  }
0x155: {  	[tilespmem:s18], [sflag:$0x6] =	stream.indirect.gather [hbm4b:s1+s11], $0x80, s13, s11, $0xb8;
	[tilespmem:$0x1FE80] =	vst v63  }
0x156: {  	_ =	swait.ge [sflag:s31], $0x4000  }
0x157: {  	[sflag:s31] =	ssyncset.done $0x0  }
0x158: {  	s29 =	simm.s32 $0x4700;
	[sflag:s31] =	ssyncadd.s32 $0xFFFFC000  }
0x159: {  	v3 =	vld [tilespmem:s29+$0xFFFFFFF0]  }
0x15a: {  	v4 =	vld [tilespmem:s29+$0xF0]  }
0x15b: {  	v2 =	vld [tilespmem:s29+$0xB0]  }
0x15c: {  	v5 =	vld [tilespmem:s29+$0xFFFFFFC0]  }
0x15d: {  	v6 =	vld [tilespmem:s29+$0x40]  }
0x15e: {  	v7 =	vld [tilespmem:s29+$0xFFFFFF50]  }
0x15f: {  	s19 =	simm.s32 $0x0;
	v8 =	vld [tilespmem:s29+$0xFFFFFFD0]  }
0x160: {  	s23 =	simm.s32 $0x3;
	s20 =	simm.s32 $0x1;
	v1 =	vmov s19;
	v9 =	vld [tilespmem:s29+$0x50]  }
0x161: {  	s28 =	simm.s32 $0x2;
	v11 =	vmov s23;
	v10 =	vmov s20;
	v1 =	vand.u32 $0xFFFFFFFC, v1;
	v12 =	vld [tilespmem:s29+$0xD0]  }
0x162: {  	v13 =	vbroadcast v1, $0x0;
	v1 =	vand.u32 $0xFFFFFFFD, v10;
	v10 =	vmov s28;
	v14 =	vld [tilespmem:s29+$0xFFFFFF60]  }
0x163: {  	v15 =	vbroadcast v1, $0x0;
	v1 =	vand.u32 $0xFFFFFFFE, v10;
	v10 =	vld [tilespmem:s29+$0xFFFFFFE0]  }
0x164: {  	v16 =	vbroadcast v1, $0x0;
	v17 =	vld [tilespmem:s29+$0x60]  }
0x165: {  	v18 =	vld [tilespmem:s29+$0xE0]  }
0x166: {  	v19 =	vld [tilespmem:s29+$0xFFFFFF70]  }
0x167: {  	v1 =	vld.idx.msk [tilespmem:v11+s12+$0x0], $0xffff  }
0x168: {  	v20 =	vld.idx.msk [tilespmem:v13+s12+$0x0], $0xffff  }
0x169: {  	v21 =	vld.idx.msk [tilespmem:v15+s12+$0x0], $0xffff  }
0x16a: {  	v16 =	vld.idx.msk [tilespmem:v16+s12+$0x0], $0xffff  }
0x16b: {  	v11 =	vld [tilespmem:s29+$0x70]  }
0x16c: {  	v13 =	vld [tilespmem:s29+$0x30]  }
0x16d: {  	v15 =	vld [tilespmem:s29+$0xFFFFFFB0];
	v12 =	vmul.f32 v12, v1  }
0x16e: {  	v22 =	vld [tilespmem:s29+$0xA0];
	v18 =	vmul.f32 v18, v1  }
0x16f: {  	v23 =	vld [tilespmem:s29+$0xFFFFFF30];
	v7 =	vmul.f32 v7, v20;
	[tilespmem:s29+$0xD0] =	vst v12  }
0x170: {  	v60 =	vld [tilespmem:s29+$0xFFFFFFA0];
	v5 =	vmul.f32 v5, v21;
	[tilespmem:s29+$0xE0] =	vst v18  }
0x171: {  	v24 =	vld [tilespmem:s29+$0x10];
	v2 =	vmul.f32 v2, v1;
	[tilespmem:s29+$0xFFFFFF50] =	vst v7  }
0x172: {  	v25 =	vld [tilespmem:s29+$0xFFFFFF10];
	v11 =	vmul.f32 v11, v16;
	[tilespmem:s29+$0xFFFFFFC0] =	vst v5  }
0x173: {  	v61 =	vld [tilespmem:s29+$0xFFFFFF80];
	v10 =	vmul.f32 v10, v21;
	[tilespmem:s29+$0xB0] =	vst v2  }
0x174: {  	v62 =	vld [tilespmem:s29+$0xFFFFFF00];
	v26 =	vmul.f32 v3, v21;
	v3 =	vmul.f32 v19, v20;
	[tilespmem:s29+$0x70] =	vst v11  }
0x175: {  	v63 =	vld [tilespmem:s29+$0xFFFFFF40];
	v4 =	vmul.f32 v4, v1;
	[tilespmem:s29+$0xFFFFFFE0] =	vst v10  }
0x176: {  	v12 =	vmul.f32 v14, v20;
	v14 =	vld [tilespmem:s29+$0x20];
	[tilespmem:s29+$0xFFFFFF70] =	vst v3  }
0x177: {  	v22 =	vmul.f32 v22, v1;
	v7 =	vmul.f32 v8, v21;
	v8 =	vld [tilespmem:s29+$0xFFFFFF20];
	[tilespmem:s29+$0xF0] =	vst v4  }
0x178: {  	v5 =	vmul.f32 v6, v16;
	v2 =	vmul.f32 v17, v16;
	v17 =	vld [tilespmem:s29+$0x80];
	[tilespmem:s29+$0xFFFFFF60] =	vst v12  }
0x179: {  	v6 =	vmul.f32 v13, v16;
	v11 =	vmul.f32 v24, v16;
	v12 =	vld [tilespmem:s29+$0x90];
	[tilespmem:s29+$0xFFFFFFD0] =	vst v7  }
0x17a: {  	v13 =	vld [tilespmem:s29+$0xFFFFFF90];
	v4 =	vmul.f32 v61, v21;
	v7 =	vmul.f32 v9, v16;
	[tilespmem:s29+$0x40] =	vst v5  }
0x17b: {  	v5 =	vmul.f32 v23, v20;
	[tilespmem:s29+$0x30] =	vst v6;
	v6 =	vmul.f32 v14, v16;
	v14 =	vld [tilespmem:s29+$0x0]  }
0x17c: {  	v9 =	vmul.f32 v15, v21;
	[tilespmem:s29+$0x50] =	vst v7;
	v7 =	vmul.f32 v60, v21  }
0x17d: {  	v15 =	vld [tilespmem:s29+$0xC0];
	[tilespmem:s29+$0xFFFFFF30] =	vst v5;
	v5 =	vmul.f32 v62, v20;
	v8 =	vmul.f32 v8, v20  }
0x17e: {  	[tilespmem:s29+$0xFFFFFFB0] =	vst v9;
	v10 =	vmul.f32 v17, v1;
	v9 =	vmul.f32 v12, v1  }
0x17f: {  	[tilespmem:s29+$0xFFFFFFF0] =	vst v26;
	v12 =	vmul.f32 v13, v21;
	v13 =	vmul.f32 v25, v20  }
0x180: {  	s6 =	simm.s32 $0x4;
	s0 =	simm.s32 $0x4900;
	[tilespmem:s29+$0xA0] =	vst v22;
	v3 =	vmul.f32 v14, v16;
	v14 =	vmul.f32 v63, v20  }
.LBB2_7:
0x181: {  	s19 =	sadd.s32 $0x1, s6  }
0x182: {  	v16 =	vmov s6;
	s23 =	sadd.s32 $0x3, s6;
	v17 =	vld [tilespmem:s0+$0xFFFFFFF0];
	[tilespmem:s29+$0x20] =	vst v6;
	v1 =	vmul.f32 v15, v1;
	s28 =	smov.u32 s6;
	s20 =	sadd.s32 $0x4, s6  }
0x183: {  	p3 =	sne.s32 s6, $0x7C;
	v6 =	vand.u32 $0xFFFFFFFC, v16;
	v15 =	vmov s19;
	s19 =	sadd.s32 $0x2, s28;
	v16 =	vmov s23;
	v18 =	vld [tilespmem:s0+$0xF0];
	[tilespmem:s29+$0xFFFFFFA0] =	vst v7  }
0x184: {  	v6 =	vbroadcast v6, $0x0;
	v7 =	vand.u32 $0xFFFFFFFD, v15;
	v15 =	vmov s19;
	v19 =	vld [tilespmem:s0+$0xB0];
	[tilespmem:s29+$0xFFFFFF20] =	vst v8  }
0x185: {  	v7 =	vbroadcast v7, $0x0;
	v8 =	vand.u32 $0xFFFFFFFE, v15;
	v15 =	vld [tilespmem:s0+$0xFFFFFFC0];
	[tilespmem:s29+$0x90] =	vst v9  }
0x186: {  	v8 =	vbroadcast v8, $0x0;
	v9 =	vld [tilespmem:s0+$0x40];
	[tilespmem:s29+$0x10] =	vst v11  }
0x187: {  	v11 =	vld [tilespmem:s0+$0xFFFFFF50];
	[tilespmem:s29+$0xFFFFFF90] =	vst v12  }
0x188: {  	v12 =	vld [tilespmem:s0+$0xFFFFFFD0];
	[tilespmem:s29+$0xFFFFFF10] =	vst v13  }
0x189: {  	v13 =	vld [tilespmem:s0+$0x50];
	[tilespmem:s29+$0xFFFFFF40] =	vst v14  }
0x18a: {  	v14 =	vld [tilespmem:s0+$0xD0];
	[tilespmem:s29+$0x80] =	vst v10  }
0x18b: {  	v10 =	vld [tilespmem:s0+$0xFFFFFF60];
	[tilespmem:s29+$0x60] =	vst v2  }
0x18c: {  	v20 =	vld [tilespmem:s0+$0xFFFFFFE0];
	[tilespmem:s29+$0xC0] =	vst v1  }
0x18d: {  	v2 =	vld [tilespmem:s0+$0x60];
	[tilespmem:s29+$0x0] =	vst v3  }
0x18e: {  	v3 =	vld [tilespmem:s0+$0xE0];
	[tilespmem:s29+$0xFFFFFF80] =	vst v4  }
0x18f: {  	v4 =	vld [tilespmem:s0+$0xFFFFFF70];
	[tilespmem:s29+$0xFFFFFF00] =	vst v5;
	s29 =	smov.u32 s0  }
0x190: {  	v1 =	vld.idx.msk [tilespmem:v16+s12+$0x0], $0xffff  }
0x191: {  	v16 =	vld.idx.msk [tilespmem:v6+s12+$0x0], $0xffff  }
0x192: {  	v5 =	vld.idx.msk [tilespmem:v7+s12+$0x0], $0xffff  }
0x193: {  	v21 =	vld.idx.msk [tilespmem:v8+s12+$0x0], $0xffff  }
0x194: {  	v6 =	vld [tilespmem:s0+$0x70]  }
0x195: {  	v7 =	vld [tilespmem:s0+$0x30]  }
0x196: {  	v14 =	vmul.f32 v14, v1;
	v3 =	vmul.f32 v3, v1;
	v8 =	vld [tilespmem:s0+$0xFFFFFFB0]  }
0x197: {  	v11 =	vmul.f32 v11, v16;
	v10 =	vmul.f32 v10, v16;
	v22 =	vld [tilespmem:s0+$0xFFFFFF30]  }
0x198: {  	v15 =	vmul.f32 v15, v5;
	v12 =	vmul.f32 v12, v5;
	v23 =	vld [tilespmem:s0+$0xA0];
	[tilespmem:s0+$0xD0] =	vst v14  }
0x199: {  	v19 =	vmul.f32 v19, v1;
	v9 =	vmul.f32 v9, v21;
	v14 =	vld [tilespmem:s0+$0x20];
	[tilespmem:s0+$0xE0] =	vst v3  }
0x19a: {  	v3 =	vld [tilespmem:s0+$0xFFFFFFA0];
	v24 =	vmul.f32 v7, v21;
	[tilespmem:s0+$0xFFFFFF50] =	vst v11;
	v11 =	vmul.f32 v13, v21  }
0x19b: {  	v2 =	vmul.f32 v2, v21;
	v13 =	vld [tilespmem:s0+$0xFFFFFF20];
	v25 =	vmul.f32 v8, v5;
	[tilespmem:s0+$0xFFFFFF60] =	vst v10  }
0x19c: {  	v10 =	vld [tilespmem:s0+$0x90];
	v22 =	vmul.f32 v22, v16;
	[tilespmem:s0+$0xFFFFFFC0] =	vst v15;
	v15 =	vmul.f32 v6, v21  }
0x19d: {  	v20 =	vmul.f32 v20, v5;
	v26 =	vld [tilespmem:s0+$0x10];
	v23 =	vmul.f32 v23, v1;
	[tilespmem:s0+$0xFFFFFFD0] =	vst v12  }
0x19e: {  	v12 =	vld [tilespmem:s0+$0xFFFFFF90];
	v6 =	vmul.f32 v14, v21;
	[tilespmem:s0+$0xB0] =	vst v19;
	v14 =	vmul.f32 v17, v5  }
0x19f: {  	v17 =	vld [tilespmem:s0+$0xFFFFFF10];
	v7 =	vmul.f32 v3, v5;
	[tilespmem:s0+$0x40] =	vst v9;
	v3 =	vmul.f32 v4, v16  }
0x1a0: {  	v18 =	vmul.f32 v18, v1;
	v4 =	vld [tilespmem:s0+$0x80];
	v8 =	vmul.f32 v13, v16;
	[tilespmem:s0+$0x30] =	vst v24  }
0x1a1: {  	v19 =	vld [tilespmem:s0+$0x0];
	v9 =	vmul.f32 v10, v1;
	[tilespmem:s0+$0x50] =	vst v11  }
0x1a2: {  	v24 =	vld [tilespmem:s0+$0xFFFFFF80];
	v11 =	vmul.f32 v26, v21;
	[tilespmem:s0+$0xFFFFFFB0] =	vst v25  }
0x1a3: {  	v25 =	vld [tilespmem:s0+$0xFFFFFF00];
	v12 =	vmul.f32 v12, v5;
	[tilespmem:s0+$0x70] =	vst v15  }
0x1a4: {  	v13 =	vmul.f32 v17, v16;
	v17 =	vld [tilespmem:s0+$0xFFFFFF40];
	[tilespmem:s0+$0xFFFFFFE0] =	vst v20  }
.Ltmp4:
0x1a5: {  	v10 =	vmul.f32 v4, v1;
	v15 =	vld [tilespmem:s0+$0xC0];
	[tilespmem:s0+$0xFFFFFF70] =	vst v3;
	(pc) =	sbr.rel @p3 .LBB2_7-.Ltmp4, $4  }
0x1a6: {  	v3 =	vmul.f32 v19, v21;
	[tilespmem:s0+$0xF0] =	vst v18  }
0x1a7: {  	v4 =	vmul.f32 v24, v5;
	[tilespmem:s0+$0xFFFFFF30] =	vst v22  }
0x1a8: {  	v5 =	vmul.f32 v25, v16;
	[tilespmem:s0+$0xFFFFFFF0] =	vst v14  }
0x1a9: {  	s6 =	smov.u32 s20;
	s0 =	sadd.s32 $0x200, s0;
	[tilespmem:s29+$0xA0] =	vst v23;
	v14 =	vmul.f32 v17, v16  }
0x1aa: {  	[tilespmem:s29+$0x20] =	vst v6  }
0x1ab: {  	[tilespmem:s29+$0xFFFFFFA0] =	vst v7  }
0x1ac: {  	[tilespmem:s29+$0xFFFFFF20] =	vst v8  }
0x1ad: {  	[tilespmem:s29+$0x90] =	vst v9  }
0x1ae: {  	[tilespmem:s29+$0x10] =	vst v11  }
0x1af: {  	[tilespmem:s29+$0xFFFFFF90] =	vst v12  }
0x1b0: {  	[tilespmem:s29+$0xFFFFFF10] =	vst v13  }
0x1b1: {  	[tilespmem:s29+$0x80] =	vst v10  }
0x1b2: {  	[tilespmem:s29+$0x60] =	vst v2  }
0x1b3: {  	[tilespmem:s29+$0x0] =	vst v3  }
0x1b4: {  	[tilespmem:s29+$0xFFFFFF80] =	vst v4  }
0x1b5: {  	v1 =	vmul.f32 v15, v1;
	[tilespmem:s29+$0xFFFFFF00] =	vst v5  }
0x1b6: {  	[tilespmem:s29+$0xFFFFFF40] =	vst v14  }
0x1b7: {  	[tilespmem:s29+$0xC0] =	vst v1  }
0x1b8: {  	v1 =	vld [tilespmem:$0x200]  }
0x1b9: {  	v2 =	vld [tilespmem:$0x210]  }
0x1ba: {  	v3 =	vld [tilespmem:$0x220]  }
0x1bb: {  	v4 =	vld [tilespmem:$0x230]  }
0x1bc: {  	v5 =	vld [tilespmem:$0x240]  }
0x1bd: {  	[tilespmem:$0x500] =	vst v1;
	v1 =	vld [tilespmem:$0x250]  }
0x1be: {  	[tilespmem:$0x510] =	vst v2;
	v2 =	vld [tilespmem:$0x260]  }
0x1bf: {  	[tilespmem:$0x520] =	vst v3;
	v3 =	vld [tilespmem:$0x270]  }
0x1c0: {  	[tilespmem:$0x530] =	vst v4  }
0x1c1: {  	[tilespmem:$0x540] =	vst v5  }
0x1c2: {  	[tilespmem:$0x550] =	vst v1  }
0x1c3: {  	[tilespmem:$0x560] =	vst v2  }
0x1c4: {  	p3 =	sne.s32 s9, $0x1A;
	s0 =	simm.s32 $0x500;
	[tilespmem:$0x570] =	vst v3  }
0x1c5: {  	[spmem:s3] =	stream.indirect.scatter.add.f32 [tilespmem:s22], [sflag:$0x8], $0x80, s0, s11, $0xb8;
	[tilespmem:$0x1FE80] =	vst v63  }
0x1c6: {  	s0 =	sadd.s32 @p3 s16, s26  }
0x1c7: {  	s0 =	sshll.u32 @p3 s0, $0x4  }
0x1c8: {  	s0 =	sand.u32 @p3 $0x1FFFFFF0, s0  }
0x1c9: {  	s19 =	simm.s32 @p3 $0x0;
	s20 =	simm.s32 @p3 $0x80;
	s6 =	sadd.s32 @p3 s2, s0  }
0x1ca: {  	[tilespmem:s20], [sflag:$0x2] =	stream.linear.gather @p3 [hbm4b:s6+s19], $0x80, $0x38;
	[tilespmem:$0x1FE80] =	vst v63  }
0x1cb: {  	s23 =	simm.s32 @p3 $0x200;
	s6 =	sadd.s32 @p3 s14, s0  }
0x1cc: {  	[tilespmem:s23], [sflag:$0x2] =	stream.linear.gather @p3 [hbm4b:s6+s19], $0x80, $0x38;
	[tilespmem:$0x1FE80] =	vst v63  }
0x1cd: {  	s0 =	sadd.s32 @p3 s15, s0;
	s6 =	simm.s32 @p3 $0x380  }
0x1ce: {  	[tilespmem:s6], [sflag:$0x2] =	stream.linear.gather @p3 [hbm4b:s0+s19], $0x80, $0x38;
	[tilespmem:$0x1FE80] =	vst v63  }
0x1cf: {  	s0 =	simm.s32 @p3 $0x7  }
0x1d0: {  	_ =	swait.ge @p3 [sflag:s0], $0x4000  }
0x1d1: {  	[sflag:s0] =	ssyncset.done @p3 $0x0  }
0x1d2: {  	[sflag:s0] =	ssyncadd.s32 @p3 $0xFFFFC000;
	s0 =	simm.s32 @p3 $0x1  }
0x1d3: {  	_ =	swait.ge @p3 [sflag:s0], $0x80  }
0x1d4: {  	[sflag:s0] =	ssyncset.done @p3 $0x0  }
0x1d5: {  	[sflag:s0] =	ssyncadd.s32 @p3 $0xFFFFFF80  }
0x1d6: {  	_ =	swait.ge @p3 [sflag:s0], $0x80  }
0x1d7: {  	[sflag:s0] =	ssyncset.done @p3 $0x0  }
0x1d8: {  	[sflag:s0] =	ssyncadd.s32 @p3 $0xFFFFFF80  }
0x1d9: {  	_ =	swait.ge @p3 [sflag:s0], $0x80  }
0x1da: {  	[sflag:s0] =	ssyncset.done @p3 $0x0  }
0x1db: {  	[sflag:s0] =	ssyncadd.s32 @p3 $0xFFFFFF80;
	s0 =	simm.s32 @p3 $0x600  }
0x1dc: {  	[tilespmem:s0], [sflag:$0x4] =	stream.indirect.gather @p3 [hbm4b:s1+s20], $0x80, s19, s20, $0xb8;
	[tilespmem:$0x1FE80] =	vst v63  }
0x1dd: {  	s0 =	simm.s32 @!p3 $0x7  }
0x1de: {  	_ =	swait.ge @!p3 [sflag:s0], $0x4000  }
0x1df: {  	[sflag:s0] =	ssyncset.done @!p3 $0x0  }
0x1e0: {  	[sflag:s0] =	ssyncadd.s32 @!p3 $0xFFFFC000  }
0x1e1: {  	_ =	swait.ge [sflag:s4], $0x4000  }
0x1e2: {  	[sflag:s4] =	ssyncset.done $0x0  }
0x1e3: {  	s29 =	simm.s32 $0x8700;
	[sflag:s4] =	ssyncadd.s32 $0xFFFFC000  }
0x1e4: {  	v3 =	vld [tilespmem:s29+$0xFFFFFFF0]  }
0x1e5: {  	v4 =	vld [tilespmem:s29+$0xF0]  }
0x1e6: {  	v2 =	vld [tilespmem:s29+$0xB0]  }
0x1e7: {  	v5 =	vld [tilespmem:s29+$0xFFFFFFC0]  }
0x1e8: {  	v6 =	vld [tilespmem:s29+$0x40]  }
0x1e9: {  	v7 =	vld [tilespmem:s29+$0xFFFFFF50]  }
0x1ea: {  	s19 =	simm.s32 $0x0;
	v8 =	vld [tilespmem:s29+$0xFFFFFFD0]  }
0x1eb: {  	s23 =	simm.s32 $0x3;
	s20 =	simm.s32 $0x1;
	v1 =	vmov s19;
	v9 =	vld [tilespmem:s29+$0x50]  }
0x1ec: {  	s28 =	simm.s32 $0x2;
	v11 =	vmov s23;
	v10 =	vmov s20;
	v1 =	vand.u32 $0xFFFFFFFC, v1;
	v12 =	vld [tilespmem:s29+$0xD0]  }
0x1ed: {  	v13 =	vbroadcast v1, $0x0;
	v1 =	vand.u32 $0xFFFFFFFD, v10;
	v10 =	vmov s28;
	v14 =	vld [tilespmem:s29+$0xFFFFFF60]  }
0x1ee: {  	v15 =	vbroadcast v1, $0x0;
	v1 =	vand.u32 $0xFFFFFFFE, v10;
	v10 =	vld [tilespmem:s29+$0xFFFFFFE0]  }
0x1ef: {  	v17 =	vld [tilespmem:s29+$0x60]  }
0x1f0: {  	v18 =	vld [tilespmem:s29+$0xE0]  }
0x1f1: {  	v19 =	vld [tilespmem:s29+$0xFFFFFF70]  }
0x1f2: {  	v16 =	vbroadcast v1, $0x0;
	v1 =	vld.idx.msk [tilespmem:v11+s17+$0x0], $0xffff  }
0x1f3: {  	v11 =	vld [tilespmem:s29+$0x70]  }
0x1f4: {  	v22 =	vld [tilespmem:s29+$0xA0]  }
0x1f5: {  	v23 =	vld [tilespmem:s29+$0xFFFFFF30]  }
0x1f6: {  	v60 =	vld [tilespmem:s29+$0xFFFFFFA0]  }
0x1f7: {  	v24 =	vld [tilespmem:s29+$0x10]  }
0x1f8: {  	v20 =	vld.idx.msk [tilespmem:v13+s17+$0x0], $0xffff;
	v12 =	vmul.f32 v12, v1  }
0x1f9: {  	v21 =	vld.idx.msk [tilespmem:v15+s17+$0x0], $0xffff;
	v18 =	vmul.f32 v18, v1  }
0x1fa: {  	v16 =	vld.idx.msk [tilespmem:v16+s17+$0x0], $0xffff;
	v2 =	vmul.f32 v2, v1;
	[tilespmem:s29+$0xD0] =	vst v12  }
0x1fb: {  	v25 =	vld [tilespmem:s29+$0xFFFFFF10];
	v4 =	vmul.f32 v4, v1;
	[tilespmem:s29+$0xE0] =	vst v18  }
0x1fc: {  	v61 =	vld [tilespmem:s29+$0xFFFFFF80];
	v22 =	vmul.f32 v22, v1;
	[tilespmem:s29+$0xB0] =	vst v2  }
0x1fd: {  	v62 =	vld [tilespmem:s29+$0xFFFFFF00];
	v7 =	vmul.f32 v7, v20;
	[tilespmem:s29+$0xF0] =	vst v4  }
0x1fe: {  	v63 =	vld [tilespmem:s29+$0xFFFFFF40];
	v12 =	vmul.f32 v14, v20;
	[tilespmem:s29+$0xA0] =	vst v22  }
0x1ff: {  	v13 =	vld [tilespmem:s29+$0x30];
	v5 =	vmul.f32 v5, v21;
	[tilespmem:s29+$0xFFFFFF50] =	vst v7  }
0x200: {  	v15 =	vld [tilespmem:s29+$0xFFFFFFB0];
	v10 =	vmul.f32 v10, v21;
	[tilespmem:s29+$0xFFFFFF60] =	vst v12  }
0x201: {  	v14 =	vld [tilespmem:s29+$0x20];
	v26 =	vmul.f32 v3, v21;
	v7 =	vmul.f32 v8, v21;
	[tilespmem:s29+$0xFFFFFFC0] =	vst v5  }
0x202: {  	v3 =	vmul.f32 v19, v20;
	v8 =	vld [tilespmem:s29+$0xFFFFFF20];
	v11 =	vmul.f32 v11, v16;
	[tilespmem:s29+$0xFFFFFFE0] =	vst v10  }
0x203: {  	v4 =	vmul.f32 v61, v21;
	v12 =	vld [tilespmem:s29+$0x90];
	v5 =	vmul.f32 v6, v16;
	[tilespmem:s29+$0xFFFFFFD0] =	vst v7  }
0x204: {  	v2 =	vmul.f32 v17, v16;
	v17 =	vld [tilespmem:s29+$0x80];
	v6 =	vmul.f32 v13, v16;
	[tilespmem:s29+$0x70] =	vst v11  }
0x205: {  	v13 =	vld [tilespmem:s29+$0xFFFFFF90];
	v7 =	vmul.f32 v9, v16;
	v9 =	vmul.f32 v15, v21;
	[tilespmem:s29+$0x40] =	vst v5  }
0x206: {  	v11 =	vmul.f32 v24, v16;
	[tilespmem:s29+$0x30] =	vst v6;
	v6 =	vmul.f32 v14, v16;
	v14 =	vld [tilespmem:s29+$0x0]  }
0x207: {  	v5 =	vmul.f32 v23, v20;
	[tilespmem:s29+$0x50] =	vst v7;
	v7 =	vmul.f32 v60, v21  }
0x208: {  	v15 =	vld [tilespmem:s29+$0xC0];
	[tilespmem:s29+$0xFFFFFFB0] =	vst v9;
	v8 =	vmul.f32 v8, v20;
	v9 =	vmul.f32 v12, v1  }
0x209: {  	v10 =	vmul.f32 v17, v1;
	[tilespmem:s29+$0xFFFFFF30] =	vst v5;
	v5 =	vmul.f32 v62, v20  }
0x20a: {  	[tilespmem:s29+$0xFFFFFF70] =	vst v3;
	v12 =	vmul.f32 v13, v21;
	v13 =	vmul.f32 v25, v20  }
0x20b: {  	s20 =	simm.s32 $0x4;
	s0 =	simm.s32 $0x8900;
	[tilespmem:s29+$0xFFFFFFF0] =	vst v26;
	v3 =	vmul.f32 v14, v16;
	v14 =	vmul.f32 v63, v20  }
.LBB2_9:
0x20c: {  	s19 =	sadd.s32 $0x1, s20  }
0x20d: {  	v16 =	vmov s20;
	s23 =	sadd.s32 $0x3, s20;
	v17 =	vld [tilespmem:s0+$0xFFFFFFF0];
	[tilespmem:s29+$0x20] =	vst v6;
	v1 =	vmul.f32 v15, v1;
	s28 =	smov.u32 s20;
	s6 =	sadd.s32 $0x4, s20  }
0x20e: {  	p3 =	sne.s32 s20, $0x7C;
	v6 =	vand.u32 $0xFFFFFFFC, v16;
	v15 =	vmov s19;
	s19 =	sadd.s32 $0x2, s28;
	v16 =	vmov s23;
	v18 =	vld [tilespmem:s0+$0xF0];
	[tilespmem:s29+$0xFFFFFFA0] =	vst v7  }
0x20f: {  	v6 =	vbroadcast v6, $0x0;
	v7 =	vand.u32 $0xFFFFFFFD, v15;
	v15 =	vmov s19;
	v19 =	vld [tilespmem:s0+$0xB0];
	[tilespmem:s29+$0xFFFFFF20] =	vst v8  }
0x210: {  	v7 =	vbroadcast v7, $0x0;
	v8 =	vand.u32 $0xFFFFFFFE, v15;
	v15 =	vld [tilespmem:s0+$0xFFFFFFC0];
	[tilespmem:s29+$0x90] =	vst v9  }
0x211: {  	v8 =	vbroadcast v8, $0x0;
	v9 =	vld [tilespmem:s0+$0x40];
	[tilespmem:s29+$0x10] =	vst v11  }
0x212: {  	v11 =	vld [tilespmem:s0+$0xFFFFFF50];
	[tilespmem:s29+$0xFFFFFF90] =	vst v12  }
0x213: {  	v12 =	vld [tilespmem:s0+$0xFFFFFFD0];
	[tilespmem:s29+$0xFFFFFF10] =	vst v13  }
0x214: {  	v13 =	vld [tilespmem:s0+$0x50];
	[tilespmem:s29+$0xFFFFFF40] =	vst v14  }
0x215: {  	v14 =	vld [tilespmem:s0+$0xD0];
	[tilespmem:s29+$0x80] =	vst v10  }
0x216: {  	v10 =	vld [tilespmem:s0+$0xFFFFFF60];
	[tilespmem:s29+$0x60] =	vst v2  }
0x217: {  	v20 =	vld [tilespmem:s0+$0xFFFFFFE0];
	[tilespmem:s29+$0xC0] =	vst v1  }
0x218: {  	v2 =	vld [tilespmem:s0+$0x60];
	[tilespmem:s29+$0x0] =	vst v3  }
0x219: {  	v3 =	vld [tilespmem:s0+$0xE0];
	[tilespmem:s29+$0xFFFFFF80] =	vst v4  }
0x21a: {  	v4 =	vld [tilespmem:s0+$0xFFFFFF70];
	[tilespmem:s29+$0xFFFFFF00] =	vst v5;
	s29 =	smov.u32 s0  }
0x21b: {  	v1 =	vld.idx.msk [tilespmem:v16+s17+$0x0], $0xffff  }
0x21c: {  	v16 =	vld.idx.msk [tilespmem:v6+s17+$0x0], $0xffff  }
0x21d: {  	v5 =	vld.idx.msk [tilespmem:v7+s17+$0x0], $0xffff  }
0x21e: {  	v21 =	vld.idx.msk [tilespmem:v8+s17+$0x0], $0xffff  }
0x21f: {  	v6 =	vld [tilespmem:s0+$0x70]  }
0x220: {  	v7 =	vld [tilespmem:s0+$0x30]  }
0x221: {  	v14 =	vmul.f32 v14, v1;
	v3 =	vmul.f32 v3, v1;
	v8 =	vld [tilespmem:s0+$0xFFFFFFB0]  }
0x222: {  	v11 =	vmul.f32 v11, v16;
	v10 =	vmul.f32 v10, v16;
	v22 =	vld [tilespmem:s0+$0xFFFFFF30]  }
0x223: {  	v15 =	vmul.f32 v15, v5;
	v12 =	vmul.f32 v12, v5;
	v23 =	vld [tilespmem:s0+$0xA0];
	[tilespmem:s0+$0xD0] =	vst v14  }
0x224: {  	v19 =	vmul.f32 v19, v1;
	v9 =	vmul.f32 v9, v21;
	v14 =	vld [tilespmem:s0+$0x20];
	[tilespmem:s0+$0xE0] =	vst v3  }
0x225: {  	v3 =	vld [tilespmem:s0+$0xFFFFFFA0];
	v24 =	vmul.f32 v7, v21;
	[tilespmem:s0+$0xFFFFFF50] =	vst v11;
	v11 =	vmul.f32 v13, v21  }
0x226: {  	v2 =	vmul.f32 v2, v21;
	v13 =	vld [tilespmem:s0+$0xFFFFFF20];
	v25 =	vmul.f32 v8, v5;
	[tilespmem:s0+$0xFFFFFF60] =	vst v10  }
0x227: {  	v10 =	vld [tilespmem:s0+$0x90];
	v22 =	vmul.f32 v22, v16;
	[tilespmem:s0+$0xFFFFFFC0] =	vst v15;
	v15 =	vmul.f32 v6, v21  }
0x228: {  	v20 =	vmul.f32 v20, v5;
	v26 =	vld [tilespmem:s0+$0x10];
	v23 =	vmul.f32 v23, v1;
	[tilespmem:s0+$0xFFFFFFD0] =	vst v12  }
0x229: {  	v12 =	vld [tilespmem:s0+$0xFFFFFF90];
	v6 =	vmul.f32 v14, v21;
	[tilespmem:s0+$0xB0] =	vst v19;
	v14 =	vmul.f32 v17, v5  }
0x22a: {  	v17 =	vld [tilespmem:s0+$0xFFFFFF10];
	v7 =	vmul.f32 v3, v5;
	[tilespmem:s0+$0x40] =	vst v9;
	v3 =	vmul.f32 v4, v16  }
0x22b: {  	v18 =	vmul.f32 v18, v1;
	v4 =	vld [tilespmem:s0+$0x80];
	v8 =	vmul.f32 v13, v16;
	[tilespmem:s0+$0x30] =	vst v24  }
0x22c: {  	v19 =	vld [tilespmem:s0+$0x0];
	v9 =	vmul.f32 v10, v1;
	[tilespmem:s0+$0x50] =	vst v11  }
0x22d: {  	v24 =	vld [tilespmem:s0+$0xFFFFFF80];
	v11 =	vmul.f32 v26, v21;
	[tilespmem:s0+$0xFFFFFFB0] =	vst v25  }
0x22e: {  	v25 =	vld [tilespmem:s0+$0xFFFFFF00];
	v12 =	vmul.f32 v12, v5;
	[tilespmem:s0+$0x70] =	vst v15  }
0x22f: {  	v13 =	vmul.f32 v17, v16;
	v17 =	vld [tilespmem:s0+$0xFFFFFF40];
	[tilespmem:s0+$0xFFFFFFE0] =	vst v20  }
.Ltmp5:
0x230: {  	v10 =	vmul.f32 v4, v1;
	v15 =	vld [tilespmem:s0+$0xC0];
	[tilespmem:s0+$0xFFFFFF70] =	vst v3;
	(pc) =	sbr.rel @p3 .LBB2_9-.Ltmp5, $4  }
0x231: {  	v3 =	vmul.f32 v19, v21;
	[tilespmem:s0+$0xF0] =	vst v18  }
0x232: {  	v4 =	vmul.f32 v24, v5;
	[tilespmem:s0+$0xFFFFFF30] =	vst v22  }
0x233: {  	v5 =	vmul.f32 v25, v16;
	[tilespmem:s0+$0xFFFFFFF0] =	vst v14  }
0x234: {  	s20 =	smov.u32 s6;
	s0 =	sadd.s32 $0x200, s0;
	[tilespmem:s29+$0xA0] =	vst v23;
	v14 =	vmul.f32 v17, v16  }
0x235: {  	[tilespmem:s29+$0x20] =	vst v6  }
0x236: {  	[tilespmem:s29+$0xFFFFFFA0] =	vst v7  }
0x237: {  	[tilespmem:s29+$0xFFFFFF20] =	vst v8  }
0x238: {  	[tilespmem:s29+$0x90] =	vst v9  }
0x239: {  	[tilespmem:s29+$0x10] =	vst v11  }
0x23a: {  	[tilespmem:s29+$0xFFFFFF90] =	vst v12  }
0x23b: {  	[tilespmem:s29+$0xFFFFFF10] =	vst v13  }
0x23c: {  	[tilespmem:s29+$0x80] =	vst v10  }
0x23d: {  	[tilespmem:s29+$0x60] =	vst v2  }
0x23e: {  	[tilespmem:s29+$0x0] =	vst v3  }
0x23f: {  	[tilespmem:s29+$0xFFFFFF80] =	vst v4  }
0x240: {  	v1 =	vmul.f32 v15, v1;
	[tilespmem:s29+$0xFFFFFF00] =	vst v5  }
0x241: {  	[tilespmem:s29+$0xFFFFFF40] =	vst v14  }
0x242: {  	[tilespmem:s29+$0xC0] =	vst v1  }
0x243: {  	v1 =	vld [tilespmem:$0x280]  }
0x244: {  	v2 =	vld [tilespmem:$0x290]  }
0x245: {  	v3 =	vld [tilespmem:$0x2A0]  }
0x246: {  	v4 =	vld [tilespmem:$0x2B0]  }
0x247: {  	v5 =	vld [tilespmem:$0x2C0]  }
0x248: {  	[tilespmem:$0x580] =	vst v1;
	v1 =	vld [tilespmem:$0x2D0]  }
0x249: {  	[tilespmem:$0x590] =	vst v2;
	v2 =	vld [tilespmem:$0x2E0]  }
0x24a: {  	[tilespmem:$0x5A0] =	vst v3;
	v3 =	vld [tilespmem:$0x2F0]  }
0x24b: {  	[tilespmem:$0x5B0] =	vst v4  }
.Ltmp6:
0x24c: {  	[tilespmem:$0x5C0] =	vst v5;
	(pc) =	sbr.rel @p2 .LBB2_12-.Ltmp6, $4  }
0x24d: {  	[tilespmem:$0x5D0] =	vst v1  }
0x24e: {  	[tilespmem:$0x5E0] =	vst v2  }
0x24f: {  	s0 =	simm.s32 $0x580;
	[tilespmem:$0x5F0] =	vst v3  }
0x250: {  	[spmem:s3] =	stream.indirect.scatter.add.f32 [tilespmem:s18], [sflag:$0x9], $0x80, s0, s11, $0xb8;
	[tilespmem:$0x1FE80] =	vst v63  }
0x251: {  	s0 =	rddreg [dreg:$0x16]  }
0x252: {  	s0 =	sadd.s32 s16, s0  }
0x253: {  	s0 =	sshll.u32 s0, $0x4  }
0x254: {  	s0 =	sand.u32 $0x1FFFFFF0, s0  }
0x255: {  	s6 =	sadd.s32 s2, s0  }
0x256: {  	[tilespmem:s13], [sflag:$0x3] =	stream.linear.gather [hbm4b:s6+s5], $0x80, $0x38;
	[tilespmem:$0x1FE80] =	vst v63  }
0x257: {  	s29 =	simm.s32 $0x280;
	s28 =	sadd.s32 s14, s0  }
0x258: {  	[tilespmem:s29], [sflag:$0x3] =	stream.linear.gather [hbm4b:s28+s5], $0x80, $0x38;
	[tilespmem:$0x1FE80] =	vst v63  }
0x259: {  	s0 =	sadd.s32 s15, s0  }
0x25a: {  	[tilespmem:s17], [sflag:$0x3] =	stream.linear.gather [hbm4b:s0+s5], $0x80, $0x38;
	[tilespmem:$0x1FE80] =	vst v63  }
0x25b: {  	_ =	swait.ge [sflag:s7], $0x4000  }
0x25c: {  	[sflag:s7] =	ssyncset.done $0x0  }
0x25d: {  	[sflag:s7] =	ssyncadd.s32 $0xFFFFC000  }
0x25e: {  	_ =	swait.ge [sflag:s21], $0x80  }
0x25f: {  	[sflag:s21] =	ssyncset.done $0x0  }
0x260: {  	[sflag:s21] =	ssyncadd.s32 $0xFFFFFF80  }
0x261: {  	_ =	swait.ge [sflag:s21], $0x80  }
0x262: {  	[sflag:s21] =	ssyncset.done $0x0  }
.Ltmp7:
0x263: {  	[sflag:s21] =	ssyncadd.s32 $0xFFFFFF80;
	(pc) =	sbr.rel .LBB2_4-.Ltmp7, $4  }
0x264: {  	_ =	swait.ge [sflag:s21], $0x80  }
0x265: {  	[sflag:s21] =	ssyncset.done $0x0  }
0x266: {  	s9 =	sadd.s32 $0x1, s9;
	[sflag:s21] =	ssyncadd.s32 $0xFFFFFF80  }
0x267: {  	[tilespmem:s22], [sflag:$0x5] =	stream.indirect.gather [hbm4b:s1+s11], $0x80, s11, s11, $0xb8;
	[tilespmem:$0x1FE80] =	vst v63  }
.LBB2_13:
0x268: {  	_ =	sfence.sel $0x180000  }
0x269: {  	[bflag:$0x0] =	sbarrier.arrive $0xFFFF  }
0x26a: {  	_ =	strace $0x90000047  }
0x26b: {  	s0 =	stileid.u32;
	[bflag:$0x2] =	sbarrier.arrive $0xFFFF  }
0x26c: {  	p0 =	sne.s32 s0, $0x0;
	s0 =	rddreg [dreg:$0x4]  }
0x26d: {  	s0 =	sadd.s32 @!p0 $0x100000, s0  }
0x26e: {  	[sflag:s0] =	ssyncadd.tile.s32 @!p0 $0x1;
	_ =	shalt  }
.Lfunc_end2:
_tile_overlayer_lowered:
.L_overlay_start_2:
0x26f: {  	(tag) =	ssettag $0x2  }
0x270: {  	s0 =	rddreg [dreg:$0x0];
	s2 =	stileid.u32  }
0x271: {  	s1 =	rddreg [dreg:$0x1];
	p0 =	sne.s32 s2, $0x0  }
0x272: {  	s3 =	rddreg [dreg:$0x2];
	[bflag:$0x3] =	sbarrier.arrive $0xFFFF;
	s2 =	simm.s32 @!p0 $0x1C0B  }
0x273: {  	[timem:s3], [sflag:s2] =	dma.local @!p0 [hbm:s0], s1  }
0x274: {  	s0 =	simm.s32 @!p0 $0xB  }
0x275: {  	_ =	swait.ge @!p0 [sflag:s0], s1  }
0x276: {  	s1 =	ssub.s32 @!p0 $0x0, s1;
	[sflag:s0] =	ssyncset.done @!p0 $0x0  }
0x277: {  	[sflag:s0] =	ssyncadd.s32 @!p0 s1  }
0x278: {  	[bflag:$0x3] =	sbarrier.arrive $0xFFFF  }
0x279: {  	_ =	shalt  }

</sc_bundles>
